<compile_context>
chip_gen: v7x
topology: tpu7x:2x2x1
jax: 0.10.2.dev20260603
libtpu: 0.0.44.dev20260713+nightly
codegen_flags: <defaults>
</compile_context>

<pallas_src>
import dataclasses
import functools

import jax
import jax.numpy as jnp
from jax import lax
from jax.experimental import pallas as pl
from jax.experimental.pallas import tpu as pltpu
from jax.experimental.pallas import tpu_sc as plsc

N_NODES = 10000
N_EDGES = 320000
FDIM = 128
LANES = 16
NUM_SUBCORES = 16
CHUNK = 128
NUM_CHUNKS = N_EDGES // CHUNK
G = 8
NUM_BLOCKS = NUM_CHUNKS // G
BLOCKS_PER_SUB = -(-NUM_BLOCKS // NUM_SUBCORES)
TAIL_ROW0 = NUM_BLOCKS * G
TAIL_CHUNKS = NUM_CHUNKS - TAIL_ROW0
ACC_ROWS = N_NODES + 8
HIST_N = N_NODES + LANES
ROW_TILE = 40
NUM_ROW_TILES = N_NODES // ROW_TILE
ROW_TILES_PER_SUB = -(-NUM_ROW_TILES // NUM_SUBCORES)


def _matmul_bias(feat, w_t, b_row):
    def mm_body(x_ref, w_ref, b_ref, o_ref):
        o_ref[...] = (
            jnp.dot(x_ref[...], w_ref[...], preferred_element_type=jnp.float32)
            + b_ref[...]
        )

    n = feat.shape[0]
    blk = 1000
    return pl.pallas_call(
        mm_body,
        grid=(n // blk,),
        in_specs=[
            pl.BlockSpec((blk, FDIM), lambda i: (i, 0)),
            pl.BlockSpec((FDIM, FDIM), lambda i: (0, 0)),
            pl.BlockSpec((1, FDIM), lambda i: (0, 0)),
        ],
        out_specs=pl.BlockSpec((blk, FDIM), lambda i: (i, 0)),
        out_shape=jax.ShapeDtypeStruct((n, FDIM), jnp.float32),
    )(feat, w_t, b_row)


def _mean_divide(summed, cnt4d):
    blk = 1000

    def div_body(s_ref, c_ref, o_ref):
        cnt = jnp.sum(c_ref[...].reshape(NUM_SUBCORES, blk), axis=0)
        o_ref[...] = s_ref[...] / jnp.maximum(cnt, 1.0)[:, None]

    return pl.pallas_call(
        div_body,
        grid=(N_NODES // blk,),
        in_specs=[
            pl.BlockSpec((blk, FDIM), lambda i: (i, 0)),
            pl.BlockSpec((NUM_SUBCORES, 1, 1, blk), lambda i: (0, i, 0, 0)),
        ],
        out_specs=pl.BlockSpec((blk, FDIM), lambda i: (i, 0)),
        out_shape=jax.ShapeDtypeStruct((N_NODES, FDIM), jnp.float32),
    )(summed, cnt4d)


def _sc_sum_agg(wh_clicks, srcA2, dstA2, wh_cb, srcB2, dstB2):
    mesh = plsc.VectorSubcoreMesh(core_axis_name="c", subcore_axis_name="s")
    f32 = jnp.float32
    cp = pltpu.CompilerParams()
    if "needs_layout_passes" in pltpu.CompilerParams.__dataclass_fields__:
        cp = dataclasses.replace(cp, needs_layout_passes=False)

    @functools.partial(
        pl.kernel,
        mesh=mesh,
        compiler_params=cp,
        out_type=(
            jax.ShapeDtypeStruct((N_NODES, FDIM), f32),
            jax.ShapeDtypeStruct((N_NODES, FDIM), f32),
            jax.ShapeDtypeStruct((NUM_SUBCORES * N_NODES,), f32),
            jax.ShapeDtypeStruct((NUM_SUBCORES * N_NODES,), f32),
        ),
        scratch_types=[
            pltpu.VMEM_SHARED((ACC_ROWS, FDIM), f32),
            pltpu.VMEM((G, CHUNK), jnp.int32),
            pltpu.VMEM((G, CHUNK), jnp.int32),
            pltpu.VMEM((CHUNK, FDIM), f32),
            pltpu.VMEM((CHUNK, FDIM), f32),
            pltpu.VMEM((HIST_N,), f32),
            pltpu.VMEM((ROW_TILE, FDIM), f32),
            pltpu.SemaphoreType.DMA,
            pltpu.SemaphoreType.DMA,
        ],
    )
    def agg(whA, sA2, dA2, whB, sB2, dB2,
            sum_user, sum_item, hists_user, hists_item,
            acc, sidx2, didx2, rows0, rows1, hist, stage,
            sem_g, sem_s):
        c = lax.axis_index("c")
        s = lax.axis_index("s")
        bufs = [rows0, rows1]

        @pl.loop(0, ROW_TILE)
        def _(r):
            for j in range(FDIM // LANES):
                stage[r, pl.ds(j * LANES, LANES)] = jnp.zeros((LANES,), f32)

        @pl.loop(0, HIST_N // LANES)
        def _(i):
            hist[pl.ds(i * LANES, LANES)] = jnp.zeros((LANES,), f32)

        @pl.loop(0, ROW_TILES_PER_SUB)
        def _(i):
            tid = s + NUM_SUBCORES * i

            @pl.when(tid < NUM_ROW_TILES)
            def _():
                pltpu.sync_copy(stage, acc.at[pl.ds(tid * ROW_TILE, ROW_TILE)])

        @pl.when(s == 0)
        def _():
            pltpu.sync_copy(stage.at[pl.ds(0, 8)],
                            acc.at[pl.ds(N_NODES, 8)])

        plsc.subcore_barrier()

        def hist_update(idx_ref_2d, g):
            for j in range(CHUNK // LANES):
                dvec = idx_ref_2d[g, pl.ds(j * LANES, LANES)]
                plsc.addupdate_scatter(hist, [dvec], jnp.ones((LANES,), f32))

        def accumulate(wh, src2, dst2):
            @pl.loop(0, BLOCKS_PER_SUB)
            def _(i):
                b = s + NUM_SUBCORES * i

                @pl.when(b < NUM_BLOCKS)
                def _():
                    row0 = b * G
                    pltpu.sync_copy(src2.at[pl.ds(row0, G)], sidx2)
                    pltpu.sync_copy(dst2.at[pl.ds(row0, G)], didx2)
                    gh = [None] * G
                    sh = [None] * G
                    gh[0] = pltpu.async_copy(wh.at[sidx2.at[0]], rows0, sem_g)
                    for g in range(G):
                        gh[g].wait()
                        sh[g] = pltpu.async_copy(
                            bufs[g % 2], acc.at[didx2.at[g]], sem_s, add=True)
                        if g < G - 1:
                            if g >= 1:
                                sh[g - 1].wait()
                            gh[g + 1] = pltpu.async_copy(
                                wh.at[sidx2.at[g + 1]], bufs[(g + 1) % 2],
                                sem_g)
                        hist_update(didx2, g)
                    sh[G - 2].wait()
                    sh[G - 1].wait()

            @pl.when(s < TAIL_CHUNKS)
            def _():
                pltpu.sync_copy(src2.at[pl.ds(TAIL_ROW0, TAIL_CHUNKS)],
                                sidx2.at[pl.ds(0, TAIL_CHUNKS)])
                pltpu.sync_copy(dst2.at[pl.ds(TAIL_ROW0, TAIL_CHUNKS)],
                                didx2.at[pl.ds(0, TAIL_CHUNKS)])
                pltpu.async_copy(wh.at[sidx2.at[s]], rows0, sem_g).wait()
                pltpu.sync_copy(rows0, acc.at[didx2.at[s]], add=True)
                hist_update(didx2, s)

        @pl.when(c == 0)
        def _():
            accumulate(whA, sA2, dA2)

        @pl.when(c == 1)
        def _():
            accumulate(whB, sB2, dB2)

        plsc.subcore_barrier()

        def readout(sum_out, hists_out):
            @pl.loop(0, ROW_TILES_PER_SUB)
            def _(i):
                tid = s + NUM_SUBCORES * i

                @pl.when(tid < NUM_ROW_TILES)
                def _():
                    base = tid * ROW_TILE
                    pltpu.sync_copy(acc.at[pl.ds(base, ROW_TILE)],
                                    sum_out.at[pl.ds(base, ROW_TILE)])

            pltpu.sync_copy(hist.at[pl.ds(0, N_NODES)],
                            hists_out.at[pl.ds(s * N_NODES, N_NODES)])

        @pl.when(c == 0)
        def _():
            readout(sum_item, hists_item)

        @pl.when(c == 1)
        def _():
            readout(sum_user, hists_user)

    return agg(wh_clicks, srcA2, dstA2, wh_cb, srcB2, dstB2)


def kernel(feat_user, feat_item, edge_index_clicks, edge_index_clicked_by,
           W_clicks, b_clicks, W_clicked_by, b_clicked_by):
    wh_user = _matmul_bias(feat_user, W_clicks.T, b_clicks[None, :])
    wh_item = _matmul_bias(feat_item, W_clicked_by.T, b_clicked_by[None, :])

    src_clicks = edge_index_clicks[0].astype(jnp.int32)
    dst_clicks = edge_index_clicks[1].astype(jnp.int32)
    src_cb = edge_index_clicked_by[0].astype(jnp.int32)
    dst_cb = edge_index_clicked_by[1].astype(jnp.int32)

    sum_user, sum_item, hists_user, hists_item = _sc_sum_agg(
        wh_user,
        src_clicks.reshape(NUM_CHUNKS, CHUNK),
        dst_clicks.reshape(NUM_CHUNKS, CHUNK),
        wh_item,
        src_cb.reshape(NUM_CHUNKS, CHUNK),
        dst_cb.reshape(NUM_CHUNKS, CHUNK))

    h_user = _mean_divide(
        sum_user, hists_user.reshape(NUM_SUBCORES, N_NODES // 1000, 1, 1000))
    h_item = _mean_divide(
        sum_item, hists_item.reshape(NUM_SUBCORES, N_NODES // 1000, 1, 1000))
    return (h_user, h_item)

# --- scband reference (transcript-rebuilt; emitter-appended) ---
"""Pipeline reference for scband-hetero-rgcnlayer-28209345200161 (READ-ONLY COPY).

The authoritative reference and input builder live on the scoring server;
editing this copy changes nothing except your own understanding.
"""

import jax, jax.numpy as jnp
import numpy as np

N_USER = 10000
N_ITEM = 10000
E = 320000
IN_SIZE = 128
OUT_SIZE = 128


def setup_inputs(seed: int = 0) -> dict:
    key = jax.random.key(seed)
    ks = jax.random.split(key, 8)
    feat_user = jax.random.normal(ks[0], (N_USER, IN_SIZE), dtype=jnp.float32)
    feat_item = jax.random.normal(ks[1], (N_ITEM, IN_SIZE), dtype=jnp.float32)
    edge_index_clicks = jax.random.randint(ks[2], (2, E), 0, N_USER, dtype=jnp.int64)
    edge_index_clicked_by = jax.random.randint(ks[3], (2, E), 0, N_ITEM, dtype=jnp.int64)
    # nn.Linear params per etype: W [out, in], b [out]
    W_clicks = jax.random.normal(ks[4], (OUT_SIZE, IN_SIZE), dtype=jnp.float32) / np.sqrt(IN_SIZE)
    b_clicks = jax.random.normal(ks[5], (OUT_SIZE,), dtype=jnp.float32) * 0.01
    W_clicked_by = jax.random.normal(ks[6], (OUT_SIZE, IN_SIZE), dtype=jnp.float32) / np.sqrt(IN_SIZE)
    b_clicked_by = jax.random.normal(ks[7], (OUT_SIZE,), dtype=jnp.float32) * 0.01
    return {
        "feat_user": feat_user,
        "feat_item": feat_item,
        "edge_index_clicks": edge_index_clicks,
        "edge_index_clicked_by": edge_index_clicked_by,
        "W_clicks": W_clicks,
        "b_clicks": b_clicks,
        "W_clicked_by": W_clicked_by,
        "b_clicked_by": b_clicked_by,
    }


def _mean_agg(Wh_src, src, dst, n_dst):
    # DGL copy_u + mean: gather messages from src, segment-mean by dst.
    # Zero in-degree nodes get 0 (DGL semantics).
    msgs = Wh_src[src]
    summed = jax.ops.segment_sum(msgs, dst, num_segments=n_dst)
    cnt = jax.ops.segment_sum(jnp.ones((src.shape[0],), jnp.float32), dst, num_segments=n_dst)
    return summed / jnp.maximum(cnt, 1.0)[:, None]


def reference(feat_user, feat_item, edge_index_clicks, edge_index_clicked_by,
              W_clicks, b_clicks, W_clicked_by, b_clicked_by):
    # etype 'clicks': user -> item
    Wh_user = feat_user @ W_clicks.T + b_clicks
    h_item = _mean_agg(Wh_user, edge_index_clicks[0], edge_index_clicks[1], N_ITEM)
    # etype 'clicked_by': item -> user
    Wh_item = feat_item @ W_clicked_by.T + b_clicked_by
    h_user = _mean_agg(Wh_item, edge_index_clicked_by[0], edge_index_clicked_by[1], N_USER)
    # multi_update_all cross-reducer 'sum': each ntype receives from exactly one etype here
    return (h_user, h_item)

if __name__ == "__main__":
    import jax
    _d = setup_inputs()
    print(jax.jit(kernel)(*tuple(_d.values())))

</pallas_src>

<mosaic_0001>
#map = affine_map<(d0, d1) -> (0, 0)>
#map1 = affine_map<(d0, d1) -> (0)>
module attributes {stable_mosaic.version = 14 : i64} {
  func.func @agg(%arg0: i32, %arg1: i32, %arg2: memref<10000x128xf32, #tpu.memory_space<hbm>>, %arg3: memref<2500x128xi32, #tpu.memory_space<hbm>>, %arg4: memref<2500x128xi32, #tpu.memory_space<hbm>>, %arg5: memref<10000x128xf32, #tpu.memory_space<hbm>>, %arg6: memref<2500x128xi32, #tpu.memory_space<hbm>>, %arg7: memref<2500x128xi32, #tpu.memory_space<hbm>>, %arg8: memref<10000x128xf32, #tpu.memory_space<hbm>>, %arg9: memref<10000x128xf32, #tpu.memory_space<hbm>>, %arg10: memref<160000xf32, #tpu.memory_space<hbm>>, %arg11: memref<160000xf32, #tpu.memory_space<hbm>>, %arg12: memref<10008x128xf32, #tpu.memory_space<vmem_shared>>, %arg13: memref<8x128xi32, #tpu.memory_space<vmem>>, %arg14: memref<8x128xi32, #tpu.memory_space<vmem>>, %arg15: memref<128x128xf32, #tpu.memory_space<vmem>>, %arg16: memref<128x128xf32, #tpu.memory_space<vmem>>, %arg17: memref<10016xf32, #tpu.memory_space<vmem>>, %arg18: memref<40x128xf32, #tpu.memory_space<vmem>>, %arg19: memref<!tpu.dma_semaphore, #tpu.memory_space<semaphore_mem>>, %arg20: memref<!tpu.dma_semaphore, #tpu.memory_space<semaphore_mem>>) attributes {dimension_semantics = [#tpu.dimension_semantics<core_parallel>, #tpu.dimension_semantics<subcore_parallel>], iteration_bounds = array<i64: 2, 16>, scalar_prefetch = 0 : i64, scratch_operands = 9 : i64, tpu.core_type = #tpu.core_type<sc_vector_subcore>, window_params = [{transform_indices = #map}, {transform_indices = #map}, {transform_indices = #map}, {transform_indices = #map}, {transform_indices = #map}, {transform_indices = #map}, {transform_indices = #map}, {transform_indices = #map}, {transform_indices = #map1}, {transform_indices = #map1}]} {
    %scan3A = arith.constant 0 : i32
    %scan3A_0 = arith.constant 40 : i32
    %scan3A_1 = arith.addi %scan3A, %scan3A_0 : i32
    %scan3A_2 = arith.constant 1 : i32
    scf.for %scan3A_37 = %scan3A to %scan3A_1 step %scan3A_2  : i32 {
      %mul3A = arith.constant 1 : i32
      %mul3A_38 = arith.muli %scan3A_37, %mul3A : i32
      %add3A = arith.constant 0 : i32
      %add3A_39 = arith.addi %add3A, %mul3A_38 : i32
      %broadcast_in_dim3A = arith.constant 0.000000e+00 : f32
      %broadcast_in_dim3A_40 = vector.broadcast %broadcast_in_dim3A : f32 to vector<16xf32>
      %swap3A = arith.index_cast %add3A_39 : i32 to index
      %swap3A_41 = arith.constant 0 : index
      %swap3A_42 = tpu.vector_load %arg18[%swap3A, %swap3A_41] {strides = array<i32>} : memref<40x128xf32, #tpu.memory_space<vmem>>, vector<16xf32>,
      tpu.vector_store %arg18[%swap3A, %swap3A_41], %broadcast_in_dim3A_40 {strides = array<i32>} : memref<40x128xf32, #tpu.memory_space<vmem>>, vector<16xf32>,
      %broadcast_in_dim3A_43 = arith.constant 0.000000e+00 : f32
      %broadcast_in_dim3A_44 = vector.broadcast %broadcast_in_dim3A_43 : f32 to vector<16xf32>
      %swap3A_45 = arith.index_cast %add3A_39 : i32 to index
      %swap3A_46 = arith.constant 16 : index
      %swap3A_47 = tpu.vector_load %arg18[%swap3A_45, %swap3A_46] {strides = array<i32>} : memref<40x128xf32, #tpu.memory_space<vmem>>, vector<16xf32>,
      tpu.vector_store %arg18[%swap3A_45, %swap3A_46], %broadcast_in_dim3A_44 {strides = array<i32>} : memref<40x128xf32, #tpu.memory_space<vmem>>, vector<16xf32>,
      %broadcast_in_dim3A_48 = arith.constant 0.000000e+00 : f32
      %broadcast_in_dim3A_49 = vector.broadcast %broadcast_in_dim3A_48 : f32 to vector<16xf32>
      %swap3A_50 = arith.index_cast %add3A_39 : i32 to index
      %swap3A_51 = arith.constant 32 : index
      %swap3A_52 = tpu.vector_load %arg18[%swap3A_50, %swap3A_51] {strides = array<i32>} : memref<40x128xf32, #tpu.memory_space<vmem>>, vector<16xf32>,
      tpu.vector_store %arg18[%swap3A_50, %swap3A_51], %broadcast_in_dim3A_49 {strides = array<i32>} : memref<40x128xf32, #tpu.memory_space<vmem>>, vector<16xf32>,
      %broadcast_in_dim3A_53 = arith.constant 0.000000e+00 : f32
      %broadcast_in_dim3A_54 = vector.broadcast %broadcast_in_dim3A_53 : f32 to vector<16xf32>
      %swap3A_55 = arith.index_cast %add3A_39 : i32 to index
      %swap3A_56 = arith.constant 48 : index
      %swap3A_57 = tpu.vector_load %arg18[%swap3A_55, %swap3A_56] {strides = array<i32>} : memref<40x128xf32, #tpu.memory_space<vmem>>, vector<16xf32>,
      tpu.vector_store %arg18[%swap3A_55, %swap3A_56], %broadcast_in_dim3A_54 {strides = array<i32>} : memref<40x128xf32, #tpu.memory_space<vmem>>, vector<16xf32>,
      %broadcast_in_dim3A_58 = arith.constant 0.000000e+00 : f32
      %broadcast_in_dim3A_59 = vector.broadcast %broadcast_in_dim3A_58 : f32 to vector<16xf32>
      %swap3A_60 = arith.index_cast %add3A_39 : i32 to index
      %swap3A_61 = arith.constant 64 : index
      %swap3A_62 = tpu.vector_load %arg18[%swap3A_60, %swap3A_61] {strides = array<i32>} : memref<40x128xf32, #tpu.memory_space<vmem>>, vector<16xf32>,
      tpu.vector_store %arg18[%swap3A_60, %swap3A_61], %broadcast_in_dim3A_59 {strides = array<i32>} : memref<40x128xf32, #tpu.memory_space<vmem>>, vector<16xf32>,
      %broadcast_in_dim3A_63 = arith.constant 0.000000e+00 : f32
      %broadcast_in_dim3A_64 = vector.broadcast %broadcast_in_dim3A_63 : f32 to vector<16xf32>
      %swap3A_65 = arith.index_cast %add3A_39 : i32 to index
      %swap3A_66 = arith.constant 80 : index
      %swap3A_67 = tpu.vector_load %arg18[%swap3A_65, %swap3A_66] {strides = array<i32>} : memref<40x128xf32, #tpu.memory_space<vmem>>, vector<16xf32>,
      tpu.vector_store %arg18[%swap3A_65, %swap3A_66], %broadcast_in_dim3A_64 {strides = array<i32>} : memref<40x128xf32, #tpu.memory_space<vmem>>, vector<16xf32>,
      %broadcast_in_dim3A_68 = arith.constant 0.000000e+00 : f32
      %broadcast_in_dim3A_69 = vector.broadcast %broadcast_in_dim3A_68 : f32 to vector<16xf32>
      %swap3A_70 = arith.index_cast %add3A_39 : i32 to index
      %swap3A_71 = arith.constant 96 : index
      %swap3A_72 = tpu.vector_load %arg18[%swap3A_70, %swap3A_71] {strides = array<i32>} : memref<40x128xf32, #tpu.memory_space<vmem>>, vector<16xf32>,
      tpu.vector_store %arg18[%swap3A_70, %swap3A_71], %broadcast_in_dim3A_69 {strides = array<i32>} : memref<40x128xf32, #tpu.memory_space<vmem>>, vector<16xf32>,
      %broadcast_in_dim3A_73 = arith.constant 0.000000e+00 : f32
      %broadcast_in_dim3A_74 = vector.broadcast %broadcast_in_dim3A_73 : f32 to vector<16xf32>
      %swap3A_75 = arith.index_cast %add3A_39 : i32 to index
      %swap3A_76 = arith.constant 112 : index
      %swap3A_77 = tpu.vector_load %arg18[%swap3A_75, %swap3A_76] {strides = array<i32>} : memref<40x128xf32, #tpu.memory_space<vmem>>, vector<16xf32>,
      tpu.vector_store %arg18[%swap3A_75, %swap3A_76], %broadcast_in_dim3A_74 {strides = array<i32>} : memref<40x128xf32, #tpu.memory_space<vmem>>, vector<16xf32>,
    }
    %scan3A_3 = arith.constant 40 : i32
    %scan3A_4 = arith.constant 0 : i32
    %scan3A_5 = arith.constant 626 : i32
    %scan3A_6 = arith.addi %scan3A_4, %scan3A_5 : i32
    %scan3A_7 = arith.constant 1 : i32
    scf.for %scan3A_37 = %scan3A_4 to %scan3A_6 step %scan3A_7  : i32 {
      %mul3A = arith.constant 1 : i32
      %mul3A_38 = arith.muli %scan3A_37, %mul3A : i32
      %add3A = arith.constant 0 : i32
      %add3A_39 = arith.addi %add3A, %mul3A_38 : i32
      %broadcast_in_dim3A = arith.constant 0.000000e+00 : f32
      %broadcast_in_dim3A_40 = vector.broadcast %broadcast_in_dim3A : f32 to vector<16xf32>
      %mul3A_41 = arith.constant 16 : i32
      %mul3A_42 = arith.muli %add3A_39, %mul3A_41 : i32
      %swap3A = arith.index_cast %mul3A_42 : i32 to index
      %swap3A_43 = tpu.vector_load %arg17[%swap3A] {strides = array<i32>} : memref<10016xf32, #tpu.memory_space<vmem>>, vector<16xf32>,
      tpu.vector_store %arg17[%swap3A], %broadcast_in_dim3A_40 {strides = array<i32>} : memref<10016xf32, #tpu.memory_space<vmem>>, vector<16xf32>,
    }
    %scan3A_8 = arith.constant 626 : i32
    %scan3A_9 = arith.constant 0 : i32
    %scan3A_10 = arith.constant 16 : i32
    %scan3A_11 = arith.addi %scan3A_9, %scan3A_10 : i32
    %scan3A_12 = arith.constant 1 : i32
    scf.for %scan3A_37 = %scan3A_9 to %scan3A_11 step %scan3A_12  : i32 {
      %mul3A = arith.constant 1 : i32
      %mul3A_38 = arith.muli %scan3A_37, %mul3A : i32
      %add3A = arith.constant 0 : i32
      %add3A_39 = arith.addi %add3A, %mul3A_38 : i32
      %mul3A_40 = arith.constant 16 : i32
      %mul3A_41 = arith.muli %mul3A_40, %add3A_39 : i32
      %add3A_42 = arith.addi %arg1, %mul3A_41 : i32
      %lt3A = arith.constant 250 : i32
      %lt3A_43 = arith.cmpi slt, %add3A_42, %lt3A : i32
      %convert_element_type3A_44 = arith.extui %lt3A_43 : i1 to i32
      %cond3A_45 = arith.constant 0 : i32
      %cond3A_46 = arith.cmpi ne, %convert_element_type3A_44, %cond3A_45 : i32
      scf.if %cond3A_46 {
        %mul3A_47 = arith.constant 40 : i32
        %mul3A_48 = arith.muli %add3A_42, %mul3A_47 : i32
        "tpu.region"() ({
          %run_scoped3A = tpu.sem_alloc : memref<!tpu.dma_semaphore, #tpu.memory_space<semaphore_mem>>
          %dma_start3A = arith.constant 0 : i32
          %dma_start3A_49 = tpu.memref_slice %arg12[%mul3A_48, %dma_start3A] : memref<10008x128xf32, #tpu.memory_space<vmem_shared>> -> memref<40x128xf32, #tpu.memory_space<vmem_shared>>
          %dma_start3A_50 = arith.constant 0 : i32
          %dma_start3A_51 = tpu.memref_slice %arg12[%mul3A_48, %dma_start3A_50] : memref<10008x128xf32, #tpu.memory_space<vmem_shared>> -> memref<40x128xf32, #tpu.memory_space<vmem_shared>>
          tpu.enqueue_dma source(%arg18 : memref<40x128xf32, #tpu.memory_space<vmem>>) target(%dma_start3A_51 : memref<40x128xf32, #tpu.memory_space<vmem_shared>>) target_semaphore(%run_scoped3A : memref<!tpu.dma_semaphore, #tpu.memory_space<semaphore_mem>>)
          %dma_wait3A = arith.constant 0 : i32
          %dma_wait3A_52 = tpu.memref_slice %arg12[%mul3A_48, %dma_wait3A] : memref<10008x128xf32, #tpu.memory_space<vmem_shared>> -> memref<40x128xf32, #tpu.memory_space<vmem_shared>>
          %dma_wait3A_53 = arith.constant 0 : i32
          %dma_wait3A_54 = tpu.memref_slice %arg12[%mul3A_48, %dma_wait3A_53] : memref<10008x128xf32, #tpu.memory_space<vmem_shared>> -> memref<40x128xf32, #tpu.memory_space<vmem_shared>>
          tpu.wait_dma2 semaphore(%run_scoped3A : memref<!tpu.dma_semaphore, #tpu.memory_space<semaphore_mem>>) src(%arg18 : memref<40x128xf32, #tpu.memory_space<vmem>>) dst(%dma_wait3A_54 : memref<40x128xf32, #tpu.memory_space<vmem_shared>>)
          tpu.yield
        }) : () -> ()
      } else {
      }
    }
    %scan3A_13 = arith.constant 16 : i32
    %eq3A = arith.constant 0 : i32
    %eq3A_14 = arith.cmpi eq, %arg1, %eq3A : i32
    %convert_element_type3A = arith.extui %eq3A_14 : i1 to i32
    %cond3A = arith.constant 0 : i32
    %cond3A_15 = arith.cmpi ne, %convert_element_type3A, %cond3A : i32
    scf.if %cond3A_15 {
      "tpu.region"() ({
        %run_scoped3A = tpu.sem_alloc : memref<!tpu.dma_semaphore, #tpu.memory_space<semaphore_mem>>
        %dma_start3A = arith.constant 0 : i32
        %dma_start3A_37 = arith.constant 0 : i32
        %dma_start3A_38 = tpu.memref_slice %arg18[%dma_start3A, %dma_start3A_37] : memref<40x128xf32, #tpu.memory_space<vmem>> -> memref<8x128xf32, #tpu.memory_space<vmem>>
        %dma_start3A_39 = arith.constant 10000 : i32
        %dma_start3A_40 = arith.constant 0 : i32
        %dma_start3A_41 = tpu.memref_slice %arg12[%dma_start3A_39, %dma_start3A_40] : memref<10008x128xf32, #tpu.memory_space<vmem_shared>> -> memref<8x128xf32, #tpu.memory_space<vmem_shared>>
        %dma_start3A_42 = arith.constant 10000 : i32
        %dma_start3A_43 = arith.constant 0 : i32
        %dma_start3A_44 = tpu.memref_slice %arg12[%dma_start3A_42, %dma_start3A_43] : memref<10008x128xf32, #tpu.memory_space<vmem_shared>> -> memref<8x128xf32, #tpu.memory_space<vmem_shared>>
        %dma_start3A_45 = arith.constant 0 : i32
        %dma_start3A_46 = arith.constant 0 : i32
        %dma_start3A_47 = tpu.memref_slice %arg18[%dma_start3A_45, %dma_start3A_46] : memref<40x128xf32, #tpu.memory_space<vmem>> -> memref<8x128xf32, #tpu.memory_space<vmem>>
        tpu.enqueue_dma source(%dma_start3A_47 : memref<8x128xf32, #tpu.memory_space<vmem>>) target(%dma_start3A_44 : memref<8x128xf32, #tpu.memory_space<vmem_shared>>) target_semaphore(%run_scoped3A : memref<!tpu.dma_semaphore, #tpu.memory_space<semaphore_mem>>)
        %dma_wait3A = arith.constant 0 : i32
        %dma_wait3A_48 = arith.constant 0 : i32
        %dma_wait3A_49 = tpu.memref_slice %arg18[%dma_wait3A, %dma_wait3A_48] : memref<40x128xf32, #tpu.memory_space<vmem>> -> memref<8x128xf32, #tpu.memory_space<vmem>>
        %dma_wait3A_50 = arith.constant 10000 : i32
        %dma_wait3A_51 = arith.constant 0 : i32
        %dma_wait3A_52 = tpu.memref_slice %arg12[%dma_wait3A_50, %dma_wait3A_51] : memref<10008x128xf32, #tpu.memory_space<vmem_shared>> -> memref<8x128xf32, #tpu.memory_space<vmem_shared>>
        %dma_wait3A_53 = arith.constant 10000 : i32
        %dma_wait3A_54 = arith.constant 0 : i32
        %dma_wait3A_55 = tpu.memref_slice %arg12[%dma_wait3A_53, %dma_wait3A_54] : memref<10008x128xf32, #tpu.memory_space<vmem_shared>> -> memref<8x128xf32, #tpu.memory_space<vmem_shared>>
        %dma_wait3A_56 = arith.constant 0 : i32
        %dma_wait3A_57 = arith.constant 0 : i32
        %dma_wait3A_58 = tpu.memref_slice %arg18[%dma_wait3A_56, %dma_wait3A_57] : memref<40x128xf32, #tpu.memory_space<vmem>> -> memref<8x128xf32, #tpu.memory_space<vmem>>
        tpu.wait_dma2 semaphore(%run_scoped3A : memref<!tpu.dma_semaphore, #tpu.memory_space<semaphore_mem>>) src(%dma_wait3A_58 : memref<8x128xf32, #tpu.memory_space<vmem>>) dst(%dma_wait3A_55 : memref<8x128xf32, #tpu.memory_space<vmem_shared>>)
        tpu.yield
      }) : () -> ()
    } else {
    }
    %barrier3A = arith.constant 0 : index
    tpu.barrier barrier_id(%barrier3A)
    %eq3A_16 = arith.constant 0 : i32
    %eq3A_17 = arith.cmpi eq, %arg0, %eq3A_16 : i32
    %convert_element_type3A_18 = arith.extui %eq3A_17 : i1 to i32
    %cond3A_19 = arith.constant 0 : i32
    %cond3A_20 = arith.cmpi ne, %convert_element_type3A_18, %cond3A_19 : i32
    scf.if %cond3A_20 {
      %scan3A_37 = arith.constant 0 : i32
      %scan3A_38 = arith.constant 20 : i32
      %scan3A_39 = arith.addi %scan3A_37, %scan3A_38 : i32
      %scan3A_40 = arith.constant 1 : i32
      scf.for %scan3A_46 = %scan3A_37 to %scan3A_39 step %scan3A_40  : i32 {
        %mul3A = arith.constant 1 : i32
        %mul3A_47 = arith.muli %scan3A_46, %mul3A : i32
        %add3A = arith.constant 0 : i32
        %add3A_48 = arith.addi %add3A, %mul3A_47 : i32
        %mul3A_49 = arith.constant 16 : i32
        %mul3A_50 = arith.muli %mul3A_49, %add3A_48 : i32
        %add3A_51 = arith.addi %arg1, %mul3A_50 : i32
        %lt3A_52 = arith.constant 312 : i32
        %lt3A_53 = arith.cmpi slt, %add3A_51, %lt3A_52 : i32
        %convert_element_type3A_54 = arith.extui %lt3A_53 : i1 to i32
        %cond3A_55 = arith.constant 0 : i32
        %cond3A_56 = arith.cmpi ne, %convert_element_type3A_54, %cond3A_55 : i32
        scf.if %cond3A_56 {
          %mul3A_57 = arith.constant 8 : i32
          %mul3A_58 = arith.muli %add3A_51, %mul3A_57 : i32
          "tpu.region"() ({
            %run_scoped3A = tpu.sem_alloc : memref<!tpu.dma_semaphore, #tpu.memory_space<semaphore_mem>>
            %dma_start3A_663 = arith.constant 0 : i32
            %dma_start3A_664 = tpu.memref_slice %arg3[%mul3A_58, %dma_start3A_663] : memref<2500x128xi32, #tpu.memory_space<hbm>> -> memref<8x128xi32, #tpu.memory_space<hbm>>
            %dma_start3A_665 = arith.constant 0 : i32
            %dma_start3A_666 = tpu.memref_slice %arg3[%mul3A_58, %dma_start3A_665] : memref<2500x128xi32, #tpu.memory_space<hbm>> -> memref<8x128xi32, #tpu.memory_space<hbm>>
            tpu.enqueue_dma source(%dma_start3A_666 : memref<8x128xi32, #tpu.memory_space<hbm>>) target(%arg13 : memref<8x128xi32, #tpu.memory_space<vmem>>) target_semaphore(%run_scoped3A : memref<!tpu.dma_semaphore, #tpu.memory_space<semaphore_mem>>)
            %dma_wait3A_667 = arith.constant 0 : i32
            %dma_wait3A_668 = tpu.memref_slice %arg3[%mul3A_58, %dma_wait3A_667] : memref<2500x128xi32, #tpu.memory_space<hbm>> -> memref<8x128xi32, #tpu.memory_space<hbm>>
            %dma_wait3A_669 = arith.constant 0 : i32
            %dma_wait3A_670 = tpu.memref_slice %arg3[%mul3A_58, %dma_wait3A_669] : memref<2500x128xi32, #tpu.memory_space<hbm>> -> memref<8x128xi32, #tpu.memory_space<hbm>>
            tpu.wait_dma2 semaphore(%run_scoped3A : memref<!tpu.dma_semaphore, #tpu.memory_space<semaphore_mem>>) src(%dma_wait3A_670 : memref<8x128xi32, #tpu.memory_space<hbm>>) dst(%arg13 : memref<8x128xi32, #tpu.memory_space<vmem>>)
            tpu.yield
          }) : () -> ()
          "tpu.region"() ({
            %run_scoped3A = tpu.sem_alloc : memref<!tpu.dma_semaphore, #tpu.memory_space<semaphore_mem>>
            %dma_start3A_663 = arith.constant 0 : i32
            %dma_start3A_664 = tpu.memref_slice %arg4[%mul3A_58, %dma_start3A_663] : memref<2500x128xi32, #tpu.memory_space<hbm>> -> memref<8x128xi32, #tpu.memory_space<hbm>>
            %dma_start3A_665 = arith.constant 0 : i32
            %dma_start3A_666 = tpu.memref_slice %arg4[%mul3A_58, %dma_start3A_665] : memref<2500x128xi32, #tpu.memory_space<hbm>> -> memref<8x128xi32, #tpu.memory_space<hbm>>
            tpu.enqueue_dma source(%dma_start3A_666 : memref<8x128xi32, #tpu.memory_space<hbm>>) target(%arg14 : memref<8x128xi32, #tpu.memory_space<vmem>>) target_semaphore(%run_scoped3A : memref<!tpu.dma_semaphore, #tpu.memory_space<semaphore_mem>>)
            %dma_wait3A_667 = arith.constant 0 : i32
            %dma_wait3A_668 = tpu.memref_slice %arg4[%mul3A_58, %dma_wait3A_667] : memref<2500x128xi32, #tpu.memory_space<hbm>> -> memref<8x128xi32, #tpu.memory_space<hbm>>
            %dma_wait3A_669 = arith.constant 0 : i32
            %dma_wait3A_670 = tpu.memref_slice %arg4[%mul3A_58, %dma_wait3A_669] : memref<2500x128xi32, #tpu.memory_space<hbm>> -> memref<8x128xi32, #tpu.memory_space<hbm>>
            tpu.wait_dma2 semaphore(%run_scoped3A : memref<!tpu.dma_semaphore, #tpu.memory_space<semaphore_mem>>) src(%dma_wait3A_670 : memref<8x128xi32, #tpu.memory_space<hbm>>) dst(%arg14 : memref<8x128xi32, #tpu.memory_space<vmem>>)
            tpu.yield
          }) : () -> ()
          %dma_start3A = arith.constant 0 : i32
          %dma_start3A_59 = arith.constant 0 : i32
          %dma_start3A_60 = tpu.memref_slice %arg13[%dma_start3A, %dma_start3A_59] : memref<8x128xi32, #tpu.memory_space<vmem>> -> memref<1x128xi32, #tpu.memory_space<vmem>>
          %dma_start3A_61 = tpu.memref_squeeze %dma_start3A_60 : memref<1x128xi32, #tpu.memory_space<vmem>> -> memref<128xi32, #tpu.memory_space<vmem>>
          %dma_start3A_62 = arith.constant 0 : i32
          %dma_start3A_63 = arith.constant 0 : i32
          %dma_start3A_64 = tpu.memref_slice %arg2[%dma_start3A_62, %dma_start3A_63] : memref<10000x128xf32, #tpu.memory_space<hbm>> -> memref<10000x128xf32, #tpu.memory_space<hbm>>
          tpu.enqueue_indirect_dma source(%dma_start3A_64 : memref<10000x128xf32, #tpu.memory_space<hbm>>) target(%arg15 : memref<128x128xf32, #tpu.memory_space<vmem>>) offsets(%dma_start3A_61 : memref<128xi32, #tpu.memory_space<vmem>>) semaphore(%arg19 : memref<!tpu.dma_semaphore, #tpu.memory_space<semaphore_mem>>)
          %dma_wait3A = arith.constant 0 : i32
          %dma_wait3A_65 = arith.constant 0 : i32
          %dma_wait3A_66 = tpu.memref_slice %arg13[%dma_wait3A, %dma_wait3A_65] : memref<8x128xi32, #tpu.memory_space<vmem>> -> memref<1x128xi32, #tpu.memory_space<vmem>>
          %dma_wait3A_67 = tpu.memref_squeeze %dma_wait3A_66 : memref<1x128xi32, #tpu.memory_space<vmem>> -> memref<128xi32, #tpu.memory_space<vmem>>
          %dma_wait3A_68 = arith.constant 0 : i32
          %dma_wait3A_69 = arith.constant 0 : i32
          %dma_wait3A_70 = tpu.memref_slice %arg2[%dma_wait3A_68, %dma_wait3A_69] : memref<10000x128xf32, #tpu.memory_space<hbm>> -> memref<10000x128xf32, #tpu.memory_space<hbm>>
          tpu.wait_indirect_dma semaphore(%arg19 : memref<!tpu.dma_semaphore, #tpu.memory_space<semaphore_mem>>) src(%dma_wait3A_70 : memref<10000x128xf32, #tpu.memory_space<hbm>>) dst(%arg15 : memref<128x128xf32, #tpu.memory_space<vmem>>)
          %dma_start3A_71 = arith.constant 0 : i32
          %dma_start3A_72 = arith.constant 0 : i32
          %dma_start3A_73 = tpu.memref_slice %arg14[%dma_start3A_71, %dma_start3A_72] : memref<8x128xi32, #tpu.memory_space<vmem>> -> memref<1x128xi32, #tpu.memory_space<vmem>>
          %dma_start3A_74 = tpu.memref_squeeze %dma_start3A_73 : memref<1x128xi32, #tpu.memory_space<vmem>> -> memref<128xi32, #tpu.memory_space<vmem>>
          %dma_start3A_75 = arith.constant 0 : i32
          %dma_start3A_76 = arith.constant 0 : i32
          %dma_start3A_77 = tpu.memref_slice %arg12[%dma_start3A_75, %dma_start3A_76] : memref<10008x128xf32, #tpu.memory_space<vmem_shared>> -> memref<10008x128xf32, #tpu.memory_space<vmem_shared>>
          tpu.enqueue_indirect_dma source(%arg15 : memref<128x128xf32, #tpu.memory_space<vmem>>) target(%dma_start3A_77 : memref<10008x128xf32, #tpu.memory_space<vmem_shared>>) offsets(%dma_start3A_74 : memref<128xi32, #tpu.memory_space<vmem>>) semaphore(%arg20 : memref<!tpu.dma_semaphore, #tpu.memory_space<semaphore_mem>>) {add = true}
          %dma_start3A_78 = arith.constant 1 : i32
          %dma_start3A_79 = arith.constant 0 : i32
          %dma_start3A_80 = tpu.memref_slice %arg13[%dma_start3A_78, %dma_start3A_79] : memref<8x128xi32, #tpu.memory_space<vmem>> -> memref<1x128xi32, #tpu.memory_space<vmem>>
          %dma_start3A_81 = tpu.memref_squeeze %dma_start3A_80 : memref<1x128xi32, #tpu.memory_space<vmem>> -> memref<128xi32, #tpu.memory_space<vmem>>
          %dma_start3A_82 = arith.constant 0 : i32
          %dma_start3A_83 = arith.constant 0 : i32
          %dma_start3A_84 = tpu.memref_slice %arg2[%dma_start3A_82, %dma_start3A_83] : memref<10000x128xf32, #tpu.memory_space<hbm>> -> memref<10000x128xf32, #tpu.memory_space<hbm>>
          tpu.enqueue_indirect_dma source(%dma_start3A_84 : memref<10000x128xf32, #tpu.memory_space<hbm>>) target(%arg16 : memref<128x128xf32, #tpu.memory_space<vmem>>) offsets(%dma_start3A_81 : memref<128xi32, #tpu.memory_space<vmem>>) semaphore(%arg19 : memref<!tpu.dma_semaphore, #tpu.memory_space<semaphore_mem>>)
          %get3A = arith.constant 0 : i32
          %get3A_85 = arith.index_cast %get3A : i32 to index
          %get3A_86 = arith.constant 0 : index
          %get3A_87 = tpu.vector_load %arg14[%get3A_85, %get3A_86] {strides = array<i32>} : memref<8x128xi32, #tpu.memory_space<vmem>>, vector<16xi32>,
          %broadcast_in_dim3A = arith.constant 1.000000e+00 : f32
          %broadcast_in_dim3A_88 = vector.broadcast %broadcast_in_dim3A : f32 to vector<16xf32>
          tpu.vector_store_idx %arg17[%get3A_87], %broadcast_in_dim3A_88 {add = true} : memref<10016xf32, #tpu.memory_space<vmem>>[vector<16xi32>], vector<16xf32>,
          %get3A_89 = arith.constant 0 : i32
          %get3A_90 = arith.index_cast %get3A_89 : i32 to index
          %get3A_91 = arith.constant 16 : index
          %get3A_92 = tpu.vector_load %arg14[%get3A_90, %get3A_91] {strides = array<i32>} : memref<8x128xi32, #tpu.memory_space<vmem>>, vector<16xi32>,
          %broadcast_in_dim3A_93 = arith.constant 1.000000e+00 : f32
          %broadcast_in_dim3A_94 = vector.broadcast %broadcast_in_dim3A_93 : f32 to vector<16xf32>
          tpu.vector_store_idx %arg17[%get3A_92], %broadcast_in_dim3A_94 {add = true} : memref<10016xf32, #tpu.memory_space<vmem>>[vector<16xi32>], vector<16xf32>,
          %get3A_95 = arith.constant 0 : i32
          %get3A_96 = arith.index_cast %get3A_95 : i32 to index
          %get3A_97 = arith.constant 32 : index
          %get3A_98 = tpu.vector_load %arg14[%get3A_96, %get3A_97] {strides = array<i32>} : memref<8x128xi32, #tpu.memory_space<vmem>>, vector<16xi32>,
          %broadcast_in_dim3A_99 = arith.constant 1.000000e+00 : f32
          %broadcast_in_dim3A_100 = vector.broadcast %broadcast_in_dim3A_99 : f32 to vector<16xf32>
          tpu.vector_store_idx %arg17[%get3A_98], %broadcast_in_dim3A_100 {add = true} : memref<10016xf32, #tpu.memory_space<vmem>>[vector<16xi32>], vector<16xf32>,
          %get3A_101 = arith.constant 0 : i32
          %get3A_102 = arith.index_cast %get3A_101 : i32 to index
          %get3A_103 = arith.constant 48 : index
          %get3A_104 = tpu.vector_load %arg14[%get3A_102, %get3A_103] {strides = array<i32>} : memref<8x128xi32, #tpu.memory_space<vmem>>, vector<16xi32>,
          %broadcast_in_dim3A_105 = arith.constant 1.000000e+00 : f32
          %broadcast_in_dim3A_106 = vector.broadcast %broadcast_in_dim3A_105 : f32 to vector<16xf32>
          tpu.vector_store_idx %arg17[%get3A_104], %broadcast_in_dim3A_106 {add = true} : memref<10016xf32, #tpu.memory_space<vmem>>[vector<16xi32>], vector<16xf32>,
          %get3A_107 = arith.constant 0 : i32
          %get3A_108 = arith.index_cast %get3A_107 : i32 to index
          %get3A_109 = arith.constant 64 : index
          %get3A_110 = tpu.vector_load %arg14[%get3A_108, %get3A_109] {strides = array<i32>} : memref<8x128xi32, #tpu.memory_space<vmem>>, vector<16xi32>,
          %broadcast_in_dim3A_111 = arith.constant 1.000000e+00 : f32
          %broadcast_in_dim3A_112 = vector.broadcast %broadcast_in_dim3A_111 : f32 to vector<16xf32>
          tpu.vector_store_idx %arg17[%get3A_110], %broadcast_in_dim3A_112 {add = true} : memref<10016xf32, #tpu.memory_space<vmem>>[vector<16xi32>], vector<16xf32>,
          %get3A_113 = arith.constant 0 : i32
          %get3A_114 = arith.index_cast %get3A_113 : i32 to index
          %get3A_115 = arith.constant 80 : index
          %get3A_116 = tpu.vector_load %arg14[%get3A_114, %get3A_115] {strides = array<i32>} : memref<8x128xi32, #tpu.memory_space<vmem>>, vector<16xi32>,
          %broadcast_in_dim3A_117 = arith.constant 1.000000e+00 : f32
          %broadcast_in_dim3A_118 = vector.broadcast %broadcast_in_dim3A_117 : f32 to vector<16xf32>
          tpu.vector_store_idx %arg17[%get3A_116], %broadcast_in_dim3A_118 {add = true} : memref<10016xf32, #tpu.memory_space<vmem>>[vector<16xi32>], vector<16xf32>,
          %get3A_119 = arith.constant 0 : i32
          %get3A_120 = arith.index_cast %get3A_119 : i32 to index
          %get3A_121 = arith.constant 96 : index
          %get3A_122 = tpu.vector_load %arg14[%get3A_120, %get3A_121] {strides = array<i32>} : memref<8x128xi32, #tpu.memory_space<vmem>>, vector<16xi32>,
          %broadcast_in_dim3A_123 = arith.constant 1.000000e+00 : f32
          %broadcast_in_dim3A_124 = vector.broadcast %broadcast_in_dim3A_123 : f32 to vector<16xf32>
          tpu.vector_store_idx %arg17[%get3A_122], %broadcast_in_dim3A_124 {add = true} : memref<10016xf32, #tpu.memory_space<vmem>>[vector<16xi32>], vector<16xf32>,
          %get3A_125 = arith.constant 0 : i32
          %get3A_126 = arith.index_cast %get3A_125 : i32 to index
          %get3A_127 = arith.constant 112 : index
          %get3A_128 = tpu.vector_load %arg14[%get3A_126, %get3A_127] {strides = array<i32>} : memref<8x128xi32, #tpu.memory_space<vmem>>, vector<16xi32>,
          %broadcast_in_dim3A_129 = arith.constant 1.000000e+00 : f32
          %broadcast_in_dim3A_130 = vector.broadcast %broadcast_in_dim3A_129 : f32 to vector<16xf32>
          tpu.vector_store_idx %arg17[%get3A_128], %broadcast_in_dim3A_130 {add = true} : memref<10016xf32, #tpu.memory_space<vmem>>[vector<16xi32>], vector<16xf32>,
          %dma_wait3A_131 = arith.constant 1 : i32
          %dma_wait3A_132 = arith.constant 0 : i32
          %dma_wait3A_133 = tpu.memref_slice %arg13[%dma_wait3A_131, %dma_wait3A_132] : memref<8x128xi32, #tpu.memory_space<vmem>> -> memref<1x128xi32, #tpu.memory_space<vmem>>
          %dma_wait3A_134 = tpu.memref_squeeze %dma_wait3A_133 : memref<1x128xi32, #tpu.memory_space<vmem>> -> memref<128xi32, #tpu.memory_space<vmem>>
          %dma_wait3A_135 = arith.constant 0 : i32
          %dma_wait3A_136 = arith.constant 0 : i32
          %dma_wait3A_137 = tpu.memref_slice %arg2[%dma_wait3A_135, %dma_wait3A_136] : memref<10000x128xf32, #tpu.memory_space<hbm>> -> memref<10000x128xf32, #tpu.memory_space<hbm>>
          tpu.wait_indirect_dma semaphore(%arg19 : memref<!tpu.dma_semaphore, #tpu.memory_space<semaphore_mem>>) src(%dma_wait3A_137 : memref<10000x128xf32, #tpu.memory_space<hbm>>) dst(%arg16 : memref<128x128xf32, #tpu.memory_space<vmem>>)
          %dma_start3A_138 = arith.constant 1 : i32
          %dma_start3A_139 = arith.constant 0 : i32
          %dma_start3A_140 = tpu.memref_slice %arg14[%dma_start3A_138, %dma_start3A_139] : memref<8x128xi32, #tpu.memory_space<vmem>> -> memref<1x128xi32, #tpu.memory_space<vmem>>
          %dma_start3A_141 = tpu.memref_squeeze %dma_start3A_140 : memref<1x128xi32, #tpu.memory_space<vmem>> -> memref<128xi32, #tpu.memory_space<vmem>>
          %dma_start3A_142 = arith.constant 0 : i32
          %dma_start3A_143 = arith.constant 0 : i32
          %dma_start3A_144 = tpu.memref_slice %arg12[%dma_start3A_142, %dma_start3A_143] : memref<10008x128xf32, #tpu.memory_space<vmem_shared>> -> memref<10008x128xf32, #tpu.memory_space<vmem_shared>>
          tpu.enqueue_indirect_dma source(%arg16 : memref<128x128xf32, #tpu.memory_space<vmem>>) target(%dma_start3A_144 : memref<10008x128xf32, #tpu.memory_space<vmem_shared>>) offsets(%dma_start3A_141 : memref<128xi32, #tpu.memory_space<vmem>>) semaphore(%arg20 : memref<!tpu.dma_semaphore, #tpu.memory_space<semaphore_mem>>) {add = true}
          %dma_wait3A_145 = arith.constant 0 : i32
          %dma_wait3A_146 = arith.constant 0 : i32
          %dma_wait3A_147 = tpu.memref_slice %arg14[%dma_wait3A_145, %dma_wait3A_146] : memref<8x128xi32, #tpu.memory_space<vmem>> -> memref<1x128xi32, #tpu.memory_space<vmem>>
          %dma_wait3A_148 = tpu.memref_squeeze %dma_wait3A_147 : memref<1x128xi32, #tpu.memory_space<vmem>> -> memref<128xi32, #tpu.memory_space<vmem>>
          %dma_wait3A_149 = arith.constant 0 : i32
          %dma_wait3A_150 = arith.constant 0 : i32
          %dma_wait3A_151 = tpu.memref_slice %arg12[%dma_wait3A_149, %dma_wait3A_150] : memref<10008x128xf32, #tpu.memory_space<vmem_shared>> -> memref<10008x128xf32, #tpu.memory_space<vmem_shared>>
          tpu.wait_indirect_dma semaphore(%arg20 : memref<!tpu.dma_semaphore, #tpu.memory_space<semaphore_mem>>) src(%arg15 : memref<128x128xf32, #tpu.memory_space<vmem>>) dst(%dma_wait3A_151 : memref<10008x128xf32, #tpu.memory_space<vmem_shared>>)
          %dma_start3A_152 = arith.constant 2 : i32
          %dma_start3A_153 = arith.constant 0 : i32
          %dma_start3A_154 = tpu.memref_slice %arg13[%dma_start3A_152, %dma_start3A_153] : memref<8x128xi32, #tpu.memory_space<vmem>> -> memref<1x128xi32, #tpu.memory_space<vmem>>
          %dma_start3A_155 = tpu.memref_squeeze %dma_start3A_154 : memref<1x128xi32, #tpu.memory_space<vmem>> -> memref<128xi32, #tpu.memory_space<vmem>>
          %dma_start3A_156 = arith.constant 0 : i32
          %dma_start3A_157 = arith.constant 0 : i32
          %dma_start3A_158 = tpu.memref_slice %arg2[%dma_start3A_156, %dma_start3A_157] : memref<10000x128xf32, #tpu.memory_space<hbm>> -> memref<10000x128xf32, #tpu.memory_space<hbm>>
          tpu.enqueue_indirect_dma source(%dma_start3A_158 : memref<10000x128xf32, #tpu.memory_space<hbm>>) target(%arg15 : memref<128x128xf32, #tpu.memory_space<vmem>>) offsets(%dma_start3A_155 : memref<128xi32, #tpu.memory_space<vmem>>) semaphore(%arg19 : memref<!tpu.dma_semaphore, #tpu.memory_space<semaphore_mem>>)
          %get3A_159 = arith.constant 1 : i32
          %get3A_160 = arith.index_cast %get3A_159 : i32 to index
          %get3A_161 = arith.constant 0 : index
          %get3A_162 = tpu.vector_load %arg14[%get3A_160, %get3A_161] {strides = array<i32>} : memref<8x128xi32, #tpu.memory_space<vmem>>, vector<16xi32>,
          %broadcast_in_dim3A_163 = arith.constant 1.000000e+00 : f32
          %broadcast_in_dim3A_164 = vector.broadcast %broadcast_in_dim3A_163 : f32 to vector<16xf32>
          tpu.vector_store_idx %arg17[%get3A_162], %broadcast_in_dim3A_164 {add = true} : memref<10016xf32, #tpu.memory_space<vmem>>[vector<16xi32>], vector<16xf32>,
          %get3A_165 = arith.constant 1 : i32
          %get3A_166 = arith.index_cast %get3A_165 : i32 to index
          %get3A_167 = arith.constant 16 : index
          %get3A_168 = tpu.vector_load %arg14[%get3A_166, %get3A_167] {strides = array<i32>} : memref<8x128xi32, #tpu.memory_space<vmem>>, vector<16xi32>,
          %broadcast_in_dim3A_169 = arith.constant 1.000000e+00 : f32
          %broadcast_in_dim3A_170 = vector.broadcast %broadcast_in_dim3A_169 : f32 to vector<16xf32>
          tpu.vector_store_idx %arg17[%get3A_168], %broadcast_in_dim3A_170 {add = true} : memref<10016xf32, #tpu.memory_space<vmem>>[vector<16xi32>], vector<16xf32>,
          %get3A_171 = arith.constant 1 : i32
          %get3A_172 = arith.index_cast %get3A_171 : i32 to index
          %get3A_173 = arith.constant 32 : index
          %get3A_174 = tpu.vector_load %arg14[%get3A_172, %get3A_173] {strides = array<i32>} : memref<8x128xi32, #tpu.memory_space<vmem>>, vector<16xi32>,
          %broadcast_in_dim3A_175 = arith.constant 1.000000e+00 : f32
          %broadcast_in_dim3A_176 = vector.broadcast %broadcast_in_dim3A_175 : f32 to vector<16xf32>
          tpu.vector_store_idx %arg17[%get3A_174], %broadcast_in_dim3A_176 {add = true} : memref<10016xf32, #tpu.memory_space<vmem>>[vector<16xi32>], vector<16xf32>,
          %get3A_177 = arith.constant 1 : i32
          %get3A_178 = arith.index_cast %get3A_177 : i32 to index
          %get3A_179 = arith.constant 48 : index
          %get3A_180 = tpu.vector_load %arg14[%get3A_178, %get3A_179] {strides = array<i32>} : memref<8x128xi32, #tpu.memory_space<vmem>>, vector<16xi32>,
          %broadcast_in_dim3A_181 = arith.constant 1.000000e+00 : f32
          %broadcast_in_dim3A_182 = vector.broadcast %broadcast_in_dim3A_181 : f32 to vector<16xf32>
          tpu.vector_store_idx %arg17[%get3A_180], %broadcast_in_dim3A_182 {add = true} : memref<10016xf32, #tpu.memory_space<vmem>>[vector<16xi32>], vector<16xf32>,
          %get3A_183 = arith.constant 1 : i32
          %get3A_184 = arith.index_cast %get3A_183 : i32 to index
          %get3A_185 = arith.constant 64 : index
          %get3A_186 = tpu.vector_load %arg14[%get3A_184, %get3A_185] {strides = array<i32>} : memref<8x128xi32, #tpu.memory_space<vmem>>, vector<16xi32>,
          %broadcast_in_dim3A_187 = arith.constant 1.000000e+00 : f32
          %broadcast_in_dim3A_188 = vector.broadcast %broadcast_in_dim3A_187 : f32 to vector<16xf32>
          tpu.vector_store_idx %arg17[%get3A_186], %broadcast_in_dim3A_188 {add = true} : memref<10016xf32, #tpu.memory_space<vmem>>[vector<16xi32>], vector<16xf32>,
          %get3A_189 = arith.constant 1 : i32
          %get3A_190 = arith.index_cast %get3A_189 : i32 to index
          %get3A_191 = arith.constant 80 : index
          %get3A_192 = tpu.vector_load %arg14[%get3A_190, %get3A_191] {strides = array<i32>} : memref<8x128xi32, #tpu.memory_space<vmem>>, vector<16xi32>,
          %broadcast_in_dim3A_193 = arith.constant 1.000000e+00 : f32
          %broadcast_in_dim3A_194 = vector.broadcast %broadcast_in_dim3A_193 : f32 to vector<16xf32>
          tpu.vector_store_idx %arg17[%get3A_192], %broadcast_in_dim3A_194 {add = true} : memref<10016xf32, #tpu.memory_space<vmem>>[vector<16xi32>], vector<16xf32>,
          %get3A_195 = arith.constant 1 : i32
          %get3A_196 = arith.index_cast %get3A_195 : i32 to index
          %get3A_197 = arith.constant 96 : index
          %get3A_198 = tpu.vector_load %arg14[%get3A_196, %get3A_197] {strides = array<i32>} : memref<8x128xi32, #tpu.memory_space<vmem>>, vector<16xi32>,
          %broadcast_in_dim3A_199 = arith.constant 1.000000e+00 : f32
          %broadcast_in_dim3A_200 = vector.broadcast %broadcast_in_dim3A_199 : f32 to vector<16xf32>
          tpu.vector_store_idx %arg17[%get3A_198], %broadcast_in_dim3A_200 {add = true} : memref<10016xf32, #tpu.memory_space<vmem>>[vector<16xi32>], vector<16xf32>,
          %get3A_201 = arith.constant 1 : i32
          %get3A_202 = arith.index_cast %get3A_201 : i32 to index
          %get3A_203 = arith.constant 112 : index
          %get3A_204 = tpu.vector_load %arg14[%get3A_202, %get3A_203] {strides = array<i32>} : memref<8x128xi32, #tpu.memory_space<vmem>>, vector<16xi32>,
          %broadcast_in_dim3A_205 = arith.constant 1.000000e+00 : f32
          %broadcast_in_dim3A_206 = vector.broadcast %broadcast_in_dim3A_205 : f32 to vector<16xf32>
          tpu.vector_store_idx %arg17[%get3A_204], %broadcast_in_dim3A_206 {add = true} : memref<10016xf32, #tpu.memory_space<vmem>>[vector<16xi32>], vector<16xf32>,
          %dma_wait3A_207 = arith.constant 2 : i32
          %dma_wait3A_208 = arith.constant 0 : i32
          %dma_wait3A_209 = tpu.memref_slice %arg13[%dma_wait3A_207, %dma_wait3A_208] : memref<8x128xi32, #tpu.memory_space<vmem>> -> memref<1x128xi32, #tpu.memory_space<vmem>>
          %dma_wait3A_210 = tpu.memref_squeeze %dma_wait3A_209 : memref<1x128xi32, #tpu.memory_space<vmem>> -> memref<128xi32, #tpu.memory_space<vmem>>
          %dma_wait3A_211 = arith.constant 0 : i32
          %dma_wait3A_212 = arith.constant 0 : i32
          %dma_wait3A_213 = tpu.memref_slice %arg2[%dma_wait3A_211, %dma_wait3A_212] : memref<10000x128xf32, #tpu.memory_space<hbm>> -> memref<10000x128xf32, #tpu.memory_space<hbm>>
          tpu.wait_indirect_dma semaphore(%arg19 : memref<!tpu.dma_semaphore, #tpu.memory_space<semaphore_mem>>) src(%dma_wait3A_213 : memref<10000x128xf32, #tpu.memory_space<hbm>>) dst(%arg15 : memref<128x128xf32, #tpu.memory_space<vmem>>)
          %dma_start3A_214 = arith.constant 2 : i32
          %dma_start3A_215 = arith.constant 0 : i32
          %dma_start3A_216 = tpu.memref_slice %arg14[%dma_start3A_214, %dma_start3A_215] : memref<8x128xi32, #tpu.memory_space<vmem>> -> memref<1x128xi32, #tpu.memory_space<vmem>>
          %dma_start3A_217 = tpu.memref_squeeze %dma_start3A_216 : memref<1x128xi32, #tpu.memory_space<vmem>> -> memref<128xi32, #tpu.memory_space<vmem>>
          %dma_start3A_218 = arith.constant 0 : i32
          %dma_start3A_219 = arith.constant 0 : i32
          %dma_start3A_220 = tpu.memref_slice %arg12[%dma_start3A_218, %dma_start3A_219] : memref<10008x128xf32, #tpu.memory_space<vmem_shared>> -> memref<10008x128xf32, #tpu.memory_space<vmem_shared>>
          tpu.enqueue_indirect_dma source(%arg15 : memref<128x128xf32, #tpu.memory_space<vmem>>) target(%dma_start3A_220 : memref<10008x128xf32, #tpu.memory_space<vmem_shared>>) offsets(%dma_start3A_217 : memref<128xi32, #tpu.memory_space<vmem>>) semaphore(%arg20 : memref<!tpu.dma_semaphore, #tpu.memory_space<semaphore_mem>>) {add = true}
          %dma_wait3A_221 = arith.constant 1 : i32
          %dma_wait3A_222 = arith.constant 0 : i32
          %dma_wait3A_223 = tpu.memref_slice %arg14[%dma_wait3A_221, %dma_wait3A_222] : memref<8x128xi32, #tpu.memory_space<vmem>> -> memref<1x128xi32, #tpu.memory_space<vmem>>
          %dma_wait3A_224 = tpu.memref_squeeze %dma_wait3A_223 : memref<1x128xi32, #tpu.memory_space<vmem>> -> memref<128xi32, #tpu.memory_space<vmem>>
          %dma_wait3A_225 = arith.constant 0 : i32
          %dma_wait3A_226 = arith.constant 0 : i32
          %dma_wait3A_227 = tpu.memref_slice %arg12[%dma_wait3A_225, %dma_wait3A_226] : memref<10008x128xf32, #tpu.memory_space<vmem_shared>> -> memref<10008x128xf32, #tpu.memory_space<vmem_shared>>
          tpu.wait_indirect_dma semaphore(%arg20 : memref<!tpu.dma_semaphore, #tpu.memory_space<semaphore_mem>>) src(%arg16 : memref<128x128xf32, #tpu.memory_space<vmem>>) dst(%dma_wait3A_227 : memref<10008x128xf32, #tpu.memory_space<vmem_shared>>)
          %dma_start3A_228 = arith.constant 3 : i32
          %dma_start3A_229 = arith.constant 0 : i32
          %dma_start3A_230 = tpu.memref_slice %arg13[%dma_start3A_228, %dma_start3A_229] : memref<8x128xi32, #tpu.memory_space<vmem>> -> memref<1x128xi32, #tpu.memory_space<vmem>>
          %dma_start3A_231 = tpu.memref_squeeze %dma_start3A_230 : memref<1x128xi32, #tpu.memory_space<vmem>> -> memref<128xi32, #tpu.memory_space<vmem>>
          %dma_start3A_232 = arith.constant 0 : i32
          %dma_start3A_233 = arith.constant 0 : i32
          %dma_start3A_234 = tpu.memref_slice %arg2[%dma_start3A_232, %dma_start3A_233] : memref<10000x128xf32, #tpu.memory_space<hbm>> -> memref<10000x128xf32, #tpu.memory_space<hbm>>
          tpu.enqueue_indirect_dma source(%dma_start3A_234 : memref<10000x128xf32, #tpu.memory_space<hbm>>) target(%arg16 : memref<128x128xf32, #tpu.memory_space<vmem>>) offsets(%dma_start3A_231 : memref<128xi32, #tpu.memory_space<vmem>>) semaphore(%arg19 : memref<!tpu.dma_semaphore, #tpu.memory_space<semaphore_mem>>)
          %get3A_235 = arith.constant 2 : i32
          %get3A_236 = arith.index_cast %get3A_235 : i32 to index
          %get3A_237 = arith.constant 0 : index
          %get3A_238 = tpu.vector_load %arg14[%get3A_236, %get3A_237] {strides = array<i32>} : memref<8x128xi32, #tpu.memory_space<vmem>>, vector<16xi32>,
          %broadcast_in_dim3A_239 = arith.constant 1.000000e+00 : f32
          %broadcast_in_dim3A_240 = vector.broadcast %broadcast_in_dim3A_239 : f32 to vector<16xf32>
          tpu.vector_store_idx %arg17[%get3A_238], %broadcast_in_dim3A_240 {add = true} : memref<10016xf32, #tpu.memory_space<vmem>>[vector<16xi32>], vector<16xf32>,
          %get3A_241 = arith.constant 2 : i32
          %get3A_242 = arith.index_cast %get3A_241 : i32 to index
          %get3A_243 = arith.constant 16 : index
          %get3A_244 = tpu.vector_load %arg14[%get3A_242, %get3A_243] {strides = array<i32>} : memref<8x128xi32, #tpu.memory_space<vmem>>, vector<16xi32>,
          %broadcast_in_dim3A_245 = arith.constant 1.000000e+00 : f32
          %broadcast_in_dim3A_246 = vector.broadcast %broadcast_in_dim3A_245 : f32 to vector<16xf32>
          tpu.vector_store_idx %arg17[%get3A_244], %broadcast_in_dim3A_246 {add = true} : memref<10016xf32, #tpu.memory_space<vmem>>[vector<16xi32>], vector<16xf32>,
          %get3A_247 = arith.constant 2 : i32
          %get3A_248 = arith.index_cast %get3A_247 : i32 to index
          %get3A_249 = arith.constant 32 : index
          %get3A_250 = tpu.vector_load %arg14[%get3A_248, %get3A_249] {strides = array<i32>} : memref<8x128xi32, #tpu.memory_space<vmem>>, vector<16xi32>,
          %broadcast_in_dim3A_251 = arith.constant 1.000000e+00 : f32
          %broadcast_in_dim3A_252 = vector.broadcast %broadcast_in_dim3A_251 : f32 to vector<16xf32>
          tpu.vector_store_idx %arg17[%get3A_250], %broadcast_in_dim3A_252 {add = true} : memref<10016xf32, #tpu.memory_space<vmem>>[vector<16xi32>], vector<16xf32>,
          %get3A_253 = arith.constant 2 : i32
          %get3A_254 = arith.index_cast %get3A_253 : i32 to index
          %get3A_255 = arith.constant 48 : index
          %get3A_256 = tpu.vector_load %arg14[%get3A_254, %get3A_255] {strides = array<i32>} : memref<8x128xi32, #tpu.memory_space<vmem>>, vector<16xi32>,
          %broadcast_in_dim3A_257 = arith.constant 1.000000e+00 : f32
          %broadcast_in_dim3A_258 = vector.broadcast %broadcast_in_dim3A_257 : f32 to vector<16xf32>
          tpu.vector_store_idx %arg17[%get3A_256], %broadcast_in_dim3A_258 {add = true} : memref<10016xf32, #tpu.memory_space<vmem>>[vector<16xi32>], vector<16xf32>,
          %get3A_259 = arith.constant 2 : i32
          %get3A_260 = arith.index_cast %get3A_259 : i32 to index
          %get3A_261 = arith.constant 64 : index
          %get3A_262 = tpu.vector_load %arg14[%get3A_260, %get3A_261] {strides = array<i32>} : memref<8x128xi32, #tpu.memory_space<vmem>>, vector<16xi32>,
          %broadcast_in_dim3A_263 = arith.constant 1.000000e+00 : f32
          %broadcast_in_dim3A_264 = vector.broadcast %broadcast_in_dim3A_263 : f32 to vector<16xf32>
          tpu.vector_store_idx %arg17[%get3A_262], %broadcast_in_dim3A_264 {add = true} : memref<10016xf32, #tpu.memory_space<vmem>>[vector<16xi32>], vector<16xf32>,
          %get3A_265 = arith.constant 2 : i32
          %get3A_266 = arith.index_cast %get3A_265 : i32 to index
          %get3A_267 = arith.constant 80 : index
          %get3A_268 = tpu.vector_load %arg14[%get3A_266, %get3A_267] {strides = array<i32>} : memref<8x128xi32, #tpu.memory_space<vmem>>, vector<16xi32>,
          %broadcast_in_dim3A_269 = arith.constant 1.000000e+00 : f32
          %broadcast_in_dim3A_270 = vector.broadcast %broadcast_in_dim3A_269 : f32 to vector<16xf32>
          tpu.vector_store_idx %arg17[%get3A_268], %broadcast_in_dim3A_270 {add = true} : memref<10016xf32, #tpu.memory_space<vmem>>[vector<16xi32>], vector<16xf32>,
          %get3A_271 = arith.constant 2 : i32
          %get3A_272 = arith.index_cast %get3A_271 : i32 to index
          %get3A_273 = arith.constant 96 : index
          %get3A_274 = tpu.vector_load %arg14[%get3A_272, %get3A_273] {strides = array<i32>} : memref<8x128xi32, #tpu.memory_space<vmem>>, vector<16xi32>,
          %broadcast_in_dim3A_275 = arith.constant 1.000000e+00 : f32
          %broadcast_in_dim3A_276 = vector.broadcast %broadcast_in_dim3A_275 : f32 to vector<16xf32>
          tpu.vector_store_idx %arg17[%get3A_274], %broadcast_in_dim3A_276 {add = true} : memref<10016xf32, #tpu.memory_space<vmem>>[vector<16xi32>], vector<16xf32>,
          %get3A_277 = arith.constant 2 : i32
          %get3A_278 = arith.index_cast %get3A_277 : i32 to index
          %get3A_279 = arith.constant 112 : index
          %get3A_280 = tpu.vector_load %arg14[%get3A_278, %get3A_279] {strides = array<i32>} : memref<8x128xi32, #tpu.memory_space<vmem>>, vector<16xi32>,
          %broadcast_in_dim3A_281 = arith.constant 1.000000e+00 : f32
          %broadcast_in_dim3A_282 = vector.broadcast %broadcast_in_dim3A_281 : f32 to vector<16xf32>
          tpu.vector_store_idx %arg17[%get3A_280], %broadcast_in_dim3A_282 {add = true} : memref<10016xf32, #tpu.memory_space<vmem>>[vector<16xi32>], vector<16xf32>,
          %dma_wait3A_283 = arith.constant 3 : i32
          %dma_wait3A_284 = arith.constant 0 : i32
          %dma_wait3A_285 = tpu.memref_slice %arg13[%dma_wait3A_283, %dma_wait3A_284] : memref<8x128xi32, #tpu.memory_space<vmem>> -> memref<1x128xi32, #tpu.memory_space<vmem>>
          %dma_wait3A_286 = tpu.memref_squeeze %dma_wait3A_285 : memref<1x128xi32, #tpu.memory_space<vmem>> -> memref<128xi32, #tpu.memory_space<vmem>>
          %dma_wait3A_287 = arith.constant 0 : i32
          %dma_wait3A_288 = arith.constant 0 : i32
          %dma_wait3A_289 = tpu.memref_slice %arg2[%dma_wait3A_287, %dma_wait3A_288] : memref<10000x128xf32, #tpu.memory_space<hbm>> -> memref<10000x128xf32, #tpu.memory_space<hbm>>
          tpu.wait_indirect_dma semaphore(%arg19 : memref<!tpu.dma_semaphore, #tpu.memory_space<semaphore_mem>>) src(%dma_wait3A_289 : memref<10000x128xf32, #tpu.memory_space<hbm>>) dst(%arg16 : memref<128x128xf32, #tpu.memory_space<vmem>>)
          %dma_start3A_290 = arith.constant 3 : i32
          %dma_start3A_291 = arith.constant 0 : i32
          %dma_start3A_292 = tpu.memref_slice %arg14[%dma_start3A_290, %dma_start3A_291] : memref<8x128xi32, #tpu.memory_space<vmem>> -> memref<1x128xi32, #tpu.memory_space<vmem>>
          %dma_start3A_293 = tpu.memref_squeeze %dma_start3A_292 : memref<1x128xi32, #tpu.memory_space<vmem>> -> memref<128xi32, #tpu.memory_space<vmem>>
          %dma_start3A_294 = arith.constant 0 : i32
          %dma_start3A_295 = arith.constant 0 : i32
          %dma_start3A_296 = tpu.memref_slice %arg12[%dma_start3A_294, %dma_start3A_295] : memref<10008x128xf32, #tpu.memory_space<vmem_shared>> -> memref<10008x128xf32, #tpu.memory_space<vmem_shared>>
          tpu.enqueue_indirect_dma source(%arg16 : memref<128x128xf32, #tpu.memory_space<vmem>>) target(%dma_start3A_296 : memref<10008x128xf32, #tpu.memory_space<vmem_shared>>) offsets(%dma_start3A_293 : memref<128xi32, #tpu.memory_space<vmem>>) semaphore(%arg20 : memref<!tpu.dma_semaphore, #tpu.memory_space<semaphore_mem>>) {add = true}
          %dma_wait3A_297 = arith.constant 2 : i32
          %dma_wait3A_298 = arith.constant 0 : i32
          %dma_wait3A_299 = tpu.memref_slice %arg14[%dma_wait3A_297, %dma_wait3A_298] : memref<8x128xi32, #tpu.memory_space<vmem>> -> memref<1x128xi32, #tpu.memory_space<vmem>>
          %dma_wait3A_300 = tpu.memref_squeeze %dma_wait3A_299 : memref<1x128xi32, #tpu.memory_space<vmem>> -> memref<128xi32, #tpu.memory_space<vmem>>
          %dma_wait3A_301 = arith.constant 0 : i32
          %dma_wait3A_302 = arith.constant 0 : i32
          %dma_wait3A_303 = tpu.memref_slice %arg12[%dma_wait3A_301, %dma_wait3A_302] : memref<10008x128xf32, #tpu.memory_space<vmem_shared>> -> memref<10008x128xf32, #tpu.memory_space<vmem_shared>>
          tpu.wait_indirect_dma semaphore(%arg20 : memref<!tpu.dma_semaphore, #tpu.memory_space<semaphore_mem>>) src(%arg15 : memref<128x128xf32, #tpu.memory_space<vmem>>) dst(%dma_wait3A_303 : memref<10008x128xf32, #tpu.memory_space<vmem_shared>>)
          %dma_start3A_304 = arith.constant 4 : i32
          %dma_start3A_305 = arith.constant 0 : i32
          %dma_start3A_306 = tpu.memref_slice %arg13[%dma_start3A_304, %dma_start3A_305] : memref<8x128xi32, #tpu.memory_space<vmem>> -> memref<1x128xi32, #tpu.memory_space<vmem>>
          %dma_start3A_307 = tpu.memref_squeeze %dma_start3A_306 : memref<1x128xi32, #tpu.memory_space<vmem>> -> memref<128xi32, #tpu.memory_space<vmem>>
          %dma_start3A_308 = arith.constant 0 : i32
          %dma_start3A_309 = arith.constant 0 : i32
          %dma_start3A_310 = tpu.memref_slice %arg2[%dma_start3A_308, %dma_start3A_309] : memref<10000x128xf32, #tpu.memory_space<hbm>> -> memref<10000x128xf32, #tpu.memory_space<hbm>>
          tpu.enqueue_indirect_dma source(%dma_start3A_310 : memref<10000x128xf32, #tpu.memory_space<hbm>>) target(%arg15 : memref<128x128xf32, #tpu.memory_space<vmem>>) offsets(%dma_start3A_307 : memref<128xi32, #tpu.memory_space<vmem>>) semaphore(%arg19 : memref<!tpu.dma_semaphore, #tpu.memory_space<semaphore_mem>>)
          %get3A_311 = arith.constant 3 : i32
          %get3A_312 = arith.index_cast %get3A_311 : i32 to index
          %get3A_313 = arith.constant 0 : index
          %get3A_314 = tpu.vector_load %arg14[%get3A_312, %get3A_313] {strides = array<i32>} : memref<8x128xi32, #tpu.memory_space<vmem>>, vector<16xi32>,
          %broadcast_in_dim3A_315 = arith.constant 1.000000e+00 : f32
          %broadcast_in_dim3A_316 = vector.broadcast %broadcast_in_dim3A_315 : f32 to vector<16xf32>
          tpu.vector_store_idx %arg17[%get3A_314], %broadcast_in_dim3A_316 {add = true} : memref<10016xf32, #tpu.memory_space<vmem>>[vector<16xi32>], vector<16xf32>,
          %get3A_317 = arith.constant 3 : i32
          %get3A_318 = arith.index_cast %get3A_317 : i32 to index
          %get3A_319 = arith.constant 16 : index
          %get3A_320 = tpu.vector_load %arg14[%get3A_318, %get3A_319] {strides = array<i32>} : memref<8x128xi32, #tpu.memory_space<vmem>>, vector<16xi32>,
          %broadcast_in_dim3A_321 = arith.constant 1.000000e+00 : f32
          %broadcast_in_dim3A_322 = vector.broadcast %broadcast_in_dim3A_321 : f32 to vector<16xf32>
          tpu.vector_store_idx %arg17[%get3A_320], %broadcast_in_dim3A_322 {add = true} : memref<10016xf32, #tpu.memory_space<vmem>>[vector<16xi32>], vector<16xf32>,
          %get3A_323 = arith.constant 3 : i32
          %get3A_324 = arith.index_cast %get3A_323 : i32 to index
          %get3A_325 = arith.constant 32 : index
          %get3A_326 = tpu.vector_load %arg14[%get3A_324, %get3A_325] {strides = array<i32>} : memref<8x128xi32, #tpu.memory_space<vmem>>, vector<16xi32>,
          %broadcast_in_dim3A_327 = arith.constant 1.000000e+00 : f32
          %broadcast_in_dim3A_328 = vector.broadcast %broadcast_in_dim3A_327 : f32 to vector<16xf32>
          tpu.vector_store_idx %arg17[%get3A_326], %broadcast_in_dim3A_328 {add = true} : memref<10016xf32, #tpu.memory_space<vmem>>[vector<16xi32>], vector<16xf32>,
          %get3A_329 = arith.constant 3 : i32
          %get3A_330 = arith.index_cast %get3A_329 : i32 to index
          %get3A_331 = arith.constant 48 : index
          %get3A_332 = tpu.vector_load %arg14[%get3A_330, %get3A_331] {strides = array<i32>} : memref<8x128xi32, #tpu.memory_space<vmem>>, vector<16xi32>,
          %broadcast_in_dim3A_333 = arith.constant 1.000000e+00 : f32
          %broadcast_in_dim3A_334 = vector.broadcast %broadcast_in_dim3A_333 : f32 to vector<16xf32>
          tpu.vector_store_idx %arg17[%get3A_332], %broadcast_in_dim3A_334 {add = true} : memref<10016xf32, #tpu.memory_space<vmem>>[vector<16xi32>], vector<16xf32>,
          %get3A_335 = arith.constant 3 : i32
          %get3A_336 = arith.index_cast %get3A_335 : i32 to index
          %get3A_337 = arith.constant 64 : index
          %get3A_338 = tpu.vector_load %arg14[%get3A_336, %get3A_337] {strides = array<i32>} : memref<8x128xi32, #tpu.memory_space<vmem>>, vector<16xi32>,
          %broadcast_in_dim3A_339 = arith.constant 1.000000e+00 : f32
          %broadcast_in_dim3A_340 = vector.broadcast %broadcast_in_dim3A_339 : f32 to vector<16xf32>
          tpu.vector_store_idx %arg17[%get3A_338], %broadcast_in_dim3A_340 {add = true} : memref<10016xf32, #tpu.memory_space<vmem>>[vector<16xi32>], vector<16xf32>,
          %get3A_341 = arith.constant 3 : i32
          %get3A_342 = arith.index_cast %get3A_341 : i32 to index
          %get3A_343 = arith.constant 80 : index
          %get3A_344 = tpu.vector_load %arg14[%get3A_342, %get3A_343] {strides = array<i32>} : memref<8x128xi32, #tpu.memory_space<vmem>>, vector<16xi32>,
          %broadcast_in_dim3A_345 = arith.constant 1.000000e+00 : f32
          %broadcast_in_dim3A_346 = vector.broadcast %broadcast_in_dim3A_345 : f32 to vector<16xf32>
          tpu.vector_store_idx %arg17[%get3A_344], %broadcast_in_dim3A_346 {add = true} : memref<10016xf32, #tpu.memory_space<vmem>>[vector<16xi32>], vector<16xf32>,
          %get3A_347 = arith.constant 3 : i32
          %get3A_348 = arith.index_cast %get3A_347 : i32 to index
          %get3A_349 = arith.constant 96 : index
          %get3A_350 = tpu.vector_load %arg14[%get3A_348, %get3A_349] {strides = array<i32>} : memref<8x128xi32, #tpu.memory_space<vmem>>, vector<16xi32>,
          %broadcast_in_dim3A_351 = arith.constant 1.000000e+00 : f32
          %broadcast_in_dim3A_352 = vector.broadcast %broadcast_in_dim3A_351 : f32 to vector<16xf32>
          tpu.vector_store_idx %arg17[%get3A_350], %broadcast_in_dim3A_352 {add = true} : memref<10016xf32, #tpu.memory_space<vmem>>[vector<16xi32>], vector<16xf32>,
          %get3A_353 = arith.constant 3 : i32
          %get3A_354 = arith.index_cast %get3A_353 : i32 to index
          %get3A_355 = arith.constant 112 : index
          %get3A_356 = tpu.vector_load %arg14[%get3A_354, %get3A_355] {strides = array<i32>} : memref<8x128xi32, #tpu.memory_space<vmem>>, vector<16xi32>,
          %broadcast_in_dim3A_357 = arith.constant 1.000000e+00 : f32
          %broadcast_in_dim3A_358 = vector.broadcast %broadcast_in_dim3A_357 : f32 to vector<16xf32>
          tpu.vector_store_idx %arg17[%get3A_356], %broadcast_in_dim3A_358 {add = true} : memref<10016xf32, #tpu.memory_space<vmem>>[vector<16xi32>], vector<16xf32>,
          %dma_wait3A_359 = arith.constant 4 : i32
          %dma_wait3A_360 = arith.constant 0 : i32
          %dma_wait3A_361 = tpu.memref_slice %arg13[%dma_wait3A_359, %dma_wait3A_360] : memref<8x128xi32, #tpu.memory_space<vmem>> -> memref<1x128xi32, #tpu.memory_space<vmem>>
          %dma_wait3A_362 = tpu.memref_squeeze %dma_wait3A_361 : memref<1x128xi32, #tpu.memory_space<vmem>> -> memref<128xi32, #tpu.memory_space<vmem>>
          %dma_wait3A_363 = arith.constant 0 : i32
          %dma_wait3A_364 = arith.constant 0 : i32
          %dma_wait3A_365 = tpu.memref_slice %arg2[%dma_wait3A_363, %dma_wait3A_364] : memref<10000x128xf32, #tpu.memory_space<hbm>> -> memref<10000x128xf32, #tpu.memory_space<hbm>>
          tpu.wait_indirect_dma semaphore(%arg19 : memref<!tpu.dma_semaphore, #tpu.memory_space<semaphore_mem>>) src(%dma_wait3A_365 : memref<10000x128xf32, #tpu.memory_space<hbm>>) dst(%arg15 : memref<128x128xf32, #tpu.memory_space<vmem>>)
          %dma_start3A_366 = arith.constant 4 : i32
          %dma_start3A_367 = arith.constant 0 : i32
          %dma_start3A_368 = tpu.memref_slice %arg14[%dma_start3A_366, %dma_start3A_367] : memref<8x128xi32, #tpu.memory_space<vmem>> -> memref<1x128xi32, #tpu.memory_space<vmem>>
          %dma_start3A_369 = tpu.memref_squeeze %dma_start3A_368 : memref<1x128xi32, #tpu.memory_space<vmem>> -> memref<128xi32, #tpu.memory_space<vmem>>
          %dma_start3A_370 = arith.constant 0 : i32
          %dma_start3A_371 = arith.constant 0 : i32
          %dma_start3A_372 = tpu.memref_slice %arg12[%dma_start3A_370, %dma_start3A_371] : memref<10008x128xf32, #tpu.memory_space<vmem_shared>> -> memref<10008x128xf32, #tpu.memory_space<vmem_shared>>
          tpu.enqueue_indirect_dma source(%arg15 : memref<128x128xf32, #tpu.memory_space<vmem>>) target(%dma_start3A_372 : memref<10008x128xf32, #tpu.memory_space<vmem_shared>>) offsets(%dma_start3A_369 : memref<128xi32, #tpu.memory_space<vmem>>) semaphore(%arg20 : memref<!tpu.dma_semaphore, #tpu.memory_space<semaphore_mem>>) {add = true}
          %dma_wait3A_373 = arith.constant 3 : i32
          %dma_wait3A_374 = arith.constant 0 : i32
          %dma_wait3A_375 = tpu.memref_slice %arg14[%dma_wait3A_373, %dma_wait3A_374] : memref<8x128xi32, #tpu.memory_space<vmem>> -> memref<1x128xi32, #tpu.memory_space<vmem>>
          %dma_wait3A_376 = tpu.memref_squeeze %dma_wait3A_375 : memref<1x128xi32, #tpu.memory_space<vmem>> -> memref<128xi32, #tpu.memory_space<vmem>>
          %dma_wait3A_377 = arith.constant 0 : i32
          %dma_wait3A_378 = arith.constant 0 : i32
          %dma_wait3A_379 = tpu.memref_slice %arg12[%dma_wait3A_377, %dma_wait3A_378] : memref<10008x128xf32, #tpu.memory_space<vmem_shared>> -> memref<10008x128xf32, #tpu.memory_space<vmem_shared>>
          tpu.wait_indirect_dma semaphore(%arg20 : memref<!tpu.dma_semaphore, #tpu.memory_space<semaphore_mem>>) src(%arg16 : memref<128x128xf32, #tpu.memory_space<vmem>>) dst(%dma_wait3A_379 : memref<10008x128xf32, #tpu.memory_space<vmem_shared>>)
          %dma_start3A_380 = arith.constant 5 : i32
          %dma_start3A_381 = arith.constant 0 : i32
          %dma_start3A_382 = tpu.memref_slice %arg13[%dma_start3A_380, %dma_start3A_381] : memref<8x128xi32, #tpu.memory_space<vmem>> -> memref<1x128xi32, #tpu.memory_space<vmem>>
          %dma_start3A_383 = tpu.memref_squeeze %dma_start3A_382 : memref<1x128xi32, #tpu.memory_space<vmem>> -> memref<128xi32, #tpu.memory_space<vmem>>
          %dma_start3A_384 = arith.constant 0 : i32
          %dma_start3A_385 = arith.constant 0 : i32
          %dma_start3A_386 = tpu.memref_slice %arg2[%dma_start3A_384, %dma_start3A_385] : memref<10000x128xf32, #tpu.memory_space<hbm>> -> memref<10000x128xf32, #tpu.memory_space<hbm>>
          tpu.enqueue_indirect_dma source(%dma_start3A_386 : memref<10000x128xf32, #tpu.memory_space<hbm>>) target(%arg16 : memref<128x128xf32, #tpu.memory_space<vmem>>) offsets(%dma_start3A_383 : memref<128xi32, #tpu.memory_space<vmem>>) semaphore(%arg19 : memref<!tpu.dma_semaphore, #tpu.memory_space<semaphore_mem>>)
          %get3A_387 = arith.constant 4 : i32
          %get3A_388 = arith.index_cast %get3A_387 : i32 to index
          %get3A_389 = arith.constant 0 : index
          %get3A_390 = tpu.vector_load %arg14[%get3A_388, %get3A_389] {strides = array<i32>} : memref<8x128xi32, #tpu.memory_space<vmem>>, vector<16xi32>,
          %broadcast_in_dim3A_391 = arith.constant 1.000000e+00 : f32
          %broadcast_in_dim3A_392 = vector.broadcast %broadcast_in_dim3A_391 : f32 to vector<16xf32>
          tpu.vector_store_idx %arg17[%get3A_390], %broadcast_in_dim3A_392 {add = true} : memref<10016xf32, #tpu.memory_space<vmem>>[vector<16xi32>], vector<16xf32>,
          %get3A_393 = arith.constant 4 : i32
          %get3A_394 = arith.index_cast %get3A_393 : i32 to index
          %get3A_395 = arith.constant 16 : index
          %get3A_396 = tpu.vector_load %arg14[%get3A_394, %get3A_395] {strides = array<i32>} : memref<8x128xi32, #tpu.memory_space<vmem>>, vector<16xi32>,
          %broadcast_in_dim3A_397 = arith.constant 1.000000e+00 : f32
          %broadcast_in_dim3A_398 = vector.broadcast %broadcast_in_dim3A_397 : f32 to vector<16xf32>
          tpu.vector_store_idx %arg17[%get3A_396], %broadcast_in_dim3A_398 {add = true} : memref<10016xf32, #tpu.memory_space<vmem>>[vector<16xi32>], vector<16xf32>,
          %get3A_399 = arith.constant 4 : i32
          %get3A_400 = arith.index_cast %get3A_399 : i32 to index
          %get3A_401 = arith.constant 32 : index
          %get3A_402 = tpu.vector_load %arg14[%get3A_400, %get3A_401] {strides = array<i32>} : memref<8x128xi32, #tpu.memory_space<vmem>>, vector<16xi32>,
          %broadcast_in_dim3A_403 = arith.constant 1.000000e+00 : f32
          %broadcast_in_dim3A_404 = vector.broadcast %broadcast_in_dim3A_403 : f32 to vector<16xf32>
          tpu.vector_store_idx %arg17[%get3A_402], %broadcast_in_dim3A_404 {add = true} : memref<10016xf32, #tpu.memory_space<vmem>>[vector<16xi32>], vector<16xf32>,
          %get3A_405 = arith.constant 4 : i32
          %get3A_406 = arith.index_cast %get3A_405 : i32 to index
          %get3A_407 = arith.constant 48 : index
          %get3A_408 = tpu.vector_load %arg14[%get3A_406, %get3A_407] {strides = array<i32>} : memref<8x128xi32, #tpu.memory_space<vmem>>, vector<16xi32>,
          %broadcast_in_dim3A_409 = arith.constant 1.000000e+00 : f32
          %broadcast_in_dim3A_410 = vector.broadcast %broadcast_in_dim3A_409 : f32 to vector<16xf32>
          tpu.vector_store_idx %arg17[%get3A_408], %broadcast_in_dim3A_410 {add = true} : memref<10016xf32, #tpu.memory_space<vmem>>[vector<16xi32>], vector<16xf32>,
          %get3A_411 = arith.constant 4 : i32
          %get3A_412 = arith.index_cast %get3A_411 : i32 to index
          %get3A_413 = arith.constant 64 : index
          %get3A_414 = tpu.vector_load %arg14[%get3A_412, %get3A_413] {strides = array<i32>} : memref<8x128xi32, #tpu.memory_space<vmem>>, vector<16xi32>,
          %broadcast_in_dim3A_415 = arith.constant 1.000000e+00 : f32
          %broadcast_in_dim3A_416 = vector.broadcast %broadcast_in_dim3A_415 : f32 to vector<16xf32>
          tpu.vector_store_idx %arg17[%get3A_414], %broadcast_in_dim3A_416 {add = true} : memref<10016xf32, #tpu.memory_space<vmem>>[vector<16xi32>], vector<16xf32>,
          %get3A_417 = arith.constant 4 : i32
          %get3A_418 = arith.index_cast %get3A_417 : i32 to index
          %get3A_419 = arith.constant 80 : index
          %get3A_420 = tpu.vector_load %arg14[%get3A_418, %get3A_419] {strides = array<i32>} : memref<8x128xi32, #tpu.memory_space<vmem>>, vector<16xi32>,
          %broadcast_in_dim3A_421 = arith.constant 1.000000e+00 : f32
          %broadcast_in_dim3A_422 = vector.broadcast %broadcast_in_dim3A_421 : f32 to vector<16xf32>
          tpu.vector_store_idx %arg17[%get3A_420], %broadcast_in_dim3A_422 {add = true} : memref<10016xf32, #tpu.memory_space<vmem>>[vector<16xi32>], vector<16xf32>,
          %get3A_423 = arith.constant 4 : i32
          %get3A_424 = arith.index_cast %get3A_423 : i32 to index
          %get3A_425 = arith.constant 96 : index
          %get3A_426 = tpu.vector_load %arg14[%get3A_424, %get3A_425] {strides = array<i32>} : memref<8x128xi32, #tpu.memory_space<vmem>>, vector<16xi32>,
          %broadcast_in_dim3A_427 = arith.constant 1.000000e+00 : f32
          %broadcast_in_dim3A_428 = vector.broadcast %broadcast_in_dim3A_427 : f32 to vector<16xf32>
          tpu.vector_store_idx %arg17[%get3A_426], %broadcast_in_dim3A_428 {add = true} : memref<10016xf32, #tpu.memory_space<vmem>>[vector<16xi32>], vector<16xf32>,
          %get3A_429 = arith.constant 4 : i32
          %get3A_430 = arith.index_cast %get3A_429 : i32 to index
          %get3A_431 = arith.constant 112 : index
          %get3A_432 = tpu.vector_load %arg14[%get3A_430, %get3A_431] {strides = array<i32>} : memref<8x128xi32, #tpu.memory_space<vmem>>, vector<16xi32>,
          %broadcast_in_dim3A_433 = arith.constant 1.000000e+00 : f32
          %broadcast_in_dim3A_434 = vector.broadcast %broadcast_in_dim3A_433 : f32 to vector<16xf32>
          tpu.vector_store_idx %arg17[%get3A_432], %broadcast_in_dim3A_434 {add = true} : memref<10016xf32, #tpu.memory_space<vmem>>[vector<16xi32>], vector<16xf32>,
          %dma_wait3A_435 = arith.constant 5 : i32
          %dma_wait3A_436 = arith.constant 0 : i32
          %dma_wait3A_437 = tpu.memref_slice %arg13[%dma_wait3A_435, %dma_wait3A_436] : memref<8x128xi32, #tpu.memory_space<vmem>> -> memref<1x128xi32, #tpu.memory_space<vmem>>
          %dma_wait3A_438 = tpu.memref_squeeze %dma_wait3A_437 : memref<1x128xi32, #tpu.memory_space<vmem>> -> memref<128xi32, #tpu.memory_space<vmem>>
          %dma_wait3A_439 = arith.constant 0 : i32
          %dma_wait3A_440 = arith.constant 0 : i32
          %dma_wait3A_441 = tpu.memref_slice %arg2[%dma_wait3A_439, %dma_wait3A_440] : memref<10000x128xf32, #tpu.memory_space<hbm>> -> memref<10000x128xf32, #tpu.memory_space<hbm>>
          tpu.wait_indirect_dma semaphore(%arg19 : memref<!tpu.dma_semaphore, #tpu.memory_space<semaphore_mem>>) src(%dma_wait3A_441 : memref<10000x128xf32, #tpu.memory_space<hbm>>) dst(%arg16 : memref<128x128xf32, #tpu.memory_space<vmem>>)
          %dma_start3A_442 = arith.constant 5 : i32
          %dma_start3A_443 = arith.constant 0 : i32
          %dma_start3A_444 = tpu.memref_slice %arg14[%dma_start3A_442, %dma_start3A_443] : memref<8x128xi32, #tpu.memory_space<vmem>> -> memref<1x128xi32, #tpu.memory_space<vmem>>
          %dma_start3A_445 = tpu.memref_squeeze %dma_start3A_444 : memref<1x128xi32, #tpu.memory_space<vmem>> -> memref<128xi32, #tpu.memory_space<vmem>>
          %dma_start3A_446 = arith.constant 0 : i32
          %dma_start3A_447 = arith.constant 0 : i32
          %dma_start3A_448 = tpu.memref_slice %arg12[%dma_start3A_446, %dma_start3A_447] : memref<10008x128xf32, #tpu.memory_space<vmem_shared>> -> memref<10008x128xf32, #tpu.memory_space<vmem_shared>>
          tpu.enqueue_indirect_dma source(%arg16 : memref<128x128xf32, #tpu.memory_space<vmem>>) target(%dma_start3A_448 : memref<10008x128xf32, #tpu.memory_space<vmem_shared>>) offsets(%dma_start3A_445 : memref<128xi32, #tpu.memory_space<vmem>>) semaphore(%arg20 : memref<!tpu.dma_semaphore, #tpu.memory_space<semaphore_mem>>) {add = true}
          %dma_wait3A_449 = arith.constant 4 : i32
          %dma_wait3A_450 = arith.constant 0 : i32
          %dma_wait3A_451 = tpu.memref_slice %arg14[%dma_wait3A_449, %dma_wait3A_450] : memref<8x128xi32, #tpu.memory_space<vmem>> -> memref<1x128xi32, #tpu.memory_space<vmem>>
          %dma_wait3A_452 = tpu.memref_squeeze %dma_wait3A_451 : memref<1x128xi32, #tpu.memory_space<vmem>> -> memref<128xi32, #tpu.memory_space<vmem>>
          %dma_wait3A_453 = arith.constant 0 : i32
          %dma_wait3A_454 = arith.constant 0 : i32
          %dma_wait3A_455 = tpu.memref_slice %arg12[%dma_wait3A_453, %dma_wait3A_454] : memref<10008x128xf32, #tpu.memory_space<vmem_shared>> -> memref<10008x128xf32, #tpu.memory_space<vmem_shared>>
          tpu.wait_indirect_dma semaphore(%arg20 : memref<!tpu.dma_semaphore, #tpu.memory_space<semaphore_mem>>) src(%arg15 : memref<128x128xf32, #tpu.memory_space<vmem>>) dst(%dma_wait3A_455 : memref<10008x128xf32, #tpu.memory_space<vmem_shared>>)
          %dma_start3A_456 = arith.constant 6 : i32
          %dma_start3A_457 = arith.constant 0 : i32
          %dma_start3A_458 = tpu.memref_slice %arg13[%dma_start3A_456, %dma_start3A_457] : memref<8x128xi32, #tpu.memory_space<vmem>> -> memref<1x128xi32, #tpu.memory_space<vmem>>
          %dma_start3A_459 = tpu.memref_squeeze %dma_start3A_458 : memref<1x128xi32, #tpu.memory_space<vmem>> -> memref<128xi32, #tpu.memory_space<vmem>>
          %dma_start3A_460 = arith.constant 0 : i32
          %dma_start3A_461 = arith.constant 0 : i32
          %dma_start3A_462 = tpu.memref_slice %arg2[%dma_start3A_460, %dma_start3A_461] : memref<10000x128xf32, #tpu.memory_space<hbm>> -> memref<10000x128xf32, #tpu.memory_space<hbm>>
          tpu.enqueue_indirect_dma source(%dma_start3A_462 : memref<10000x128xf32, #tpu.memory_space<hbm>>) target(%arg15 : memref<128x128xf32, #tpu.memory_space<vmem>>) offsets(%dma_start3A_459 : memref<128xi32, #tpu.memory_space<vmem>>) semaphore(%arg19 : memref<!tpu.dma_semaphore, #tpu.memory_space<semaphore_mem>>)
          %get3A_463 = arith.constant 5 : i32
          %get3A_464 = arith.index_cast %get3A_463 : i32 to index
          %get3A_465 = arith.constant 0 : index
          %get3A_466 = tpu.vector_load %arg14[%get3A_464, %get3A_465] {strides = array<i32>} : memref<8x128xi32, #tpu.memory_space<vmem>>, vector<16xi32>,
          %broadcast_in_dim3A_467 = arith.constant 1.000000e+00 : f32
          %broadcast_in_dim3A_468 = vector.broadcast %broadcast_in_dim3A_467 : f32 to vector<16xf32>
          tpu.vector_store_idx %arg17[%get3A_466], %broadcast_in_dim3A_468 {add = true} : memref<10016xf32, #tpu.memory_space<vmem>>[vector<16xi32>], vector<16xf32>,
          %get3A_469 = arith.constant 5 : i32
          %get3A_470 = arith.index_cast %get3A_469 : i32 to index
          %get3A_471 = arith.constant 16 : index
          %get3A_472 = tpu.vector_load %arg14[%get3A_470, %get3A_471] {strides = array<i32>} : memref<8x128xi32, #tpu.memory_space<vmem>>, vector<16xi32>,
          %broadcast_in_dim3A_473 = arith.constant 1.000000e+00 : f32
          %broadcast_in_dim3A_474 = vector.broadcast %broadcast_in_dim3A_473 : f32 to vector<16xf32>
          tpu.vector_store_idx %arg17[%get3A_472], %broadcast_in_dim3A_474 {add = true} : memref<10016xf32, #tpu.memory_space<vmem>>[vector<16xi32>], vector<16xf32>,
          %get3A_475 = arith.constant 5 : i32
          %get3A_476 = arith.index_cast %get3A_475 : i32 to index
          %get3A_477 = arith.constant 32 : index
          %get3A_478 = tpu.vector_load %arg14[%get3A_476, %get3A_477] {strides = array<i32>} : memref<8x128xi32, #tpu.memory_space<vmem>>, vector<16xi32>,
          %broadcast_in_dim3A_479 = arith.constant 1.000000e+00 : f32
          %broadcast_in_dim3A_480 = vector.broadcast %broadcast_in_dim3A_479 : f32 to vector<16xf32>
          tpu.vector_store_idx %arg17[%get3A_478], %broadcast_in_dim3A_480 {add = true} : memref<10016xf32, #tpu.memory_space<vmem>>[vector<16xi32>], vector<16xf32>,
          %get3A_481 = arith.constant 5 : i32
          %get3A_482 = arith.index_cast %get3A_481 : i32 to index
          %get3A_483 = arith.constant 48 : index
          %get3A_484 = tpu.vector_load %arg14[%get3A_482, %get3A_483] {strides = array<i32>} : memref<8x128xi32, #tpu.memory_space<vmem>>, vector<16xi32>,
          %broadcast_in_dim3A_485 = arith.constant 1.000000e+00 : f32
          %broadcast_in_dim3A_486 = vector.broadcast %broadcast_in_dim3A_485 : f32 to vector<16xf32>
          tpu.vector_store_idx %arg17[%get3A_484], %broadcast_in_dim3A_486 {add = true} : memref<10016xf32, #tpu.memory_space<vmem>>[vector<16xi32>], vector<16xf32>,
          %get3A_487 = arith.constant 5 : i32
          %get3A_488 = arith.index_cast %get3A_487 : i32 to index
          %get3A_489 = arith.constant 64 : index
          %get3A_490 = tpu.vector_load %arg14[%get3A_488, %get3A_489] {strides = array<i32>} : memref<8x128xi32, #tpu.memory_space<vmem>>, vector<16xi32>,
          %broadcast_in_dim3A_491 = arith.constant 1.000000e+00 : f32
          %broadcast_in_dim3A_492 = vector.broadcast %broadcast_in_dim3A_491 : f32 to vector<16xf32>
          tpu.vector_store_idx %arg17[%get3A_490], %broadcast_in_dim3A_492 {add = true} : memref<10016xf32, #tpu.memory_space<vmem>>[vector<16xi32>], vector<16xf32>,
          %get3A_493 = arith.constant 5 : i32
          %get3A_494 = arith.index_cast %get3A_493 : i32 to index
          %get3A_495 = arith.constant 80 : index
          %get3A_496 = tpu.vector_load %arg14[%get3A_494, %get3A_495] {strides = array<i32>} : memref<8x128xi32, #tpu.memory_space<vmem>>, vector<16xi32>,
          %broadcast_in_dim3A_497 = arith.constant 1.000000e+00 : f32
          %broadcast_in_dim3A_498 = vector.broadcast %broadcast_in_dim3A_497 : f32 to vector<16xf32>
          tpu.vector_store_idx %arg17[%get3A_496], %broadcast_in_dim3A_498 {add = true} : memref<10016xf32, #tpu.memory_space<vmem>>[vector<16xi32>], vector<16xf32>,
          %get3A_499 = arith.constant 5 : i32
          %get3A_500 = arith.index_cast %get3A_499 : i32 to index
          %get3A_501 = arith.constant 96 : index
          %get3A_502 = tpu.vector_load %arg14[%get3A_500, %get3A_501] {strides = array<i32>} : memref<8x128xi32, #tpu.memory_space<vmem>>, vector<16xi32>,
          %broadcast_in_dim3A_503 = arith.constant 1.000000e+00 : f32
          %broadcast_in_dim3A_504 = vector.broadcast %broadcast_in_dim3A_503 : f32 to vector<16xf32>
          tpu.vector_store_idx %arg17[%get3A_502], %broadcast_in_dim3A_504 {add = true} : memref<10016xf32, #tpu.memory_space<vmem>>[vector<16xi32>], vector<16xf32>,
          %get3A_505 = arith.constant 5 : i32
          %get3A_506 = arith.index_cast %get3A_505 : i32 to index
          %get3A_507 = arith.constant 112 : index
          %get3A_508 = tpu.vector_load %arg14[%get3A_506, %get3A_507] {strides = array<i32>} : memref<8x128xi32, #tpu.memory_space<vmem>>, vector<16xi32>,
          %broadcast_in_dim3A_509 = arith.constant 1.000000e+00 : f32
          %broadcast_in_dim3A_510 = vector.broadcast %broadcast_in_dim3A_509 : f32 to vector<16xf32>
          tpu.vector_store_idx %arg17[%get3A_508], %broadcast_in_dim3A_510 {add = true} : memref<10016xf32, #tpu.memory_space<vmem>>[vector<16xi32>], vector<16xf32>,
          %dma_wait3A_511 = arith.constant 6 : i32
          %dma_wait3A_512 = arith.constant 0 : i32
          %dma_wait3A_513 = tpu.memref_slice %arg13[%dma_wait3A_511, %dma_wait3A_512] : memref<8x128xi32, #tpu.memory_space<vmem>> -> memref<1x128xi32, #tpu.memory_space<vmem>>
          %dma_wait3A_514 = tpu.memref_squeeze %dma_wait3A_513 : memref<1x128xi32, #tpu.memory_space<vmem>> -> memref<128xi32, #tpu.memory_space<vmem>>
          %dma_wait3A_515 = arith.constant 0 : i32
          %dma_wait3A_516 = arith.constant 0 : i32
          %dma_wait3A_517 = tpu.memref_slice %arg2[%dma_wait3A_515, %dma_wait3A_516] : memref<10000x128xf32, #tpu.memory_space<hbm>> -> memref<10000x128xf32, #tpu.memory_space<hbm>>
          tpu.wait_indirect_dma semaphore(%arg19 : memref<!tpu.dma_semaphore, #tpu.memory_space<semaphore_mem>>) src(%dma_wait3A_517 : memref<10000x128xf32, #tpu.memory_space<hbm>>) dst(%arg15 : memref<128x128xf32, #tpu.memory_space<vmem>>)
          %dma_start3A_518 = arith.constant 6 : i32
          %dma_start3A_519 = arith.constant 0 : i32
          %dma_start3A_520 = tpu.memref_slice %arg14[%dma_start3A_518, %dma_start3A_519] : memref<8x128xi32, #tpu.memory_space<vmem>> -> memref<1x128xi32, #tpu.memory_space<vmem>>
          %dma_start3A_521 = tpu.memref_squeeze %dma_start3A_520 : memref<1x128xi32, #tpu.memory_space<vmem>> -> memref<128xi32, #tpu.memory_space<vmem>>
          %dma_start3A_522 = arith.constant 0 : i32
          %dma_start3A_523 = arith.constant 0 : i32
          %dma_start3A_524 = tpu.memref_slice %arg12[%dma_start3A_522, %dma_start3A_523] : memref<10008x128xf32, #tpu.memory_space<vmem_shared>> -> memref<10008x128xf32, #tpu.memory_space<vmem_shared>>
          tpu.enqueue_indirect_dma source(%arg15 : memref<128x128xf32, #tpu.memory_space<vmem>>) target(%dma_start3A_524 : memref<10008x128xf32, #tpu.memory_space<vmem_shared>>) offsets(%dma_start3A_521 : memref<128xi32, #tpu.memory_space<vmem>>) semaphore(%arg20 : memref<!tpu.dma_semaphore, #tpu.memory_space<semaphore_mem>>) {add = true}
          %dma_wait3A_525 = arith.constant 5 : i32
          %dma_wait3A_526 = arith.constant 0 : i32
          %dma_wait3A_527 = tpu.memref_slice %arg14[%dma_wait3A_525, %dma_wait3A_526] : memref<8x128xi32, #tpu.memory_space<vmem>> -> memref<1x128xi32, #tpu.memory_space<vmem>>
          %dma_wait3A_528 = tpu.memref_squeeze %dma_wait3A_527 : memref<1x128xi32, #tpu.memory_space<vmem>> -> memref<128xi32, #tpu.memory_space<vmem>>
          %dma_wait3A_529 = arith.constant 0 : i32
          %dma_wait3A_530 = arith.constant 0 : i32
          %dma_wait3A_531 = tpu.memref_slice %arg12[%dma_wait3A_529, %dma_wait3A_530] : memref<10008x128xf32, #tpu.memory_space<vmem_shared>> -> memref<10008x128xf32, #tpu.memory_space<vmem_shared>>
          tpu.wait_indirect_dma semaphore(%arg20 : memref<!tpu.dma_semaphore, #tpu.memory_space<semaphore_mem>>) src(%arg16 : memref<128x128xf32, #tpu.memory_space<vmem>>) dst(%dma_wait3A_531 : memref<10008x128xf32, #tpu.memory_space<vmem_shared>>)
          %dma_start3A_532 = arith.constant 7 : i32
          %dma_start3A_533 = arith.constant 0 : i32
          %dma_start3A_534 = tpu.memref_slice %arg13[%dma_start3A_532, %dma_start3A_533] : memref<8x128xi32, #tpu.memory_space<vmem>> -> memref<1x128xi32, #tpu.memory_space<vmem>>
          %dma_start3A_535 = tpu.memref_squeeze %dma_start3A_534 : memref<1x128xi32, #tpu.memory_space<vmem>> -> memref<128xi32, #tpu.memory_space<vmem>>
          %dma_start3A_536 = arith.constant 0 : i32
          %dma_start3A_537 = arith.constant 0 : i32
          %dma_start3A_538 = tpu.memref_slice %arg2[%dma_start3A_536, %dma_start3A_537] : memref<10000x128xf32, #tpu.memory_space<hbm>> -> memref<10000x128xf32, #tpu.memory_space<hbm>>
          tpu.enqueue_indirect_dma source(%dma_start3A_538 : memref<10000x128xf32, #tpu.memory_space<hbm>>) target(%arg16 : memref<128x128xf32, #tpu.memory_space<vmem>>) offsets(%dma_start3A_535 : memref<128xi32, #tpu.memory_space<vmem>>) semaphore(%arg19 : memref<!tpu.dma_semaphore, #tpu.memory_space<semaphore_mem>>)
          %get3A_539 = arith.constant 6 : i32
          %get3A_540 = arith.index_cast %get3A_539 : i32 to index
          %get3A_541 = arith.constant 0 : index
          %get3A_542 = tpu.vector_load %arg14[%get3A_540, %get3A_541] {strides = array<i32>} : memref<8x128xi32, #tpu.memory_space<vmem>>, vector<16xi32>,
          %broadcast_in_dim3A_543 = arith.constant 1.000000e+00 : f32
          %broadcast_in_dim3A_544 = vector.broadcast %broadcast_in_dim3A_543 : f32 to vector<16xf32>
          tpu.vector_store_idx %arg17[%get3A_542], %broadcast_in_dim3A_544 {add = true} : memref<10016xf32, #tpu.memory_space<vmem>>[vector<16xi32>], vector<16xf32>,
          %get3A_545 = arith.constant 6 : i32
          %get3A_546 = arith.index_cast %get3A_545 : i32 to index
          %get3A_547 = arith.constant 16 : index
          %get3A_548 = tpu.vector_load %arg14[%get3A_546, %get3A_547] {strides = array<i32>} : memref<8x128xi32, #tpu.memory_space<vmem>>, vector<16xi32>,
          %broadcast_in_dim3A_549 = arith.constant 1.000000e+00 : f32
          %broadcast_in_dim3A_550 = vector.broadcast %broadcast_in_dim3A_549 : f32 to vector<16xf32>
          tpu.vector_store_idx %arg17[%get3A_548], %broadcast_in_dim3A_550 {add = true} : memref<10016xf32, #tpu.memory_space<vmem>>[vector<16xi32>], vector<16xf32>,
          %get3A_551 = arith.constant 6 : i32
          %get3A_552 = arith.index_cast %get3A_551 : i32 to index
          %get3A_553 = arith.constant 32 : index
          %get3A_554 = tpu.vector_load %arg14[%get3A_552, %get3A_553] {strides = array<i32>} : memref<8x128xi32, #tpu.memory_space<vmem>>, vector<16xi32>,
          %broadcast_in_dim3A_555 = arith.constant 1.000000e+00 : f32
          %broadcast_in_dim3A_556 = vector.broadcast %broadcast_in_dim3A_555 : f32 to vector<16xf32>
          tpu.vector_store_idx %arg17[%get3A_554], %broadcast_in_dim3A_556 {add = true} : memref<10016xf32, #tpu.memory_space<vmem>>[vector<16xi32>], vector<16xf32>,
          %get3A_557 = arith.constant 6 : i32
          %get3A_558 = arith.index_cast %get3A_557 : i32 to index
          %get3A_559 = arith.constant 48 : index
          %get3A_560 = tpu.vector_load %arg14[%get3A_558, %get3A_559] {strides = array<i32>} : memref<8x128xi32, #tpu.memory_space<vmem>>, vector<16xi32>,
          %broadcast_in_dim3A_561 = arith.constant 1.000000e+00 : f32
          %broadcast_in_dim3A_562 = vector.broadcast %broadcast_in_dim3A_561 : f32 to vector<16xf32>
          tpu.vector_store_idx %arg17[%get3A_560], %broadcast_in_dim3A_562 {add = true} : memref<10016xf32, #tpu.memory_space<vmem>>[vector<16xi32>], vector<16xf32>,
          %get3A_563 = arith.constant 6 : i32
          %get3A_564 = arith.index_cast %get3A_563 : i32 to index
          %get3A_565 = arith.constant 64 : index
          %get3A_566 = tpu.vector_load %arg14[%get3A_564, %get3A_565] {strides = array<i32>} : memref<8x128xi32, #tpu.memory_space<vmem>>, vector<16xi32>,
          %broadcast_in_dim3A_567 = arith.constant 1.000000e+00 : f32
          %broadcast_in_dim3A_568 = vector.broadcast %broadcast_in_dim3A_567 : f32 to vector<16xf32>
          tpu.vector_store_idx %arg17[%get3A_566], %broadcast_in_dim3A_568 {add = true} : memref<10016xf32, #tpu.memory_space<vmem>>[vector<16xi32>], vector<16xf32>,
          %get3A_569 = arith.constant 6 : i32
          %get3A_570 = arith.index_cast %get3A_569 : i32 to index
          %get3A_571 = arith.constant 80 : index
          %get3A_572 = tpu.vector_load %arg14[%get3A_570, %get3A_571] {strides = array<i32>} : memref<8x128xi32, #tpu.memory_space<vmem>>, vector<16xi32>,
          %broadcast_in_dim3A_573 = arith.constant 1.000000e+00 : f32
          %broadcast_in_dim3A_574 = vector.broadcast %broadcast_in_dim3A_573 : f32 to vector<16xf32>
          tpu.vector_store_idx %arg17[%get3A_572], %broadcast_in_dim3A_574 {add = true} : memref<10016xf32, #tpu.memory_space<vmem>>[vector<16xi32>], vector<16xf32>,
          %get3A_575 = arith.constant 6 : i32
          %get3A_576 = arith.index_cast %get3A_575 : i32 to index
          %get3A_577 = arith.constant 96 : index
          %get3A_578 = tpu.vector_load %arg14[%get3A_576, %get3A_577] {strides = array<i32>} : memref<8x128xi32, #tpu.memory_space<vmem>>, vector<16xi32>,
          %broadcast_in_dim3A_579 = arith.constant 1.000000e+00 : f32
          %broadcast_in_dim3A_580 = vector.broadcast %broadcast_in_dim3A_579 : f32 to vector<16xf32>
          tpu.vector_store_idx %arg17[%get3A_578], %broadcast_in_dim3A_580 {add = true} : memref<10016xf32, #tpu.memory_space<vmem>>[vector<16xi32>], vector<16xf32>,
          %get3A_581 = arith.constant 6 : i32
          %get3A_582 = arith.index_cast %get3A_581 : i32 to index
          %get3A_583 = arith.constant 112 : index
          %get3A_584 = tpu.vector_load %arg14[%get3A_582, %get3A_583] {strides = array<i32>} : memref<8x128xi32, #tpu.memory_space<vmem>>, vector<16xi32>,
          %broadcast_in_dim3A_585 = arith.constant 1.000000e+00 : f32
          %broadcast_in_dim3A_586 = vector.broadcast %broadcast_in_dim3A_585 : f32 to vector<16xf32>
          tpu.vector_store_idx %arg17[%get3A_584], %broadcast_in_dim3A_586 {add = true} : memref<10016xf32, #tpu.memory_space<vmem>>[vector<16xi32>], vector<16xf32>,
          %dma_wait3A_587 = arith.constant 7 : i32
          %dma_wait3A_588 = arith.constant 0 : i32
          %dma_wait3A_589 = tpu.memref_slice %arg13[%dma_wait3A_587, %dma_wait3A_588] : memref<8x128xi32, #tpu.memory_space<vmem>> -> memref<1x128xi32, #tpu.memory_space<vmem>>
          %dma_wait3A_590 = tpu.memref_squeeze %dma_wait3A_589 : memref<1x128xi32, #tpu.memory_space<vmem>> -> memref<128xi32, #tpu.memory_space<vmem>>
          %dma_wait3A_591 = arith.constant 0 : i32
          %dma_wait3A_592 = arith.constant 0 : i32
          %dma_wait3A_593 = tpu.memref_slice %arg2[%dma_wait3A_591, %dma_wait3A_592] : memref<10000x128xf32, #tpu.memory_space<hbm>> -> memref<10000x128xf32, #tpu.memory_space<hbm>>
          tpu.wait_indirect_dma semaphore(%arg19 : memref<!tpu.dma_semaphore, #tpu.memory_space<semaphore_mem>>) src(%dma_wait3A_593 : memref<10000x128xf32, #tpu.memory_space<hbm>>) dst(%arg16 : memref<128x128xf32, #tpu.memory_space<vmem>>)
          %dma_start3A_594 = arith.constant 7 : i32
          %dma_start3A_595 = arith.constant 0 : i32
          %dma_start3A_596 = tpu.memref_slice %arg14[%dma_start3A_594, %dma_start3A_595] : memref<8x128xi32, #tpu.memory_space<vmem>> -> memref<1x128xi32, #tpu.memory_space<vmem>>
          %dma_start3A_597 = tpu.memref_squeeze %dma_start3A_596 : memref<1x128xi32, #tpu.memory_space<vmem>> -> memref<128xi32, #tpu.memory_space<vmem>>
          %dma_start3A_598 = arith.constant 0 : i32
          %dma_start3A_599 = arith.constant 0 : i32
          %dma_start3A_600 = tpu.memref_slice %arg12[%dma_start3A_598, %dma_start3A_599] : memref<10008x128xf32, #tpu.memory_space<vmem_shared>> -> memref<10008x128xf32, #tpu.memory_space<vmem_shared>>
          tpu.enqueue_indirect_dma source(%arg16 : memref<128x128xf32, #tpu.memory_space<vmem>>) target(%dma_start3A_600 : memref<10008x128xf32, #tpu.memory_space<vmem_shared>>) offsets(%dma_start3A_597 : memref<128xi32, #tpu.memory_space<vmem>>) semaphore(%arg20 : memref<!tpu.dma_semaphore, #tpu.memory_space<semaphore_mem>>) {add = true}
          %get3A_601 = arith.constant 7 : i32
          %get3A_602 = arith.index_cast %get3A_601 : i32 to index
          %get3A_603 = arith.constant 0 : index
          %get3A_604 = tpu.vector_load %arg14[%get3A_602, %get3A_603] {strides = array<i32>} : memref<8x128xi32, #tpu.memory_space<vmem>>, vector<16xi32>,
          %broadcast_in_dim3A_605 = arith.constant 1.000000e+00 : f32
          %broadcast_in_dim3A_606 = vector.broadcast %broadcast_in_dim3A_605 : f32 to vector<16xf32>
          tpu.vector_store_idx %arg17[%get3A_604], %broadcast_in_dim3A_606 {add = true} : memref<10016xf32, #tpu.memory_space<vmem>>[vector<16xi32>], vector<16xf32>,
          %get3A_607 = arith.constant 7 : i32
          %get3A_608 = arith.index_cast %get3A_607 : i32 to index
          %get3A_609 = arith.constant 16 : index
          %get3A_610 = tpu.vector_load %arg14[%get3A_608, %get3A_609] {strides = array<i32>} : memref<8x128xi32, #tpu.memory_space<vmem>>, vector<16xi32>,
          %broadcast_in_dim3A_611 = arith.constant 1.000000e+00 : f32
          %broadcast_in_dim3A_612 = vector.broadcast %broadcast_in_dim3A_611 : f32 to vector<16xf32>
          tpu.vector_store_idx %arg17[%get3A_610], %broadcast_in_dim3A_612 {add = true} : memref<10016xf32, #tpu.memory_space<vmem>>[vector<16xi32>], vector<16xf32>,
          %get3A_613 = arith.constant 7 : i32
          %get3A_614 = arith.index_cast %get3A_613 : i32 to index
          %get3A_615 = arith.constant 32 : index
          %get3A_616 = tpu.vector_load %arg14[%get3A_614, %get3A_615] {strides = array<i32>} : memref<8x128xi32, #tpu.memory_space<vmem>>, vector<16xi32>,
          %broadcast_in_dim3A_617 = arith.constant 1.000000e+00 : f32
          %broadcast_in_dim3A_618 = vector.broadcast %broadcast_in_dim3A_617 : f32 to vector<16xf32>
          tpu.vector_store_idx %arg17[%get3A_616], %broadcast_in_dim3A_618 {add = true} : memref<10016xf32, #tpu.memory_space<vmem>>[vector<16xi32>], vector<16xf32>,
          %get3A_619 = arith.constant 7 : i32
          %get3A_620 = arith.index_cast %get3A_619 : i32 to index
          %get3A_621 = arith.constant 48 : index
          %get3A_622 = tpu.vector_load %arg14[%get3A_620, %get3A_621] {strides = array<i32>} : memref<8x128xi32, #tpu.memory_space<vmem>>, vector<16xi32>,
          %broadcast_in_dim3A_623 = arith.constant 1.000000e+00 : f32
          %broadcast_in_dim3A_624 = vector.broadcast %broadcast_in_dim3A_623 : f32 to vector<16xf32>
          tpu.vector_store_idx %arg17[%get3A_622], %broadcast_in_dim3A_624 {add = true} : memref<10016xf32, #tpu.memory_space<vmem>>[vector<16xi32>], vector<16xf32>,
          %get3A_625 = arith.constant 7 : i32
          %get3A_626 = arith.index_cast %get3A_625 : i32 to index
          %get3A_627 = arith.constant 64 : index
          %get3A_628 = tpu.vector_load %arg14[%get3A_626, %get3A_627] {strides = array<i32>} : memref<8x128xi32, #tpu.memory_space<vmem>>, vector<16xi32>,
          %broadcast_in_dim3A_629 = arith.constant 1.000000e+00 : f32
          %broadcast_in_dim3A_630 = vector.broadcast %broadcast_in_dim3A_629 : f32 to vector<16xf32>
          tpu.vector_store_idx %arg17[%get3A_628], %broadcast_in_dim3A_630 {add = true} : memref<10016xf32, #tpu.memory_space<vmem>>[vector<16xi32>], vector<16xf32>,
          %get3A_631 = arith.constant 7 : i32
          %get3A_632 = arith.index_cast %get3A_631 : i32 to index
          %get3A_633 = arith.constant 80 : index
          %get3A_634 = tpu.vector_load %arg14[%get3A_632, %get3A_633] {strides = array<i32>} : memref<8x128xi32, #tpu.memory_space<vmem>>, vector<16xi32>,
          %broadcast_in_dim3A_635 = arith.constant 1.000000e+00 : f32
          %broadcast_in_dim3A_636 = vector.broadcast %broadcast_in_dim3A_635 : f32 to vector<16xf32>
          tpu.vector_store_idx %arg17[%get3A_634], %broadcast_in_dim3A_636 {add = true} : memref<10016xf32, #tpu.memory_space<vmem>>[vector<16xi32>], vector<16xf32>,
          %get3A_637 = arith.constant 7 : i32
          %get3A_638 = arith.index_cast %get3A_637 : i32 to index
          %get3A_639 = arith.constant 96 : index
          %get3A_640 = tpu.vector_load %arg14[%get3A_638, %get3A_639] {strides = array<i32>} : memref<8x128xi32, #tpu.memory_space<vmem>>, vector<16xi32>,
          %broadcast_in_dim3A_641 = arith.constant 1.000000e+00 : f32
          %broadcast_in_dim3A_642 = vector.broadcast %broadcast_in_dim3A_641 : f32 to vector<16xf32>
          tpu.vector_store_idx %arg17[%get3A_640], %broadcast_in_dim3A_642 {add = true} : memref<10016xf32, #tpu.memory_space<vmem>>[vector<16xi32>], vector<16xf32>,
          %get3A_643 = arith.constant 7 : i32
          %get3A_644 = arith.index_cast %get3A_643 : i32 to index
          %get3A_645 = arith.constant 112 : index
          %get3A_646 = tpu.vector_load %arg14[%get3A_644, %get3A_645] {strides = array<i32>} : memref<8x128xi32, #tpu.memory_space<vmem>>, vector<16xi32>,
          %broadcast_in_dim3A_647 = arith.constant 1.000000e+00 : f32
          %broadcast_in_dim3A_648 = vector.broadcast %broadcast_in_dim3A_647 : f32 to vector<16xf32>
          tpu.vector_store_idx %arg17[%get3A_646], %broadcast_in_dim3A_648 {add = true} : memref<10016xf32, #tpu.memory_space<vmem>>[vector<16xi32>], vector<16xf32>,
          %dma_wait3A_649 = arith.constant 6 : i32
          %dma_wait3A_650 = arith.constant 0 : i32
          %dma_wait3A_651 = tpu.memref_slice %arg14[%dma_wait3A_649, %dma_wait3A_650] : memref<8x128xi32, #tpu.memory_space<vmem>> -> memref<1x128xi32, #tpu.memory_space<vmem>>
          %dma_wait3A_652 = tpu.memref_squeeze %dma_wait3A_651 : memref<1x128xi32, #tpu.memory_space<vmem>> -> memref<128xi32, #tpu.memory_space<vmem>>
          %dma_wait3A_653 = arith.constant 0 : i32
          %dma_wait3A_654 = arith.constant 0 : i32
          %dma_wait3A_655 = tpu.memref_slice %arg12[%dma_wait3A_653, %dma_wait3A_654] : memref<10008x128xf32, #tpu.memory_space<vmem_shared>> -> memref<10008x128xf32, #tpu.memory_space<vmem_shared>>
          tpu.wait_indirect_dma semaphore(%arg20 : memref<!tpu.dma_semaphore, #tpu.memory_space<semaphore_mem>>) src(%arg15 : memref<128x128xf32, #tpu.memory_space<vmem>>) dst(%dma_wait3A_655 : memref<10008x128xf32, #tpu.memory_space<vmem_shared>>)
          %dma_wait3A_656 = arith.constant 7 : i32
          %dma_wait3A_657 = arith.constant 0 : i32
          %dma_wait3A_658 = tpu.memref_slice %arg14[%dma_wait3A_656, %dma_wait3A_657] : memref<8x128xi32, #tpu.memory_space<vmem>> -> memref<1x128xi32, #tpu.memory_space<vmem>>
          %dma_wait3A_659 = tpu.memref_squeeze %dma_wait3A_658 : memref<1x128xi32, #tpu.memory_space<vmem>> -> memref<128xi32, #tpu.memory_space<vmem>>
          %dma_wait3A_660 = arith.constant 0 : i32
          %dma_wait3A_661 = arith.constant 0 : i32
          %dma_wait3A_662 = tpu.memref_slice %arg12[%dma_wait3A_660, %dma_wait3A_661] : memref<10008x128xf32, #tpu.memory_space<vmem_shared>> -> memref<10008x128xf32, #tpu.memory_space<vmem_shared>>
          tpu.wait_indirect_dma semaphore(%arg20 : memref<!tpu.dma_semaphore, #tpu.memory_space<semaphore_mem>>) src(%arg16 : memref<128x128xf32, #tpu.memory_space<vmem>>) dst(%dma_wait3A_662 : memref<10008x128xf32, #tpu.memory_space<vmem_shared>>)
        } else {
        }
      }
      %scan3A_41 = arith.constant 20 : i32
      %lt3A = arith.constant 4 : i32
      %lt3A_42 = arith.cmpi slt, %arg1, %lt3A : i32
      %convert_element_type3A_43 = arith.extui %lt3A_42 : i1 to i32
      %cond3A_44 = arith.constant 0 : i32
      %cond3A_45 = arith.cmpi ne, %convert_element_type3A_43, %cond3A_44 : i32
      scf.if %cond3A_45 {
        "tpu.region"() ({
          %run_scoped3A = tpu.sem_alloc : memref<!tpu.dma_semaphore, #tpu.memory_space<semaphore_mem>>
          %dma_start3A_94 = arith.constant 0 : i32
          %dma_start3A_95 = arith.constant 0 : i32
          %dma_start3A_96 = tpu.memref_slice %arg13[%dma_start3A_94, %dma_start3A_95] : memref<8x128xi32, #tpu.memory_space<vmem>> -> memref<4x128xi32, #tpu.memory_space<vmem>>
          %dma_start3A_97 = arith.constant 2496 : i32
          %dma_start3A_98 = arith.constant 0 : i32
          %dma_start3A_99 = tpu.memref_slice %arg3[%dma_start3A_97, %dma_start3A_98] : memref<2500x128xi32, #tpu.memory_space<hbm>> -> memref<4x128xi32, #tpu.memory_space<hbm>>
          %dma_start3A_100 = arith.constant 0 : i32
          %dma_start3A_101 = arith.constant 0 : i32
          %dma_start3A_102 = tpu.memref_slice %arg13[%dma_start3A_100, %dma_start3A_101] : memref<8x128xi32, #tpu.memory_space<vmem>> -> memref<4x128xi32, #tpu.memory_space<vmem>>
          %dma_start3A_103 = arith.constant 2496 : i32
          %dma_start3A_104 = arith.constant 0 : i32
          %dma_start3A_105 = tpu.memref_slice %arg3[%dma_start3A_103, %dma_start3A_104] : memref<2500x128xi32, #tpu.memory_space<hbm>> -> memref<4x128xi32, #tpu.memory_space<hbm>>
          tpu.enqueue_dma source(%dma_start3A_105 : memref<4x128xi32, #tpu.memory_space<hbm>>) target(%dma_start3A_102 : memref<4x128xi32, #tpu.memory_space<vmem>>) target_semaphore(%run_scoped3A : memref<!tpu.dma_semaphore, #tpu.memory_space<semaphore_mem>>)
          %dma_wait3A_106 = arith.constant 0 : i32
          %dma_wait3A_107 = arith.constant 0 : i32
          %dma_wait3A_108 = tpu.memref_slice %arg13[%dma_wait3A_106, %dma_wait3A_107] : memref<8x128xi32, #tpu.memory_space<vmem>> -> memref<4x128xi32, #tpu.memory_space<vmem>>
          %dma_wait3A_109 = arith.constant 2496 : i32
          %dma_wait3A_110 = arith.constant 0 : i32
          %dma_wait3A_111 = tpu.memref_slice %arg3[%dma_wait3A_109, %dma_wait3A_110] : memref<2500x128xi32, #tpu.memory_space<hbm>> -> memref<4x128xi32, #tpu.memory_space<hbm>>
          %dma_wait3A_112 = arith.constant 0 : i32
          %dma_wait3A_113 = arith.constant 0 : i32
          %dma_wait3A_114 = tpu.memref_slice %arg13[%dma_wait3A_112, %dma_wait3A_113] : memref<8x128xi32, #tpu.memory_space<vmem>> -> memref<4x128xi32, #tpu.memory_space<vmem>>
          %dma_wait3A_115 = arith.constant 2496 : i32
          %dma_wait3A_116 = arith.constant 0 : i32
          %dma_wait3A_117 = tpu.memref_slice %arg3[%dma_wait3A_115, %dma_wait3A_116] : memref<2500x128xi32, #tpu.memory_space<hbm>> -> memref<4x128xi32, #tpu.memory_space<hbm>>
          tpu.wait_dma2 semaphore(%run_scoped3A : memref<!tpu.dma_semaphore, #tpu.memory_space<semaphore_mem>>) src(%dma_wait3A_117 : memref<4x128xi32, #tpu.memory_space<hbm>>) dst(%dma_wait3A_114 : memref<4x128xi32, #tpu.memory_space<vmem>>)
          tpu.yield
        }) : () -> ()
        "tpu.region"() ({
          %run_scoped3A = tpu.sem_alloc : memref<!tpu.dma_semaphore, #tpu.memory_space<semaphore_mem>>
          %dma_start3A_94 = arith.constant 0 : i32
          %dma_start3A_95 = arith.constant 0 : i32
          %dma_start3A_96 = tpu.memref_slice %arg14[%dma_start3A_94, %dma_start3A_95] : memref<8x128xi32, #tpu.memory_space<vmem>> -> memref<4x128xi32, #tpu.memory_space<vmem>>
          %dma_start3A_97 = arith.constant 2496 : i32
          %dma_start3A_98 = arith.constant 0 : i32
          %dma_start3A_99 = tpu.memref_slice %arg4[%dma_start3A_97, %dma_start3A_98] : memref<2500x128xi32, #tpu.memory_space<hbm>> -> memref<4x128xi32, #tpu.memory_space<hbm>>
          %dma_start3A_100 = arith.constant 0 : i32
          %dma_start3A_101 = arith.constant 0 : i32
          %dma_start3A_102 = tpu.memref_slice %arg14[%dma_start3A_100, %dma_start3A_101] : memref<8x128xi32, #tpu.memory_space<vmem>> -> memref<4x128xi32, #tpu.memory_space<vmem>>
          %dma_start3A_103 = arith.constant 2496 : i32
          %dma_start3A_104 = arith.constant 0 : i32
          %dma_start3A_105 = tpu.memref_slice %arg4[%dma_start3A_103, %dma_start3A_104] : memref<2500x128xi32, #tpu.memory_space<hbm>> -> memref<4x128xi32, #tpu.memory_space<hbm>>
          tpu.enqueue_dma source(%dma_start3A_105 : memref<4x128xi32, #tpu.memory_space<hbm>>) target(%dma_start3A_102 : memref<4x128xi32, #tpu.memory_space<vmem>>) target_semaphore(%run_scoped3A : memref<!tpu.dma_semaphore, #tpu.memory_space<semaphore_mem>>)
          %dma_wait3A_106 = arith.constant 0 : i32
          %dma_wait3A_107 = arith.constant 0 : i32
          %dma_wait3A_108 = tpu.memref_slice %arg14[%dma_wait3A_106, %dma_wait3A_107] : memref<8x128xi32, #tpu.memory_space<vmem>> -> memref<4x128xi32, #tpu.memory_space<vmem>>
          %dma_wait3A_109 = arith.constant 2496 : i32
          %dma_wait3A_110 = arith.constant 0 : i32
          %dma_wait3A_111 = tpu.memref_slice %arg4[%dma_wait3A_109, %dma_wait3A_110] : memref<2500x128xi32, #tpu.memory_space<hbm>> -> memref<4x128xi32, #tpu.memory_space<hbm>>
          %dma_wait3A_112 = arith.constant 0 : i32
          %dma_wait3A_113 = arith.constant 0 : i32
          %dma_wait3A_114 = tpu.memref_slice %arg14[%dma_wait3A_112, %dma_wait3A_113] : memref<8x128xi32, #tpu.memory_space<vmem>> -> memref<4x128xi32, #tpu.memory_space<vmem>>
          %dma_wait3A_115 = arith.constant 2496 : i32
          %dma_wait3A_116 = arith.constant 0 : i32
          %dma_wait3A_117 = tpu.memref_slice %arg4[%dma_wait3A_115, %dma_wait3A_116] : memref<2500x128xi32, #tpu.memory_space<hbm>> -> memref<4x128xi32, #tpu.memory_space<hbm>>
          tpu.wait_dma2 semaphore(%run_scoped3A : memref<!tpu.dma_semaphore, #tpu.memory_space<semaphore_mem>>) src(%dma_wait3A_117 : memref<4x128xi32, #tpu.memory_space<hbm>>) dst(%dma_wait3A_114 : memref<4x128xi32, #tpu.memory_space<vmem>>)
          tpu.yield
        }) : () -> ()
        %dma_start3A = arith.constant 0 : i32
        %dma_start3A_46 = tpu.memref_slice %arg13[%arg1, %dma_start3A] : memref<8x128xi32, #tpu.memory_space<vmem>> -> memref<1x128xi32, #tpu.memory_space<vmem>>
        %dma_start3A_47 = tpu.memref_squeeze %dma_start3A_46 : memref<1x128xi32, #tpu.memory_space<vmem>> -> memref<128xi32, #tpu.memory_space<vmem>>
        %dma_start3A_48 = arith.constant 0 : i32
        %dma_start3A_49 = arith.constant 0 : i32
        %dma_start3A_50 = tpu.memref_slice %arg2[%dma_start3A_48, %dma_start3A_49] : memref<10000x128xf32, #tpu.memory_space<hbm>> -> memref<10000x128xf32, #tpu.memory_space<hbm>>
        tpu.enqueue_indirect_dma source(%dma_start3A_50 : memref<10000x128xf32, #tpu.memory_space<hbm>>) target(%arg15 : memref<128x128xf32, #tpu.memory_space<vmem>>) offsets(%dma_start3A_47 : memref<128xi32, #tpu.memory_space<vmem>>) semaphore(%arg19 : memref<!tpu.dma_semaphore, #tpu.memory_space<semaphore_mem>>)
        %dma_wait3A = arith.constant 0 : i32
        %dma_wait3A_51 = tpu.memref_slice %arg13[%arg1, %dma_wait3A] : memref<8x128xi32, #tpu.memory_space<vmem>> -> memref<1x128xi32, #tpu.memory_space<vmem>>
        %dma_wait3A_52 = tpu.memref_squeeze %dma_wait3A_51 : memref<1x128xi32, #tpu.memory_space<vmem>> -> memref<128xi32, #tpu.memory_space<vmem>>
        %dma_wait3A_53 = arith.constant 0 : i32
        %dma_wait3A_54 = arith.constant 0 : i32
        %dma_wait3A_55 = tpu.memref_slice %arg2[%dma_wait3A_53, %dma_wait3A_54] : memref<10000x128xf32, #tpu.memory_space<hbm>> -> memref<10000x128xf32, #tpu.memory_space<hbm>>
        tpu.wait_indirect_dma semaphore(%arg19 : memref<!tpu.dma_semaphore, #tpu.memory_space<semaphore_mem>>) src(%dma_wait3A_55 : memref<10000x128xf32, #tpu.memory_space<hbm>>) dst(%arg15 : memref<128x128xf32, #tpu.memory_space<vmem>>)
        "tpu.region"() ({
          %run_scoped3A = tpu.sem_alloc : memref<!tpu.dma_semaphore, #tpu.memory_space<semaphore_mem>>
          %dma_start3A_94 = arith.constant 0 : i32
          %dma_start3A_95 = tpu.memref_slice %arg14[%arg1, %dma_start3A_94] : memref<8x128xi32, #tpu.memory_space<vmem>> -> memref<1x128xi32, #tpu.memory_space<vmem>>
          %dma_start3A_96 = tpu.memref_squeeze %dma_start3A_95 : memref<1x128xi32, #tpu.memory_space<vmem>> -> memref<128xi32, #tpu.memory_space<vmem>>
          %dma_start3A_97 = arith.constant 0 : i32
          %dma_start3A_98 = arith.constant 0 : i32
          %dma_start3A_99 = tpu.memref_slice %arg12[%dma_start3A_97, %dma_start3A_98] : memref<10008x128xf32, #tpu.memory_space<vmem_shared>> -> memref<10008x128xf32, #tpu.memory_space<vmem_shared>>
          tpu.enqueue_indirect_dma source(%arg15 : memref<128x128xf32, #tpu.memory_space<vmem>>) target(%dma_start3A_99 : memref<10008x128xf32, #tpu.memory_space<vmem_shared>>) offsets(%dma_start3A_96 : memref<128xi32, #tpu.memory_space<vmem>>) semaphore(%run_scoped3A : memref<!tpu.dma_semaphore, #tpu.memory_space<semaphore_mem>>) {add = true}
          %dma_wait3A_100 = arith.constant 0 : i32
          %dma_wait3A_101 = tpu.memref_slice %arg14[%arg1, %dma_wait3A_100] : memref<8x128xi32, #tpu.memory_space<vmem>> -> memref<1x128xi32, #tpu.memory_space<vmem>>
          %dma_wait3A_102 = tpu.memref_squeeze %dma_wait3A_101 : memref<1x128xi32, #tpu.memory_space<vmem>> -> memref<128xi32, #tpu.memory_space<vmem>>
          %dma_wait3A_103 = arith.constant 0 : i32
          %dma_wait3A_104 = arith.constant 0 : i32
          %dma_wait3A_105 = tpu.memref_slice %arg12[%dma_wait3A_103, %dma_wait3A_104] : memref<10008x128xf32, #tpu.memory_space<vmem_shared>> -> memref<10008x128xf32, #tpu.memory_space<vmem_shared>>
          tpu.wait_indirect_dma semaphore(%run_scoped3A : memref<!tpu.dma_semaphore, #tpu.memory_space<semaphore_mem>>) src(%arg15 : memref<128x128xf32, #tpu.memory_space<vmem>>) dst(%dma_wait3A_105 : memref<10008x128xf32, #tpu.memory_space<vmem_shared>>)
          tpu.yield
        }) : () -> ()
        %get3A = arith.index_cast %arg1 : i32 to index
        %get3A_56 = arith.constant 0 : index
        %get3A_57 = tpu.vector_load %arg14[%get3A, %get3A_56] {strides = array<i32>} : memref<8x128xi32, #tpu.memory_space<vmem>>, vector<16xi32>,
        %broadcast_in_dim3A = arith.constant 1.000000e+00 : f32
        %broadcast_in_dim3A_58 = vector.broadcast %broadcast_in_dim3A : f32 to vector<16xf32>
        tpu.vector_store_idx %arg17[%get3A_57], %broadcast_in_dim3A_58 {add = true} : memref<10016xf32, #tpu.memory_space<vmem>>[vector<16xi32>], vector<16xf32>,
        %get3A_59 = arith.index_cast %arg1 : i32 to index
        %get3A_60 = arith.constant 16 : index
        %get3A_61 = tpu.vector_load %arg14[%get3A_59, %get3A_60] {strides = array<i32>} : memref<8x128xi32, #tpu.memory_space<vmem>>, vector<16xi32>,
        %broadcast_in_dim3A_62 = arith.constant 1.000000e+00 : f32
        %broadcast_in_dim3A_63 = vector.broadcast %broadcast_in_dim3A_62 : f32 to vector<16xf32>
        tpu.vector_store_idx %arg17[%get3A_61], %broadcast_in_dim3A_63 {add = true} : memref<10016xf32, #tpu.memory_space<vmem>>[vector<16xi32>], vector<16xf32>,
        %get3A_64 = arith.index_cast %arg1 : i32 to index
        %get3A_65 = arith.constant 32 : index
        %get3A_66 = tpu.vector_load %arg14[%get3A_64, %get3A_65] {strides = array<i32>} : memref<8x128xi32, #tpu.memory_space<vmem>>, vector<16xi32>,
        %broadcast_in_dim3A_67 = arith.constant 1.000000e+00 : f32
        %broadcast_in_dim3A_68 = vector.broadcast %broadcast_in_dim3A_67 : f32 to vector<16xf32>
        tpu.vector_store_idx %arg17[%get3A_66], %broadcast_in_dim3A_68 {add = true} : memref<10016xf32, #tpu.memory_space<vmem>>[vector<16xi32>], vector<16xf32>,
        %get3A_69 = arith.index_cast %arg1 : i32 to index
        %get3A_70 = arith.constant 48 : index
        %get3A_71 = tpu.vector_load %arg14[%get3A_69, %get3A_70] {strides = array<i32>} : memref<8x128xi32, #tpu.memory_space<vmem>>, vector<16xi32>,
        %broadcast_in_dim3A_72 = arith.constant 1.000000e+00 : f32
        %broadcast_in_dim3A_73 = vector.broadcast %broadcast_in_dim3A_72 : f32 to vector<16xf32>
        tpu.vector_store_idx %arg17[%get3A_71], %broadcast_in_dim3A_73 {add = true} : memref<10016xf32, #tpu.memory_space<vmem>>[vector<16xi32>], vector<16xf32>,
        %get3A_74 = arith.index_cast %arg1 : i32 to index
        %get3A_75 = arith.constant 64 : index
        %get3A_76 = tpu.vector_load %arg14[%get3A_74, %get3A_75] {strides = array<i32>} : memref<8x128xi32, #tpu.memory_space<vmem>>, vector<16xi32>,
        %broadcast_in_dim3A_77 = arith.constant 1.000000e+00 : f32
        %broadcast_in_dim3A_78 = vector.broadcast %broadcast_in_dim3A_77 : f32 to vector<16xf32>
        tpu.vector_store_idx %arg17[%get3A_76], %broadcast_in_dim3A_78 {add = true} : memref<10016xf32, #tpu.memory_space<vmem>>[vector<16xi32>], vector<16xf32>,
        %get3A_79 = arith.index_cast %arg1 : i32 to index
        %get3A_80 = arith.constant 80 : index
        %get3A_81 = tpu.vector_load %arg14[%get3A_79, %get3A_80] {strides = array<i32>} : memref<8x128xi32, #tpu.memory_space<vmem>>, vector<16xi32>,
        %broadcast_in_dim3A_82 = arith.constant 1.000000e+00 : f32
        %broadcast_in_dim3A_83 = vector.broadcast %broadcast_in_dim3A_82 : f32 to vector<16xf32>
        tpu.vector_store_idx %arg17[%get3A_81], %broadcast_in_dim3A_83 {add = true} : memref<10016xf32, #tpu.memory_space<vmem>>[vector<16xi32>], vector<16xf32>,
        %get3A_84 = arith.index_cast %arg1 : i32 to index
        %get3A_85 = arith.constant 96 : index
        %get3A_86 = tpu.vector_load %arg14[%get3A_84, %get3A_85] {strides = array<i32>} : memref<8x128xi32, #tpu.memory_space<vmem>>, vector<16xi32>,
        %broadcast_in_dim3A_87 = arith.constant 1.000000e+00 : f32
        %broadcast_in_dim3A_88 = vector.broadcast %broadcast_in_dim3A_87 : f32 to vector<16xf32>
        tpu.vector_store_idx %arg17[%get3A_86], %broadcast_in_dim3A_88 {add = true} : memref<10016xf32, #tpu.memory_space<vmem>>[vector<16xi32>], vector<16xf32>,
        %get3A_89 = arith.index_cast %arg1 : i32 to index
        %get3A_90 = arith.constant 112 : index
        %get3A_91 = tpu.vector_load %arg14[%get3A_89, %get3A_90] {strides = array<i32>} : memref<8x128xi32, #tpu.memory_space<vmem>>, vector<16xi32>,
        %broadcast_in_dim3A_92 = arith.constant 1.000000e+00 : f32
        %broadcast_in_dim3A_93 = vector.broadcast %broadcast_in_dim3A_92 : f32 to vector<16xf32>
        tpu.vector_store_idx %arg17[%get3A_91], %broadcast_in_dim3A_93 {add = true} : memref<10016xf32, #tpu.memory_space<vmem>>[vector<16xi32>], vector<16xf32>,
      } else {
      }
    } else {
    }
    %eq3A_21 = arith.constant 1 : i32
    %eq3A_22 = arith.cmpi eq, %arg0, %eq3A_21 : i32
    %convert_element_type3A_23 = arith.extui %eq3A_22 : i1 to i32
    %cond3A_24 = arith.constant 0 : i32
    %cond3A_25 = arith.cmpi ne, %convert_element_type3A_23, %cond3A_24 : i32
    scf.if %cond3A_25 {
      %scan3A_37 = arith.constant 0 : i32
      %scan3A_38 = arith.constant 20 : i32
      %scan3A_39 = arith.addi %scan3A_37, %scan3A_38 : i32
      %scan3A_40 = arith.constant 1 : i32
      scf.for %scan3A_46 = %scan3A_37 to %scan3A_39 step %scan3A_40  : i32 {
        %mul3A = arith.constant 1 : i32
        %mul3A_47 = arith.muli %scan3A_46, %mul3A : i32
        %add3A = arith.constant 0 : i32
        %add3A_48 = arith.addi %add3A, %mul3A_47 : i32
        %mul3A_49 = arith.constant 16 : i32
        %mul3A_50 = arith.muli %mul3A_49, %add3A_48 : i32
        %add3A_51 = arith.addi %arg1, %mul3A_50 : i32
        %lt3A_52 = arith.constant 312 : i32
        %lt3A_53 = arith.cmpi slt, %add3A_51, %lt3A_52 : i32
        %convert_element_type3A_54 = arith.extui %lt3A_53 : i1 to i32
        %cond3A_55 = arith.constant 0 : i32
        %cond3A_56 = arith.cmpi ne, %convert_element_type3A_54, %cond3A_55 : i32
        scf.if %cond3A_56 {
          %mul3A_57 = arith.constant 8 : i32
          %mul3A_58 = arith.muli %add3A_51, %mul3A_57 : i32
          "tpu.region"() ({
            %run_scoped3A = tpu.sem_alloc : memref<!tpu.dma_semaphore, #tpu.memory_space<semaphore_mem>>
            %dma_start3A_663 = arith.constant 0 : i32
            %dma_start3A_664 = tpu.memref_slice %arg6[%mul3A_58, %dma_start3A_663] : memref<2500x128xi32, #tpu.memory_space<hbm>> -> memref<8x128xi32, #tpu.memory_space<hbm>>
            %dma_start3A_665 = arith.constant 0 : i32
            %dma_start3A_666 = tpu.memref_slice %arg6[%mul3A_58, %dma_start3A_665] : memref<2500x128xi32, #tpu.memory_space<hbm>> -> memref<8x128xi32, #tpu.memory_space<hbm>>
            tpu.enqueue_dma source(%dma_start3A_666 : memref<8x128xi32, #tpu.memory_space<hbm>>) target(%arg13 : memref<8x128xi32, #tpu.memory_space<vmem>>) target_semaphore(%run_scoped3A : memref<!tpu.dma_semaphore, #tpu.memory_space<semaphore_mem>>)
            %dma_wait3A_667 = arith.constant 0 : i32
            %dma_wait3A_668 = tpu.memref_slice %arg6[%mul3A_58, %dma_wait3A_667] : memref<2500x128xi32, #tpu.memory_space<hbm>> -> memref<8x128xi32, #tpu.memory_space<hbm>>
            %dma_wait3A_669 = arith.constant 0 : i32
            %dma_wait3A_670 = tpu.memref_slice %arg6[%mul3A_58, %dma_wait3A_669] : memref<2500x128xi32, #tpu.memory_space<hbm>> -> memref<8x128xi32, #tpu.memory_space<hbm>>
            tpu.wait_dma2 semaphore(%run_scoped3A : memref<!tpu.dma_semaphore, #tpu.memory_space<semaphore_mem>>) src(%dma_wait3A_670 : memref<8x128xi32, #tpu.memory_space<hbm>>) dst(%arg13 : memref<8x128xi32, #tpu.memory_space<vmem>>)
            tpu.yield
          }) : () -> ()
          "tpu.region"() ({
            %run_scoped3A = tpu.sem_alloc : memref<!tpu.dma_semaphore, #tpu.memory_space<semaphore_mem>>
            %dma_start3A_663 = arith.constant 0 : i32
            %dma_start3A_664 = tpu.memref_slice %arg7[%mul3A_58, %dma_start3A_663] : memref<2500x128xi32, #tpu.memory_space<hbm>> -> memref<8x128xi32, #tpu.memory_space<hbm>>
            %dma_start3A_665 = arith.constant 0 : i32
            %dma_start3A_666 = tpu.memref_slice %arg7[%mul3A_58, %dma_start3A_665] : memref<2500x128xi32, #tpu.memory_space<hbm>> -> memref<8x128xi32, #tpu.memory_space<hbm>>
            tpu.enqueue_dma source(%dma_start3A_666 : memref<8x128xi32, #tpu.memory_space<hbm>>) target(%arg14 : memref<8x128xi32, #tpu.memory_space<vmem>>) target_semaphore(%run_scoped3A : memref<!tpu.dma_semaphore, #tpu.memory_space<semaphore_mem>>)
            %dma_wait3A_667 = arith.constant 0 : i32
            %dma_wait3A_668 = tpu.memref_slice %arg7[%mul3A_58, %dma_wait3A_667] : memref<2500x128xi32, #tpu.memory_space<hbm>> -> memref<8x128xi32, #tpu.memory_space<hbm>>
            %dma_wait3A_669 = arith.constant 0 : i32
            %dma_wait3A_670 = tpu.memref_slice %arg7[%mul3A_58, %dma_wait3A_669] : memref<2500x128xi32, #tpu.memory_space<hbm>> -> memref<8x128xi32, #tpu.memory_space<hbm>>
            tpu.wait_dma2 semaphore(%run_scoped3A : memref<!tpu.dma_semaphore, #tpu.memory_space<semaphore_mem>>) src(%dma_wait3A_670 : memref<8x128xi32, #tpu.memory_space<hbm>>) dst(%arg14 : memref<8x128xi32, #tpu.memory_space<vmem>>)
            tpu.yield
          }) : () -> ()
          %dma_start3A = arith.constant 0 : i32
          %dma_start3A_59 = arith.constant 0 : i32
          %dma_start3A_60 = tpu.memref_slice %arg13[%dma_start3A, %dma_start3A_59] : memref<8x128xi32, #tpu.memory_space<vmem>> -> memref<1x128xi32, #tpu.memory_space<vmem>>
          %dma_start3A_61 = tpu.memref_squeeze %dma_start3A_60 : memref<1x128xi32, #tpu.memory_space<vmem>> -> memref<128xi32, #tpu.memory_space<vmem>>
          %dma_start3A_62 = arith.constant 0 : i32
          %dma_start3A_63 = arith.constant 0 : i32
          %dma_start3A_64 = tpu.memref_slice %arg5[%dma_start3A_62, %dma_start3A_63] : memref<10000x128xf32, #tpu.memory_space<hbm>> -> memref<10000x128xf32, #tpu.memory_space<hbm>>
          tpu.enqueue_indirect_dma source(%dma_start3A_64 : memref<10000x128xf32, #tpu.memory_space<hbm>>) target(%arg15 : memref<128x128xf32, #tpu.memory_space<vmem>>) offsets(%dma_start3A_61 : memref<128xi32, #tpu.memory_space<vmem>>) semaphore(%arg19 : memref<!tpu.dma_semaphore, #tpu.memory_space<semaphore_mem>>)
          %dma_wait3A = arith.constant 0 : i32
          %dma_wait3A_65 = arith.constant 0 : i32
          %dma_wait3A_66 = tpu.memref_slice %arg13[%dma_wait3A, %dma_wait3A_65] : memref<8x128xi32, #tpu.memory_space<vmem>> -> memref<1x128xi32, #tpu.memory_space<vmem>>
          %dma_wait3A_67 = tpu.memref_squeeze %dma_wait3A_66 : memref<1x128xi32, #tpu.memory_space<vmem>> -> memref<128xi32, #tpu.memory_space<vmem>>
          %dma_wait3A_68 = arith.constant 0 : i32
          %dma_wait3A_69 = arith.constant 0 : i32
          %dma_wait3A_70 = tpu.memref_slice %arg5[%dma_wait3A_68, %dma_wait3A_69] : memref<10000x128xf32, #tpu.memory_space<hbm>> -> memref<10000x128xf32, #tpu.memory_space<hbm>>
          tpu.wait_indirect_dma semaphore(%arg19 : memref<!tpu.dma_semaphore, #tpu.memory_space<semaphore_mem>>) src(%dma_wait3A_70 : memref<10000x128xf32, #tpu.memory_space<hbm>>) dst(%arg15 : memref<128x128xf32, #tpu.memory_space<vmem>>)
          %dma_start3A_71 = arith.constant 0 : i32
          %dma_start3A_72 = arith.constant 0 : i32
          %dma_start3A_73 = tpu.memref_slice %arg14[%dma_start3A_71, %dma_start3A_72] : memref<8x128xi32, #tpu.memory_space<vmem>> -> memref<1x128xi32, #tpu.memory_space<vmem>>
          %dma_start3A_74 = tpu.memref_squeeze %dma_start3A_73 : memref<1x128xi32, #tpu.memory_space<vmem>> -> memref<128xi32, #tpu.memory_space<vmem>>
          %dma_start3A_75 = arith.constant 0 : i32
          %dma_start3A_76 = arith.constant 0 : i32
          %dma_start3A_77 = tpu.memref_slice %arg12[%dma_start3A_75, %dma_start3A_76] : memref<10008x128xf32, #tpu.memory_space<vmem_shared>> -> memref<10008x128xf32, #tpu.memory_space<vmem_shared>>
          tpu.enqueue_indirect_dma source(%arg15 : memref<128x128xf32, #tpu.memory_space<vmem>>) target(%dma_start3A_77 : memref<10008x128xf32, #tpu.memory_space<vmem_shared>>) offsets(%dma_start3A_74 : memref<128xi32, #tpu.memory_space<vmem>>) semaphore(%arg20 : memref<!tpu.dma_semaphore, #tpu.memory_space<semaphore_mem>>) {add = true}
          %dma_start3A_78 = arith.constant 1 : i32
          %dma_start3A_79 = arith.constant 0 : i32
          %dma_start3A_80 = tpu.memref_slice %arg13[%dma_start3A_78, %dma_start3A_79] : memref<8x128xi32, #tpu.memory_space<vmem>> -> memref<1x128xi32, #tpu.memory_space<vmem>>
          %dma_start3A_81 = tpu.memref_squeeze %dma_start3A_80 : memref<1x128xi32, #tpu.memory_space<vmem>> -> memref<128xi32, #tpu.memory_space<vmem>>
          %dma_start3A_82 = arith.constant 0 : i32
          %dma_start3A_83 = arith.constant 0 : i32
          %dma_start3A_84 = tpu.memref_slice %arg5[%dma_start3A_82, %dma_start3A_83] : memref<10000x128xf32, #tpu.memory_space<hbm>> -> memref<10000x128xf32, #tpu.memory_space<hbm>>
          tpu.enqueue_indirect_dma source(%dma_start3A_84 : memref<10000x128xf32, #tpu.memory_space<hbm>>) target(%arg16 : memref<128x128xf32, #tpu.memory_space<vmem>>) offsets(%dma_start3A_81 : memref<128xi32, #tpu.memory_space<vmem>>) semaphore(%arg19 : memref<!tpu.dma_semaphore, #tpu.memory_space<semaphore_mem>>)
          %get3A = arith.constant 0 : i32
          %get3A_85 = arith.index_cast %get3A : i32 to index
          %get3A_86 = arith.constant 0 : index
          %get3A_87 = tpu.vector_load %arg14[%get3A_85, %get3A_86] {strides = array<i32>} : memref<8x128xi32, #tpu.memory_space<vmem>>, vector<16xi32>,
          %broadcast_in_dim3A = arith.constant 1.000000e+00 : f32
          %broadcast_in_dim3A_88 = vector.broadcast %broadcast_in_dim3A : f32 to vector<16xf32>
          tpu.vector_store_idx %arg17[%get3A_87], %broadcast_in_dim3A_88 {add = true} : memref<10016xf32, #tpu.memory_space<vmem>>[vector<16xi32>], vector<16xf32>,
          %get3A_89 = arith.constant 0 : i32
          %get3A_90 = arith.index_cast %get3A_89 : i32 to index
          %get3A_91 = arith.constant 16 : index
          %get3A_92 = tpu.vector_load %arg14[%get3A_90, %get3A_91] {strides = array<i32>} : memref<8x128xi32, #tpu.memory_space<vmem>>, vector<16xi32>,
          %broadcast_in_dim3A_93 = arith.constant 1.000000e+00 : f32
          %broadcast_in_dim3A_94 = vector.broadcast %broadcast_in_dim3A_93 : f32 to vector<16xf32>
          tpu.vector_store_idx %arg17[%get3A_92], %broadcast_in_dim3A_94 {add = true} : memref<10016xf32, #tpu.memory_space<vmem>>[vector<16xi32>], vector<16xf32>,
          %get3A_95 = arith.constant 0 : i32
          %get3A_96 = arith.index_cast %get3A_95 : i32 to index
          %get3A_97 = arith.constant 32 : index
          %get3A_98 = tpu.vector_load %arg14[%get3A_96, %get3A_97] {strides = array<i32>} : memref<8x128xi32, #tpu.memory_space<vmem>>, vector<16xi32>,
          %broadcast_in_dim3A_99 = arith.constant 1.000000e+00 : f32
          %broadcast_in_dim3A_100 = vector.broadcast %broadcast_in_dim3A_99 : f32 to vector<16xf32>
          tpu.vector_store_idx %arg17[%get3A_98], %broadcast_in_dim3A_100 {add = true} : memref<10016xf32, #tpu.memory_space<vmem>>[vector<16xi32>], vector<16xf32>,
          %get3A_101 = arith.constant 0 : i32
          %get3A_102 = arith.index_cast %get3A_101 : i32 to index
          %get3A_103 = arith.constant 48 : index
          %get3A_104 = tpu.vector_load %arg14[%get3A_102, %get3A_103] {strides = array<i32>} : memref<8x128xi32, #tpu.memory_space<vmem>>, vector<16xi32>,
          %broadcast_in_dim3A_105 = arith.constant 1.000000e+00 : f32
          %broadcast_in_dim3A_106 = vector.broadcast %broadcast_in_dim3A_105 : f32 to vector<16xf32>
          tpu.vector_store_idx %arg17[%get3A_104], %broadcast_in_dim3A_106 {add = true} : memref<10016xf32, #tpu.memory_space<vmem>>[vector<16xi32>], vector<16xf32>,
          %get3A_107 = arith.constant 0 : i32
          %get3A_108 = arith.index_cast %get3A_107 : i32 to index
          %get3A_109 = arith.constant 64 : index
          %get3A_110 = tpu.vector_load %arg14[%get3A_108, %get3A_109] {strides = array<i32>} : memref<8x128xi32, #tpu.memory_space<vmem>>, vector<16xi32>,
          %broadcast_in_dim3A_111 = arith.constant 1.000000e+00 : f32
          %broadcast_in_dim3A_112 = vector.broadcast %broadcast_in_dim3A_111 : f32 to vector<16xf32>
          tpu.vector_store_idx %arg17[%get3A_110], %broadcast_in_dim3A_112 {add = true} : memref<10016xf32, #tpu.memory_space<vmem>>[vector<16xi32>], vector<16xf32>,
          %get3A_113 = arith.constant 0 : i32
          %get3A_114 = arith.index_cast %get3A_113 : i32 to index
          %get3A_115 = arith.constant 80 : index
          %get3A_116 = tpu.vector_load %arg14[%get3A_114, %get3A_115] {strides = array<i32>} : memref<8x128xi32, #tpu.memory_space<vmem>>, vector<16xi32>,
          %broadcast_in_dim3A_117 = arith.constant 1.000000e+00 : f32
          %broadcast_in_dim3A_118 = vector.broadcast %broadcast_in_dim3A_117 : f32 to vector<16xf32>
          tpu.vector_store_idx %arg17[%get3A_116], %broadcast_in_dim3A_118 {add = true} : memref<10016xf32, #tpu.memory_space<vmem>>[vector<16xi32>], vector<16xf32>,
          %get3A_119 = arith.constant 0 : i32
          %get3A_120 = arith.index_cast %get3A_119 : i32 to index
          %get3A_121 = arith.constant 96 : index
          %get3A_122 = tpu.vector_load %arg14[%get3A_120, %get3A_121] {strides = array<i32>} : memref<8x128xi32, #tpu.memory_space<vmem>>, vector<16xi32>,
          %broadcast_in_dim3A_123 = arith.constant 1.000000e+00 : f32
          %broadcast_in_dim3A_124 = vector.broadcast %broadcast_in_dim3A_123 : f32 to vector<16xf32>
          tpu.vector_store_idx %arg17[%get3A_122], %broadcast_in_dim3A_124 {add = true} : memref<10016xf32, #tpu.memory_space<vmem>>[vector<16xi32>], vector<16xf32>,
          %get3A_125 = arith.constant 0 : i32
          %get3A_126 = arith.index_cast %get3A_125 : i32 to index
          %get3A_127 = arith.constant 112 : index
          %get3A_128 = tpu.vector_load %arg14[%get3A_126, %get3A_127] {strides = array<i32>} : memref<8x128xi32, #tpu.memory_space<vmem>>, vector<16xi32>,
          %broadcast_in_dim3A_129 = arith.constant 1.000000e+00 : f32
          %broadcast_in_dim3A_130 = vector.broadcast %broadcast_in_dim3A_129 : f32 to vector<16xf32>
          tpu.vector_store_idx %arg17[%get3A_128], %broadcast_in_dim3A_130 {add = true} : memref<10016xf32, #tpu.memory_space<vmem>>[vector<16xi32>], vector<16xf32>,
          %dma_wait3A_131 = arith.constant 1 : i32
          %dma_wait3A_132 = arith.constant 0 : i32
          %dma_wait3A_133 = tpu.memref_slice %arg13[%dma_wait3A_131, %dma_wait3A_132] : memref<8x128xi32, #tpu.memory_space<vmem>> -> memref<1x128xi32, #tpu.memory_space<vmem>>
          %dma_wait3A_134 = tpu.memref_squeeze %dma_wait3A_133 : memref<1x128xi32, #tpu.memory_space<vmem>> -> memref<128xi32, #tpu.memory_space<vmem>>
          %dma_wait3A_135 = arith.constant 0 : i32
          %dma_wait3A_136 = arith.constant 0 : i32
          %dma_wait3A_137 = tpu.memref_slice %arg5[%dma_wait3A_135, %dma_wait3A_136] : memref<10000x128xf32, #tpu.memory_space<hbm>> -> memref<10000x128xf32, #tpu.memory_space<hbm>>
          tpu.wait_indirect_dma semaphore(%arg19 : memref<!tpu.dma_semaphore, #tpu.memory_space<semaphore_mem>>) src(%dma_wait3A_137 : memref<10000x128xf32, #tpu.memory_space<hbm>>) dst(%arg16 : memref<128x128xf32, #tpu.memory_space<vmem>>)
          %dma_start3A_138 = arith.constant 1 : i32
          %dma_start3A_139 = arith.constant 0 : i32
          %dma_start3A_140 = tpu.memref_slice %arg14[%dma_start3A_138, %dma_start3A_139] : memref<8x128xi32, #tpu.memory_space<vmem>> -> memref<1x128xi32, #tpu.memory_space<vmem>>
          %dma_start3A_141 = tpu.memref_squeeze %dma_start3A_140 : memref<1x128xi32, #tpu.memory_space<vmem>> -> memref<128xi32, #tpu.memory_space<vmem>>
          %dma_start3A_142 = arith.constant 0 : i32
          %dma_start3A_143 = arith.constant 0 : i32
          %dma_start3A_144 = tpu.memref_slice %arg12[%dma_start3A_142, %dma_start3A_143] : memref<10008x128xf32, #tpu.memory_space<vmem_shared>> -> memref<10008x128xf32, #tpu.memory_space<vmem_shared>>
          tpu.enqueue_indirect_dma source(%arg16 : memref<128x128xf32, #tpu.memory_space<vmem>>) target(%dma_start3A_144 : memref<10008x128xf32, #tpu.memory_space<vmem_shared>>) offsets(%dma_start3A_141 : memref<128xi32, #tpu.memory_space<vmem>>) semaphore(%arg20 : memref<!tpu.dma_semaphore, #tpu.memory_space<semaphore_mem>>) {add = true}
          %dma_wait3A_145 = arith.constant 0 : i32
          %dma_wait3A_146 = arith.constant 0 : i32
          %dma_wait3A_147 = tpu.memref_slice %arg14[%dma_wait3A_145, %dma_wait3A_146] : memref<8x128xi32, #tpu.memory_space<vmem>> -> memref<1x128xi32, #tpu.memory_space<vmem>>
          %dma_wait3A_148 = tpu.memref_squeeze %dma_wait3A_147 : memref<1x128xi32, #tpu.memory_space<vmem>> -> memref<128xi32, #tpu.memory_space<vmem>>
          %dma_wait3A_149 = arith.constant 0 : i32
          %dma_wait3A_150 = arith.constant 0 : i32
          %dma_wait3A_151 = tpu.memref_slice %arg12[%dma_wait3A_149, %dma_wait3A_150] : memref<10008x128xf32, #tpu.memory_space<vmem_shared>> -> memref<10008x128xf32, #tpu.memory_space<vmem_shared>>
          tpu.wait_indirect_dma semaphore(%arg20 : memref<!tpu.dma_semaphore, #tpu.memory_space<semaphore_mem>>) src(%arg15 : memref<128x128xf32, #tpu.memory_space<vmem>>) dst(%dma_wait3A_151 : memref<10008x128xf32, #tpu.memory_space<vmem_shared>>)
          %dma_start3A_152 = arith.constant 2 : i32
          %dma_start3A_153 = arith.constant 0 : i32
          %dma_start3A_154 = tpu.memref_slice %arg13[%dma_start3A_152, %dma_start3A_153] : memref<8x128xi32, #tpu.memory_space<vmem>> -> memref<1x128xi32, #tpu.memory_space<vmem>>
          %dma_start3A_155 = tpu.memref_squeeze %dma_start3A_154 : memref<1x128xi32, #tpu.memory_space<vmem>> -> memref<128xi32, #tpu.memory_space<vmem>>
          %dma_start3A_156 = arith.constant 0 : i32
          %dma_start3A_157 = arith.constant 0 : i32
          %dma_start3A_158 = tpu.memref_slice %arg5[%dma_start3A_156, %dma_start3A_157] : memref<10000x128xf32, #tpu.memory_space<hbm>> -> memref<10000x128xf32, #tpu.memory_space<hbm>>
          tpu.enqueue_indirect_dma source(%dma_start3A_158 : memref<10000x128xf32, #tpu.memory_space<hbm>>) target(%arg15 : memref<128x128xf32, #tpu.memory_space<vmem>>) offsets(%dma_start3A_155 : memref<128xi32, #tpu.memory_space<vmem>>) semaphore(%arg19 : memref<!tpu.dma_semaphore, #tpu.memory_space<semaphore_mem>>)
          %get3A_159 = arith.constant 1 : i32
          %get3A_160 = arith.index_cast %get3A_159 : i32 to index
          %get3A_161 = arith.constant 0 : index
          %get3A_162 = tpu.vector_load %arg14[%get3A_160, %get3A_161] {strides = array<i32>} : memref<8x128xi32, #tpu.memory_space<vmem>>, vector<16xi32>,
          %broadcast_in_dim3A_163 = arith.constant 1.000000e+00 : f32
          %broadcast_in_dim3A_164 = vector.broadcast %broadcast_in_dim3A_163 : f32 to vector<16xf32>
          tpu.vector_store_idx %arg17[%get3A_162], %broadcast_in_dim3A_164 {add = true} : memref<10016xf32, #tpu.memory_space<vmem>>[vector<16xi32>], vector<16xf32>,
          %get3A_165 = arith.constant 1 : i32
          %get3A_166 = arith.index_cast %get3A_165 : i32 to index
          %get3A_167 = arith.constant 16 : index
          %get3A_168 = tpu.vector_load %arg14[%get3A_166, %get3A_167] {strides = array<i32>} : memref<8x128xi32, #tpu.memory_space<vmem>>, vector<16xi32>,
          %broadcast_in_dim3A_169 = arith.constant 1.000000e+00 : f32
          %broadcast_in_dim3A_170 = vector.broadcast %broadcast_in_dim3A_169 : f32 to vector<16xf32>
          tpu.vector_store_idx %arg17[%get3A_168], %broadcast_in_dim3A_170 {add = true} : memref<10016xf32, #tpu.memory_space<vmem>>[vector<16xi32>], vector<16xf32>,
          %get3A_171 = arith.constant 1 : i32
          %get3A_172 = arith.index_cast %get3A_171 : i32 to index
          %get3A_173 = arith.constant 32 : index
          %get3A_174 = tpu.vector_load %arg14[%get3A_172, %get3A_173] {strides = array<i32>} : memref<8x128xi32, #tpu.memory_space<vmem>>, vector<16xi32>,
          %broadcast_in_dim3A_175 = arith.constant 1.000000e+00 : f32
          %broadcast_in_dim3A_176 = vector.broadcast %broadcast_in_dim3A_175 : f32 to vector<16xf32>
          tpu.vector_store_idx %arg17[%get3A_174], %broadcast_in_dim3A_176 {add = true} : memref<10016xf32, #tpu.memory_space<vmem>>[vector<16xi32>], vector<16xf32>,
          %get3A_177 = arith.constant 1 : i32
          %get3A_178 = arith.index_cast %get3A_177 : i32 to index
          %get3A_179 = arith.constant 48 : index
          %get3A_180 = tpu.vector_load %arg14[%get3A_178, %get3A_179] {strides = array<i32>} : memref<8x128xi32, #tpu.memory_space<vmem>>, vector<16xi32>,
          %broadcast_in_dim3A_181 = arith.constant 1.000000e+00 : f32
          %broadcast_in_dim3A_182 = vector.broadcast %broadcast_in_dim3A_181 : f32 to vector<16xf32>
          tpu.vector_store_idx %arg17[%get3A_180], %broadcast_in_dim3A_182 {add = true} : memref<10016xf32, #tpu.memory_space<vmem>>[vector<16xi32>], vector<16xf32>,
          %get3A_183 = arith.constant 1 : i32
          %get3A_184 = arith.index_cast %get3A_183 : i32 to index
          %get3A_185 = arith.constant 64 : index
          %get3A_186 = tpu.vector_load %arg14[%get3A_184, %get3A_185] {strides = array<i32>} : memref<8x128xi32, #tpu.memory_space<vmem>>, vector<16xi32>,
          %broadcast_in_dim3A_187 = arith.constant 1.000000e+00 : f32
          %broadcast_in_dim3A_188 = vector.broadcast %broadcast_in_dim3A_187 : f32 to vector<16xf32>
          tpu.vector_store_idx %arg17[%get3A_186], %broadcast_in_dim3A_188 {add = true} : memref<10016xf32, #tpu.memory_space<vmem>>[vector<16xi32>], vector<16xf32>,
          %get3A_189 = arith.constant 1 : i32
          %get3A_190 = arith.index_cast %get3A_189 : i32 to index
          %get3A_191 = arith.constant 80 : index
          %get3A_192 = tpu.vector_load %arg14[%get3A_190, %get3A_191] {strides = array<i32>} : memref<8x128xi32, #tpu.memory_space<vmem>>, vector<16xi32>,
          %broadcast_in_dim3A_193 = arith.constant 1.000000e+00 : f32
          %broadcast_in_dim3A_194 = vector.broadcast %broadcast_in_dim3A_193 : f32 to vector<16xf32>
          tpu.vector_store_idx %arg17[%get3A_192], %broadcast_in_dim3A_194 {add = true} : memref<10016xf32, #tpu.memory_space<vmem>>[vector<16xi32>], vector<16xf32>,
          %get3A_195 = arith.constant 1 : i32
          %get3A_196 = arith.index_cast %get3A_195 : i32 to index
          %get3A_197 = arith.constant 96 : index
          %get3A_198 = tpu.vector_load %arg14[%get3A_196, %get3A_197] {strides = array<i32>} : memref<8x128xi32, #tpu.memory_space<vmem>>, vector<16xi32>,
          %broadcast_in_dim3A_199 = arith.constant 1.000000e+00 : f32
          %broadcast_in_dim3A_200 = vector.broadcast %broadcast_in_dim3A_199 : f32 to vector<16xf32>
          tpu.vector_store_idx %arg17[%get3A_198], %broadcast_in_dim3A_200 {add = true} : memref<10016xf32, #tpu.memory_space<vmem>>[vector<16xi32>], vector<16xf32>,
          %get3A_201 = arith.constant 1 : i32
          %get3A_202 = arith.index_cast %get3A_201 : i32 to index
          %get3A_203 = arith.constant 112 : index
          %get3A_204 = tpu.vector_load %arg14[%get3A_202, %get3A_203] {strides = array<i32>} : memref<8x128xi32, #tpu.memory_space<vmem>>, vector<16xi32>,
          %broadcast_in_dim3A_205 = arith.constant 1.000000e+00 : f32
          %broadcast_in_dim3A_206 = vector.broadcast %broadcast_in_dim3A_205 : f32 to vector<16xf32>
          tpu.vector_store_idx %arg17[%get3A_204], %broadcast_in_dim3A_206 {add = true} : memref<10016xf32, #tpu.memory_space<vmem>>[vector<16xi32>], vector<16xf32>,
          %dma_wait3A_207 = arith.constant 2 : i32
          %dma_wait3A_208 = arith.constant 0 : i32
          %dma_wait3A_209 = tpu.memref_slice %arg13[%dma_wait3A_207, %dma_wait3A_208] : memref<8x128xi32, #tpu.memory_space<vmem>> -> memref<1x128xi32, #tpu.memory_space<vmem>>
          %dma_wait3A_210 = tpu.memref_squeeze %dma_wait3A_209 : memref<1x128xi32, #tpu.memory_space<vmem>> -> memref<128xi32, #tpu.memory_space<vmem>>
          %dma_wait3A_211 = arith.constant 0 : i32
          %dma_wait3A_212 = arith.constant 0 : i32
          %dma_wait3A_213 = tpu.memref_slice %arg5[%dma_wait3A_211, %dma_wait3A_212] : memref<10000x128xf32, #tpu.memory_space<hbm>> -> memref<10000x128xf32, #tpu.memory_space<hbm>>
          tpu.wait_indirect_dma semaphore(%arg19 : memref<!tpu.dma_semaphore, #tpu.memory_space<semaphore_mem>>) src(%dma_wait3A_213 : memref<10000x128xf32, #tpu.memory_space<hbm>>) dst(%arg15 : memref<128x128xf32, #tpu.memory_space<vmem>>)
          %dma_start3A_214 = arith.constant 2 : i32
          %dma_start3A_215 = arith.constant 0 : i32
          %dma_start3A_216 = tpu.memref_slice %arg14[%dma_start3A_214, %dma_start3A_215] : memref<8x128xi32, #tpu.memory_space<vmem>> -> memref<1x128xi32, #tpu.memory_space<vmem>>
          %dma_start3A_217 = tpu.memref_squeeze %dma_start3A_216 : memref<1x128xi32, #tpu.memory_space<vmem>> -> memref<128xi32, #tpu.memory_space<vmem>>
          %dma_start3A_218 = arith.constant 0 : i32
          %dma_start3A_219 = arith.constant 0 : i32
          %dma_start3A_220 = tpu.memref_slice %arg12[%dma_start3A_218, %dma_start3A_219] : memref<10008x128xf32, #tpu.memory_space<vmem_shared>> -> memref<10008x128xf32, #tpu.memory_space<vmem_shared>>
          tpu.enqueue_indirect_dma source(%arg15 : memref<128x128xf32, #tpu.memory_space<vmem>>) target(%dma_start3A_220 : memref<10008x128xf32, #tpu.memory_space<vmem_shared>>) offsets(%dma_start3A_217 : memref<128xi32, #tpu.memory_space<vmem>>) semaphore(%arg20 : memref<!tpu.dma_semaphore, #tpu.memory_space<semaphore_mem>>) {add = true}
          %dma_wait3A_221 = arith.constant 1 : i32
          %dma_wait3A_222 = arith.constant 0 : i32
          %dma_wait3A_223 = tpu.memref_slice %arg14[%dma_wait3A_221, %dma_wait3A_222] : memref<8x128xi32, #tpu.memory_space<vmem>> -> memref<1x128xi32, #tpu.memory_space<vmem>>
          %dma_wait3A_224 = tpu.memref_squeeze %dma_wait3A_223 : memref<1x128xi32, #tpu.memory_space<vmem>> -> memref<128xi32, #tpu.memory_space<vmem>>
          %dma_wait3A_225 = arith.constant 0 : i32
          %dma_wait3A_226 = arith.constant 0 : i32
          %dma_wait3A_227 = tpu.memref_slice %arg12[%dma_wait3A_225, %dma_wait3A_226] : memref<10008x128xf32, #tpu.memory_space<vmem_shared>> -> memref<10008x128xf32, #tpu.memory_space<vmem_shared>>
          tpu.wait_indirect_dma semaphore(%arg20 : memref<!tpu.dma_semaphore, #tpu.memory_space<semaphore_mem>>) src(%arg16 : memref<128x128xf32, #tpu.memory_space<vmem>>) dst(%dma_wait3A_227 : memref<10008x128xf32, #tpu.memory_space<vmem_shared>>)
          %dma_start3A_228 = arith.constant 3 : i32
          %dma_start3A_229 = arith.constant 0 : i32
          %dma_start3A_230 = tpu.memref_slice %arg13[%dma_start3A_228, %dma_start3A_229] : memref<8x128xi32, #tpu.memory_space<vmem>> -> memref<1x128xi32, #tpu.memory_space<vmem>>
          %dma_start3A_231 = tpu.memref_squeeze %dma_start3A_230 : memref<1x128xi32, #tpu.memory_space<vmem>> -> memref<128xi32, #tpu.memory_space<vmem>>
          %dma_start3A_232 = arith.constant 0 : i32
          %dma_start3A_233 = arith.constant 0 : i32
          %dma_start3A_234 = tpu.memref_slice %arg5[%dma_start3A_232, %dma_start3A_233] : memref<10000x128xf32, #tpu.memory_space<hbm>> -> memref<10000x128xf32, #tpu.memory_space<hbm>>
          tpu.enqueue_indirect_dma source(%dma_start3A_234 : memref<10000x128xf32, #tpu.memory_space<hbm>>) target(%arg16 : memref<128x128xf32, #tpu.memory_space<vmem>>) offsets(%dma_start3A_231 : memref<128xi32, #tpu.memory_space<vmem>>) semaphore(%arg19 : memref<!tpu.dma_semaphore, #tpu.memory_space<semaphore_mem>>)
          %get3A_235 = arith.constant 2 : i32
          %get3A_236 = arith.index_cast %get3A_235 : i32 to index
          %get3A_237 = arith.constant 0 : index
          %get3A_238 = tpu.vector_load %arg14[%get3A_236, %get3A_237] {strides = array<i32>} : memref<8x128xi32, #tpu.memory_space<vmem>>, vector<16xi32>,
          %broadcast_in_dim3A_239 = arith.constant 1.000000e+00 : f32
          %broadcast_in_dim3A_240 = vector.broadcast %broadcast_in_dim3A_239 : f32 to vector<16xf32>
          tpu.vector_store_idx %arg17[%get3A_238], %broadcast_in_dim3A_240 {add = true} : memref<10016xf32, #tpu.memory_space<vmem>>[vector<16xi32>], vector<16xf32>,
          %get3A_241 = arith.constant 2 : i32
          %get3A_242 = arith.index_cast %get3A_241 : i32 to index
          %get3A_243 = arith.constant 16 : index
          %get3A_244 = tpu.vector_load %arg14[%get3A_242, %get3A_243] {strides = array<i32>} : memref<8x128xi32, #tpu.memory_space<vmem>>, vector<16xi32>,
          %broadcast_in_dim3A_245 = arith.constant 1.000000e+00 : f32
          %broadcast_in_dim3A_246 = vector.broadcast %broadcast_in_dim3A_245 : f32 to vector<16xf32>
          tpu.vector_store_idx %arg17[%get3A_244], %broadcast_in_dim3A_246 {add = true} : memref<10016xf32, #tpu.memory_space<vmem>>[vector<16xi32>], vector<16xf32>,
          %get3A_247 = arith.constant 2 : i32
          %get3A_248 = arith.index_cast %get3A_247 : i32 to index
          %get3A_249 = arith.constant 32 : index
          %get3A_250 = tpu.vector_load %arg14[%get3A_248, %get3A_249] {strides = array<i32>} : memref<8x128xi32, #tpu.memory_space<vmem>>, vector<16xi32>,
          %broadcast_in_dim3A_251 = arith.constant 1.000000e+00 : f32
          %broadcast_in_dim3A_252 = vector.broadcast %broadcast_in_dim3A_251 : f32 to vector<16xf32>
          tpu.vector_store_idx %arg17[%get3A_250], %broadcast_in_dim3A_252 {add = true} : memref<10016xf32, #tpu.memory_space<vmem>>[vector<16xi32>], vector<16xf32>,
          %get3A_253 = arith.constant 2 : i32
          %get3A_254 = arith.index_cast %get3A_253 : i32 to index
          %get3A_255 = arith.constant 48 : index
          %get3A_256 = tpu.vector_load %arg14[%get3A_254, %get3A_255] {strides = array<i32>} : memref<8x128xi32, #tpu.memory_space<vmem>>, vector<16xi32>,
          %broadcast_in_dim3A_257 = arith.constant 1.000000e+00 : f32
          %broadcast_in_dim3A_258 = vector.broadcast %broadcast_in_dim3A_257 : f32 to vector<16xf32>
          tpu.vector_store_idx %arg17[%get3A_256], %broadcast_in_dim3A_258 {add = true} : memref<10016xf32, #tpu.memory_space<vmem>>[vector<16xi32>], vector<16xf32>,
          %get3A_259 = arith.constant 2 : i32
          %get3A_260 = arith.index_cast %get3A_259 : i32 to index
          %get3A_261 = arith.constant 64 : index
          %get3A_262 = tpu.vector_load %arg14[%get3A_260, %get3A_261] {strides = array<i32>} : memref<8x128xi32, #tpu.memory_space<vmem>>, vector<16xi32>,
          %broadcast_in_dim3A_263 = arith.constant 1.000000e+00 : f32
          %broadcast_in_dim3A_264 = vector.broadcast %broadcast_in_dim3A_263 : f32 to vector<16xf32>
          tpu.vector_store_idx %arg17[%get3A_262], %broadcast_in_dim3A_264 {add = true} : memref<10016xf32, #tpu.memory_space<vmem>>[vector<16xi32>], vector<16xf32>,
          %get3A_265 = arith.constant 2 : i32
          %get3A_266 = arith.index_cast %get3A_265 : i32 to index
          %get3A_267 = arith.constant 80 : index
          %get3A_268 = tpu.vector_load %arg14[%get3A_266, %get3A_267] {strides = array<i32>} : memref<8x128xi32, #tpu.memory_space<vmem>>, vector<16xi32>,
          %broadcast_in_dim3A_269 = arith.constant 1.000000e+00 : f32
          %broadcast_in_dim3A_270 = vector.broadcast %broadcast_in_dim3A_269 : f32 to vector<16xf32>
          tpu.vector_store_idx %arg17[%get3A_268], %broadcast_in_dim3A_270 {add = true} : memref<10016xf32, #tpu.memory_space<vmem>>[vector<16xi32>], vector<16xf32>,
          %get3A_271 = arith.constant 2 : i32
          %get3A_272 = arith.index_cast %get3A_271 : i32 to index
          %get3A_273 = arith.constant 96 : index
          %get3A_274 = tpu.vector_load %arg14[%get3A_272, %get3A_273] {strides = array<i32>} : memref<8x128xi32, #tpu.memory_space<vmem>>, vector<16xi32>,
          %broadcast_in_dim3A_275 = arith.constant 1.000000e+00 : f32
          %broadcast_in_dim3A_276 = vector.broadcast %broadcast_in_dim3A_275 : f32 to vector<16xf32>
          tpu.vector_store_idx %arg17[%get3A_274], %broadcast_in_dim3A_276 {add = true} : memref<10016xf32, #tpu.memory_space<vmem>>[vector<16xi32>], vector<16xf32>,
          %get3A_277 = arith.constant 2 : i32
          %get3A_278 = arith.index_cast %get3A_277 : i32 to index
          %get3A_279 = arith.constant 112 : index
          %get3A_280 = tpu.vector_load %arg14[%get3A_278, %get3A_279] {strides = array<i32>} : memref<8x128xi32, #tpu.memory_space<vmem>>, vector<16xi32>,
          %broadcast_in_dim3A_281 = arith.constant 1.000000e+00 : f32
          %broadcast_in_dim3A_282 = vector.broadcast %broadcast_in_dim3A_281 : f32 to vector<16xf32>
          tpu.vector_store_idx %arg17[%get3A_280], %broadcast_in_dim3A_282 {add = true} : memref<10016xf32, #tpu.memory_space<vmem>>[vector<16xi32>], vector<16xf32>,
          %dma_wait3A_283 = arith.constant 3 : i32
          %dma_wait3A_284 = arith.constant 0 : i32
          %dma_wait3A_285 = tpu.memref_slice %arg13[%dma_wait3A_283, %dma_wait3A_284] : memref<8x128xi32, #tpu.memory_space<vmem>> -> memref<1x128xi32, #tpu.memory_space<vmem>>
          %dma_wait3A_286 = tpu.memref_squeeze %dma_wait3A_285 : memref<1x128xi32, #tpu.memory_space<vmem>> -> memref<128xi32, #tpu.memory_space<vmem>>
          %dma_wait3A_287 = arith.constant 0 : i32
          %dma_wait3A_288 = arith.constant 0 : i32
          %dma_wait3A_289 = tpu.memref_slice %arg5[%dma_wait3A_287, %dma_wait3A_288] : memref<10000x128xf32, #tpu.memory_space<hbm>> -> memref<10000x128xf32, #tpu.memory_space<hbm>>
          tpu.wait_indirect_dma semaphore(%arg19 : memref<!tpu.dma_semaphore, #tpu.memory_space<semaphore_mem>>) src(%dma_wait3A_289 : memref<10000x128xf32, #tpu.memory_space<hbm>>) dst(%arg16 : memref<128x128xf32, #tpu.memory_space<vmem>>)
          %dma_start3A_290 = arith.constant 3 : i32
          %dma_start3A_291 = arith.constant 0 : i32
          %dma_start3A_292 = tpu.memref_slice %arg14[%dma_start3A_290, %dma_start3A_291] : memref<8x128xi32, #tpu.memory_space<vmem>> -> memref<1x128xi32, #tpu.memory_space<vmem>>
          %dma_start3A_293 = tpu.memref_squeeze %dma_start3A_292 : memref<1x128xi32, #tpu.memory_space<vmem>> -> memref<128xi32, #tpu.memory_space<vmem>>
          %dma_start3A_294 = arith.constant 0 : i32
          %dma_start3A_295 = arith.constant 0 : i32
          %dma_start3A_296 = tpu.memref_slice %arg12[%dma_start3A_294, %dma_start3A_295] : memref<10008x128xf32, #tpu.memory_space<vmem_shared>> -> memref<10008x128xf32, #tpu.memory_space<vmem_shared>>
          tpu.enqueue_indirect_dma source(%arg16 : memref<128x128xf32, #tpu.memory_space<vmem>>) target(%dma_start3A_296 : memref<10008x128xf32, #tpu.memory_space<vmem_shared>>) offsets(%dma_start3A_293 : memref<128xi32, #tpu.memory_space<vmem>>) semaphore(%arg20 : memref<!tpu.dma_semaphore, #tpu.memory_space<semaphore_mem>>) {add = true}
          %dma_wait3A_297 = arith.constant 2 : i32
          %dma_wait3A_298 = arith.constant 0 : i32
          %dma_wait3A_299 = tpu.memref_slice %arg14[%dma_wait3A_297, %dma_wait3A_298] : memref<8x128xi32, #tpu.memory_space<vmem>> -> memref<1x128xi32, #tpu.memory_space<vmem>>
          %dma_wait3A_300 = tpu.memref_squeeze %dma_wait3A_299 : memref<1x128xi32, #tpu.memory_space<vmem>> -> memref<128xi32, #tpu.memory_space<vmem>>
          %dma_wait3A_301 = arith.constant 0 : i32
          %dma_wait3A_302 = arith.constant 0 : i32
          %dma_wait3A_303 = tpu.memref_slice %arg12[%dma_wait3A_301, %dma_wait3A_302] : memref<10008x128xf32, #tpu.memory_space<vmem_shared>> -> memref<10008x128xf32, #tpu.memory_space<vmem_shared>>
          tpu.wait_indirect_dma semaphore(%arg20 : memref<!tpu.dma_semaphore, #tpu.memory_space<semaphore_mem>>) src(%arg15 : memref<128x128xf32, #tpu.memory_space<vmem>>) dst(%dma_wait3A_303 : memref<10008x128xf32, #tpu.memory_space<vmem_shared>>)
          %dma_start3A_304 = arith.constant 4 : i32
          %dma_start3A_305 = arith.constant 0 : i32
          %dma_start3A_306 = tpu.memref_slice %arg13[%dma_start3A_304, %dma_start3A_305] : memref<8x128xi32, #tpu.memory_space<vmem>> -> memref<1x128xi32, #tpu.memory_space<vmem>>
          %dma_start3A_307 = tpu.memref_squeeze %dma_start3A_306 : memref<1x128xi32, #tpu.memory_space<vmem>> -> memref<128xi32, #tpu.memory_space<vmem>>
          %dma_start3A_308 = arith.constant 0 : i32
          %dma_start3A_309 = arith.constant 0 : i32
          %dma_start3A_310 = tpu.memref_slice %arg5[%dma_start3A_308, %dma_start3A_309] : memref<10000x128xf32, #tpu.memory_space<hbm>> -> memref<10000x128xf32, #tpu.memory_space<hbm>>
          tpu.enqueue_indirect_dma source(%dma_start3A_310 : memref<10000x128xf32, #tpu.memory_space<hbm>>) target(%arg15 : memref<128x128xf32, #tpu.memory_space<vmem>>) offsets(%dma_start3A_307 : memref<128xi32, #tpu.memory_space<vmem>>) semaphore(%arg19 : memref<!tpu.dma_semaphore, #tpu.memory_space<semaphore_mem>>)
          %get3A_311 = arith.constant 3 : i32
          %get3A_312 = arith.index_cast %get3A_311 : i32 to index
          %get3A_313 = arith.constant 0 : index
          %get3A_314 = tpu.vector_load %arg14[%get3A_312, %get3A_313] {strides = array<i32>} : memref<8x128xi32, #tpu.memory_space<vmem>>, vector<16xi32>,
          %broadcast_in_dim3A_315 = arith.constant 1.000000e+00 : f32
          %broadcast_in_dim3A_316 = vector.broadcast %broadcast_in_dim3A_315 : f32 to vector<16xf32>
          tpu.vector_store_idx %arg17[%get3A_314], %broadcast_in_dim3A_316 {add = true} : memref<10016xf32, #tpu.memory_space<vmem>>[vector<16xi32>], vector<16xf32>,
          %get3A_317 = arith.constant 3 : i32
          %get3A_318 = arith.index_cast %get3A_317 : i32 to index
          %get3A_319 = arith.constant 16 : index
          %get3A_320 = tpu.vector_load %arg14[%get3A_318, %get3A_319] {strides = array<i32>} : memref<8x128xi32, #tpu.memory_space<vmem>>, vector<16xi32>,
          %broadcast_in_dim3A_321 = arith.constant 1.000000e+00 : f32
          %broadcast_in_dim3A_322 = vector.broadcast %broadcast_in_dim3A_321 : f32 to vector<16xf32>
          tpu.vector_store_idx %arg17[%get3A_320], %broadcast_in_dim3A_322 {add = true} : memref<10016xf32, #tpu.memory_space<vmem>>[vector<16xi32>], vector<16xf32>,
          %get3A_323 = arith.constant 3 : i32
          %get3A_324 = arith.index_cast %get3A_323 : i32 to index
          %get3A_325 = arith.constant 32 : index
          %get3A_326 = tpu.vector_load %arg14[%get3A_324, %get3A_325] {strides = array<i32>} : memref<8x128xi32, #tpu.memory_space<vmem>>, vector<16xi32>,
          %broadcast_in_dim3A_327 = arith.constant 1.000000e+00 : f32
          %broadcast_in_dim3A_328 = vector.broadcast %broadcast_in_dim3A_327 : f32 to vector<16xf32>
          tpu.vector_store_idx %arg17[%get3A_326], %broadcast_in_dim3A_328 {add = true} : memref<10016xf32, #tpu.memory_space<vmem>>[vector<16xi32>], vector<16xf32>,
          %get3A_329 = arith.constant 3 : i32
          %get3A_330 = arith.index_cast %get3A_329 : i32 to index
          %get3A_331 = arith.constant 48 : index
          %get3A_332 = tpu.vector_load %arg14[%get3A_330, %get3A_331] {strides = array<i32>} : memref<8x128xi32, #tpu.memory_space<vmem>>, vector<16xi32>,
          %broadcast_in_dim3A_333 = arith.constant 1.000000e+00 : f32
          %broadcast_in_dim3A_334 = vector.broadcast %broadcast_in_dim3A_333 : f32 to vector<16xf32>
          tpu.vector_store_idx %arg17[%get3A_332], %broadcast_in_dim3A_334 {add = true} : memref<10016xf32, #tpu.memory_space<vmem>>[vector<16xi32>], vector<16xf32>,
          %get3A_335 = arith.constant 3 : i32
          %get3A_336 = arith.index_cast %get3A_335 : i32 to index
          %get3A_337 = arith.constant 64 : index
          %get3A_338 = tpu.vector_load %arg14[%get3A_336, %get3A_337] {strides = array<i32>} : memref<8x128xi32, #tpu.memory_space<vmem>>, vector<16xi32>,
          %broadcast_in_dim3A_339 = arith.constant 1.000000e+00 : f32
          %broadcast_in_dim3A_340 = vector.broadcast %broadcast_in_dim3A_339 : f32 to vector<16xf32>
          tpu.vector_store_idx %arg17[%get3A_338], %broadcast_in_dim3A_340 {add = true} : memref<10016xf32, #tpu.memory_space<vmem>>[vector<16xi32>], vector<16xf32>,
          %get3A_341 = arith.constant 3 : i32
          %get3A_342 = arith.index_cast %get3A_341 : i32 to index
          %get3A_343 = arith.constant 80 : index
          %get3A_344 = tpu.vector_load %arg14[%get3A_342, %get3A_343] {strides = array<i32>} : memref<8x128xi32, #tpu.memory_space<vmem>>, vector<16xi32>,
          %broadcast_in_dim3A_345 = arith.constant 1.000000e+00 : f32
          %broadcast_in_dim3A_346 = vector.broadcast %broadcast_in_dim3A_345 : f32 to vector<16xf32>
          tpu.vector_store_idx %arg17[%get3A_344], %broadcast_in_dim3A_346 {add = true} : memref<10016xf32, #tpu.memory_space<vmem>>[vector<16xi32>], vector<16xf32>,
          %get3A_347 = arith.constant 3 : i32
          %get3A_348 = arith.index_cast %get3A_347 : i32 to index
          %get3A_349 = arith.constant 96 : index
          %get3A_350 = tpu.vector_load %arg14[%get3A_348, %get3A_349] {strides = array<i32>} : memref<8x128xi32, #tpu.memory_space<vmem>>, vector<16xi32>,
          %broadcast_in_dim3A_351 = arith.constant 1.000000e+00 : f32
          %broadcast_in_dim3A_352 = vector.broadcast %broadcast_in_dim3A_351 : f32 to vector<16xf32>
          tpu.vector_store_idx %arg17[%get3A_350], %broadcast_in_dim3A_352 {add = true} : memref<10016xf32, #tpu.memory_space<vmem>>[vector<16xi32>], vector<16xf32>,
          %get3A_353 = arith.constant 3 : i32
          %get3A_354 = arith.index_cast %get3A_353 : i32 to index
          %get3A_355 = arith.constant 112 : index
          %get3A_356 = tpu.vector_load %arg14[%get3A_354, %get3A_355] {strides = array<i32>} : memref<8x128xi32, #tpu.memory_space<vmem>>, vector<16xi32>,
          %broadcast_in_dim3A_357 = arith.constant 1.000000e+00 : f32
          %broadcast_in_dim3A_358 = vector.broadcast %broadcast_in_dim3A_357 : f32 to vector<16xf32>
          tpu.vector_store_idx %arg17[%get3A_356], %broadcast_in_dim3A_358 {add = true} : memref<10016xf32, #tpu.memory_space<vmem>>[vector<16xi32>], vector<16xf32>,
          %dma_wait3A_359 = arith.constant 4 : i32
          %dma_wait3A_360 = arith.constant 0 : i32
          %dma_wait3A_361 = tpu.memref_slice %arg13[%dma_wait3A_359, %dma_wait3A_360] : memref<8x128xi32, #tpu.memory_space<vmem>> -> memref<1x128xi32, #tpu.memory_space<vmem>>
          %dma_wait3A_362 = tpu.memref_squeeze %dma_wait3A_361 : memref<1x128xi32, #tpu.memory_space<vmem>> -> memref<128xi32, #tpu.memory_space<vmem>>
          %dma_wait3A_363 = arith.constant 0 : i32
          %dma_wait3A_364 = arith.constant 0 : i32
          %dma_wait3A_365 = tpu.memref_slice %arg5[%dma_wait3A_363, %dma_wait3A_364] : memref<10000x128xf32, #tpu.memory_space<hbm>> -> memref<10000x128xf32, #tpu.memory_space<hbm>>
          tpu.wait_indirect_dma semaphore(%arg19 : memref<!tpu.dma_semaphore, #tpu.memory_space<semaphore_mem>>) src(%dma_wait3A_365 : memref<10000x128xf32, #tpu.memory_space<hbm>>) dst(%arg15 : memref<128x128xf32, #tpu.memory_space<vmem>>)
          %dma_start3A_366 = arith.constant 4 : i32
          %dma_start3A_367 = arith.constant 0 : i32
          %dma_start3A_368 = tpu.memref_slice %arg14[%dma_start3A_366, %dma_start3A_367] : memref<8x128xi32, #tpu.memory_space<vmem>> -> memref<1x128xi32, #tpu.memory_space<vmem>>
          %dma_start3A_369 = tpu.memref_squeeze %dma_start3A_368 : memref<1x128xi32, #tpu.memory_space<vmem>> -> memref<128xi32, #tpu.memory_space<vmem>>
          %dma_start3A_370 = arith.constant 0 : i32
          %dma_start3A_371 = arith.constant 0 : i32
          %dma_start3A_372 = tpu.memref_slice %arg12[%dma_start3A_370, %dma_start3A_371] : memref<10008x128xf32, #tpu.memory_space<vmem_shared>> -> memref<10008x128xf32, #tpu.memory_space<vmem_shared>>
          tpu.enqueue_indirect_dma source(%arg15 : memref<128x128xf32, #tpu.memory_space<vmem>>) target(%dma_start3A_372 : memref<10008x128xf32, #tpu.memory_space<vmem_shared>>) offsets(%dma_start3A_369 : memref<128xi32, #tpu.memory_space<vmem>>) semaphore(%arg20 : memref<!tpu.dma_semaphore, #tpu.memory_space<semaphore_mem>>) {add = true}
          %dma_wait3A_373 = arith.constant 3 : i32
          %dma_wait3A_374 = arith.constant 0 : i32
          %dma_wait3A_375 = tpu.memref_slice %arg14[%dma_wait3A_373, %dma_wait3A_374] : memref<8x128xi32, #tpu.memory_space<vmem>> -> memref<1x128xi32, #tpu.memory_space<vmem>>
          %dma_wait3A_376 = tpu.memref_squeeze %dma_wait3A_375 : memref<1x128xi32, #tpu.memory_space<vmem>> -> memref<128xi32, #tpu.memory_space<vmem>>
          %dma_wait3A_377 = arith.constant 0 : i32
          %dma_wait3A_378 = arith.constant 0 : i32
          %dma_wait3A_379 = tpu.memref_slice %arg12[%dma_wait3A_377, %dma_wait3A_378] : memref<10008x128xf32, #tpu.memory_space<vmem_shared>> -> memref<10008x128xf32, #tpu.memory_space<vmem_shared>>
          tpu.wait_indirect_dma semaphore(%arg20 : memref<!tpu.dma_semaphore, #tpu.memory_space<semaphore_mem>>) src(%arg16 : memref<128x128xf32, #tpu.memory_space<vmem>>) dst(%dma_wait3A_379 : memref<10008x128xf32, #tpu.memory_space<vmem_shared>>)
          %dma_start3A_380 = arith.constant 5 : i32
          %dma_start3A_381 = arith.constant 0 : i32
          %dma_start3A_382 = tpu.memref_slice %arg13[%dma_start3A_380, %dma_start3A_381] : memref<8x128xi32, #tpu.memory_space<vmem>> -> memref<1x128xi32, #tpu.memory_space<vmem>>
          %dma_start3A_383 = tpu.memref_squeeze %dma_start3A_382 : memref<1x128xi32, #tpu.memory_space<vmem>> -> memref<128xi32, #tpu.memory_space<vmem>>
          %dma_start3A_384 = arith.constant 0 : i32
          %dma_start3A_385 = arith.constant 0 : i32
          %dma_start3A_386 = tpu.memref_slice %arg5[%dma_start3A_384, %dma_start3A_385] : memref<10000x128xf32, #tpu.memory_space<hbm>> -> memref<10000x128xf32, #tpu.memory_space<hbm>>
          tpu.enqueue_indirect_dma source(%dma_start3A_386 : memref<10000x128xf32, #tpu.memory_space<hbm>>) target(%arg16 : memref<128x128xf32, #tpu.memory_space<vmem>>) offsets(%dma_start3A_383 : memref<128xi32, #tpu.memory_space<vmem>>) semaphore(%arg19 : memref<!tpu.dma_semaphore, #tpu.memory_space<semaphore_mem>>)
          %get3A_387 = arith.constant 4 : i32
          %get3A_388 = arith.index_cast %get3A_387 : i32 to index
          %get3A_389 = arith.constant 0 : index
          %get3A_390 = tpu.vector_load %arg14[%get3A_388, %get3A_389] {strides = array<i32>} : memref<8x128xi32, #tpu.memory_space<vmem>>, vector<16xi32>,
          %broadcast_in_dim3A_391 = arith.constant 1.000000e+00 : f32
          %broadcast_in_dim3A_392 = vector.broadcast %broadcast_in_dim3A_391 : f32 to vector<16xf32>
          tpu.vector_store_idx %arg17[%get3A_390], %broadcast_in_dim3A_392 {add = true} : memref<10016xf32, #tpu.memory_space<vmem>>[vector<16xi32>], vector<16xf32>,
          %get3A_393 = arith.constant 4 : i32
          %get3A_394 = arith.index_cast %get3A_393 : i32 to index
          %get3A_395 = arith.constant 16 : index
          %get3A_396 = tpu.vector_load %arg14[%get3A_394, %get3A_395] {strides = array<i32>} : memref<8x128xi32, #tpu.memory_space<vmem>>, vector<16xi32>,
          %broadcast_in_dim3A_397 = arith.constant 1.000000e+00 : f32
          %broadcast_in_dim3A_398 = vector.broadcast %broadcast_in_dim3A_397 : f32 to vector<16xf32>
          tpu.vector_store_idx %arg17[%get3A_396], %broadcast_in_dim3A_398 {add = true} : memref<10016xf32, #tpu.memory_space<vmem>>[vector<16xi32>], vector<16xf32>,
          %get3A_399 = arith.constant 4 : i32
          %get3A_400 = arith.index_cast %get3A_399 : i32 to index
          %get3A_401 = arith.constant 32 : index
          %get3A_402 = tpu.vector_load %arg14[%get3A_400, %get3A_401] {strides = array<i32>} : memref<8x128xi32, #tpu.memory_space<vmem>>, vector<16xi32>,
          %broadcast_in_dim3A_403 = arith.constant 1.000000e+00 : f32
          %broadcast_in_dim3A_404 = vector.broadcast %broadcast_in_dim3A_403 : f32 to vector<16xf32>
          tpu.vector_store_idx %arg17[%get3A_402], %broadcast_in_dim3A_404 {add = true} : memref<10016xf32, #tpu.memory_space<vmem>>[vector<16xi32>], vector<16xf32>,
          %get3A_405 = arith.constant 4 : i32
          %get3A_406 = arith.index_cast %get3A_405 : i32 to index
          %get3A_407 = arith.constant 48 : index
          %get3A_408 = tpu.vector_load %arg14[%get3A_406, %get3A_407] {strides = array<i32>} : memref<8x128xi32, #tpu.memory_space<vmem>>, vector<16xi32>,
          %broadcast_in_dim3A_409 = arith.constant 1.000000e+00 : f32
          %broadcast_in_dim3A_410 = vector.broadcast %broadcast_in_dim3A_409 : f32 to vector<16xf32>
          tpu.vector_store_idx %arg17[%get3A_408], %broadcast_in_dim3A_410 {add = true} : memref<10016xf32, #tpu.memory_space<vmem>>[vector<16xi32>], vector<16xf32>,
          %get3A_411 = arith.constant 4 : i32
          %get3A_412 = arith.index_cast %get3A_411 : i32 to index
          %get3A_413 = arith.constant 64 : index
          %get3A_414 = tpu.vector_load %arg14[%get3A_412, %get3A_413] {strides = array<i32>} : memref<8x128xi32, #tpu.memory_space<vmem>>, vector<16xi32>,
          %broadcast_in_dim3A_415 = arith.constant 1.000000e+00 : f32
          %broadcast_in_dim3A_416 = vector.broadcast %broadcast_in_dim3A_415 : f32 to vector<16xf32>
          tpu.vector_store_idx %arg17[%get3A_414], %broadcast_in_dim3A_416 {add = true} : memref<10016xf32, #tpu.memory_space<vmem>>[vector<16xi32>], vector<16xf32>,
          %get3A_417 = arith.constant 4 : i32
          %get3A_418 = arith.index_cast %get3A_417 : i32 to index
          %get3A_419 = arith.constant 80 : index
          %get3A_420 = tpu.vector_load %arg14[%get3A_418, %get3A_419] {strides = array<i32>} : memref<8x128xi32, #tpu.memory_space<vmem>>, vector<16xi32>,
          %broadcast_in_dim3A_421 = arith.constant 1.000000e+00 : f32
          %broadcast_in_dim3A_422 = vector.broadcast %broadcast_in_dim3A_421 : f32 to vector<16xf32>
          tpu.vector_store_idx %arg17[%get3A_420], %broadcast_in_dim3A_422 {add = true} : memref<10016xf32, #tpu.memory_space<vmem>>[vector<16xi32>], vector<16xf32>,
          %get3A_423 = arith.constant 4 : i32
          %get3A_424 = arith.index_cast %get3A_423 : i32 to index
          %get3A_425 = arith.constant 96 : index
          %get3A_426 = tpu.vector_load %arg14[%get3A_424, %get3A_425] {strides = array<i32>} : memref<8x128xi32, #tpu.memory_space<vmem>>, vector<16xi32>,
          %broadcast_in_dim3A_427 = arith.constant 1.000000e+00 : f32
          %broadcast_in_dim3A_428 = vector.broadcast %broadcast_in_dim3A_427 : f32 to vector<16xf32>
          tpu.vector_store_idx %arg17[%get3A_426], %broadcast_in_dim3A_428 {add = true} : memref<10016xf32, #tpu.memory_space<vmem>>[vector<16xi32>], vector<16xf32>,
          %get3A_429 = arith.constant 4 : i32
          %get3A_430 = arith.index_cast %get3A_429 : i32 to index
          %get3A_431 = arith.constant 112 : index
          %get3A_432 = tpu.vector_load %arg14[%get3A_430, %get3A_431] {strides = array<i32>} : memref<8x128xi32, #tpu.memory_space<vmem>>, vector<16xi32>,
          %broadcast_in_dim3A_433 = arith.constant 1.000000e+00 : f32
          %broadcast_in_dim3A_434 = vector.broadcast %broadcast_in_dim3A_433 : f32 to vector<16xf32>
          tpu.vector_store_idx %arg17[%get3A_432], %broadcast_in_dim3A_434 {add = true} : memref<10016xf32, #tpu.memory_space<vmem>>[vector<16xi32>], vector<16xf32>,
          %dma_wait3A_435 = arith.constant 5 : i32
          %dma_wait3A_436 = arith.constant 0 : i32
          %dma_wait3A_437 = tpu.memref_slice %arg13[%dma_wait3A_435, %dma_wait3A_436] : memref<8x128xi32, #tpu.memory_space<vmem>> -> memref<1x128xi32, #tpu.memory_space<vmem>>
          %dma_wait3A_438 = tpu.memref_squeeze %dma_wait3A_437 : memref<1x128xi32, #tpu.memory_space<vmem>> -> memref<128xi32, #tpu.memory_space<vmem>>
          %dma_wait3A_439 = arith.constant 0 : i32
          %dma_wait3A_440 = arith.constant 0 : i32
          %dma_wait3A_441 = tpu.memref_slice %arg5[%dma_wait3A_439, %dma_wait3A_440] : memref<10000x128xf32, #tpu.memory_space<hbm>> -> memref<10000x128xf32, #tpu.memory_space<hbm>>
          tpu.wait_indirect_dma semaphore(%arg19 : memref<!tpu.dma_semaphore, #tpu.memory_space<semaphore_mem>>) src(%dma_wait3A_441 : memref<10000x128xf32, #tpu.memory_space<hbm>>) dst(%arg16 : memref<128x128xf32, #tpu.memory_space<vmem>>)
          %dma_start3A_442 = arith.constant 5 : i32
          %dma_start3A_443 = arith.constant 0 : i32
          %dma_start3A_444 = tpu.memref_slice %arg14[%dma_start3A_442, %dma_start3A_443] : memref<8x128xi32, #tpu.memory_space<vmem>> -> memref<1x128xi32, #tpu.memory_space<vmem>>
          %dma_start3A_445 = tpu.memref_squeeze %dma_start3A_444 : memref<1x128xi32, #tpu.memory_space<vmem>> -> memref<128xi32, #tpu.memory_space<vmem>>
          %dma_start3A_446 = arith.constant 0 : i32
          %dma_start3A_447 = arith.constant 0 : i32
          %dma_start3A_448 = tpu.memref_slice %arg12[%dma_start3A_446, %dma_start3A_447] : memref<10008x128xf32, #tpu.memory_space<vmem_shared>> -> memref<10008x128xf32, #tpu.memory_space<vmem_shared>>
          tpu.enqueue_indirect_dma source(%arg16 : memref<128x128xf32, #tpu.memory_space<vmem>>) target(%dma_start3A_448 : memref<10008x128xf32, #tpu.memory_space<vmem_shared>>) offsets(%dma_start3A_445 : memref<128xi32, #tpu.memory_space<vmem>>) semaphore(%arg20 : memref<!tpu.dma_semaphore, #tpu.memory_space<semaphore_mem>>) {add = true}
          %dma_wait3A_449 = arith.constant 4 : i32
          %dma_wait3A_450 = arith.constant 0 : i32
          %dma_wait3A_451 = tpu.memref_slice %arg14[%dma_wait3A_449, %dma_wait3A_450] : memref<8x128xi32, #tpu.memory_space<vmem>> -> memref<1x128xi32, #tpu.memory_space<vmem>>
          %dma_wait3A_452 = tpu.memref_squeeze %dma_wait3A_451 : memref<1x128xi32, #tpu.memory_space<vmem>> -> memref<128xi32, #tpu.memory_space<vmem>>
          %dma_wait3A_453 = arith.constant 0 : i32
          %dma_wait3A_454 = arith.constant 0 : i32
          %dma_wait3A_455 = tpu.memref_slice %arg12[%dma_wait3A_453, %dma_wait3A_454] : memref<10008x128xf32, #tpu.memory_space<vmem_shared>> -> memref<10008x128xf32, #tpu.memory_space<vmem_shared>>
          tpu.wait_indirect_dma semaphore(%arg20 : memref<!tpu.dma_semaphore, #tpu.memory_space<semaphore_mem>>) src(%arg15 : memref<128x128xf32, #tpu.memory_space<vmem>>) dst(%dma_wait3A_455 : memref<10008x128xf32, #tpu.memory_space<vmem_shared>>)
          %dma_start3A_456 = arith.constant 6 : i32
          %dma_start3A_457 = arith.constant 0 : i32
          %dma_start3A_458 = tpu.memref_slice %arg13[%dma_start3A_456, %dma_start3A_457] : memref<8x128xi32, #tpu.memory_space<vmem>> -> memref<1x128xi32, #tpu.memory_space<vmem>>
          %dma_start3A_459 = tpu.memref_squeeze %dma_start3A_458 : memref<1x128xi32, #tpu.memory_space<vmem>> -> memref<128xi32, #tpu.memory_space<vmem>>
          %dma_start3A_460 = arith.constant 0 : i32
          %dma_start3A_461 = arith.constant 0 : i32
          %dma_start3A_462 = tpu.memref_slice %arg5[%dma_start3A_460, %dma_start3A_461] : memref<10000x128xf32, #tpu.memory_space<hbm>> -> memref<10000x128xf32, #tpu.memory_space<hbm>>
          tpu.enqueue_indirect_dma source(%dma_start3A_462 : memref<10000x128xf32, #tpu.memory_space<hbm>>) target(%arg15 : memref<128x128xf32, #tpu.memory_space<vmem>>) offsets(%dma_start3A_459 : memref<128xi32, #tpu.memory_space<vmem>>) semaphore(%arg19 : memref<!tpu.dma_semaphore, #tpu.memory_space<semaphore_mem>>)
          %get3A_463 = arith.constant 5 : i32
          %get3A_464 = arith.index_cast %get3A_463 : i32 to index
          %get3A_465 = arith.constant 0 : index
          %get3A_466 = tpu.vector_load %arg14[%get3A_464, %get3A_465] {strides = array<i32>} : memref<8x128xi32, #tpu.memory_space<vmem>>, vector<16xi32>,
          %broadcast_in_dim3A_467 = arith.constant 1.000000e+00 : f32
          %broadcast_in_dim3A_468 = vector.broadcast %broadcast_in_dim3A_467 : f32 to vector<16xf32>
          tpu.vector_store_idx %arg17[%get3A_466], %broadcast_in_dim3A_468 {add = true} : memref<10016xf32, #tpu.memory_space<vmem>>[vector<16xi32>], vector<16xf32>,
          %get3A_469 = arith.constant 5 : i32
          %get3A_470 = arith.index_cast %get3A_469 : i32 to index
          %get3A_471 = arith.constant 16 : index
          %get3A_472 = tpu.vector_load %arg14[%get3A_470, %get3A_471] {strides = array<i32>} : memref<8x128xi32, #tpu.memory_space<vmem>>, vector<16xi32>,
          %broadcast_in_dim3A_473 = arith.constant 1.000000e+00 : f32
          %broadcast_in_dim3A_474 = vector.broadcast %broadcast_in_dim3A_473 : f32 to vector<16xf32>
          tpu.vector_store_idx %arg17[%get3A_472], %broadcast_in_dim3A_474 {add = true} : memref<10016xf32, #tpu.memory_space<vmem>>[vector<16xi32>], vector<16xf32>,
          %get3A_475 = arith.constant 5 : i32
          %get3A_476 = arith.index_cast %get3A_475 : i32 to index
          %get3A_477 = arith.constant 32 : index
          %get3A_478 = tpu.vector_load %arg14[%get3A_476, %get3A_477] {strides = array<i32>} : memref<8x128xi32, #tpu.memory_space<vmem>>, vector<16xi32>,
          %broadcast_in_dim3A_479 = arith.constant 1.000000e+00 : f32
          %broadcast_in_dim3A_480 = vector.broadcast %broadcast_in_dim3A_479 : f32 to vector<16xf32>
          tpu.vector_store_idx %arg17[%get3A_478], %broadcast_in_dim3A_480 {add = true} : memref<10016xf32, #tpu.memory_space<vmem>>[vector<16xi32>], vector<16xf32>,
          %get3A_481 = arith.constant 5 : i32
          %get3A_482 = arith.index_cast %get3A_481 : i32 to index
          %get3A_483 = arith.constant 48 : index
          %get3A_484 = tpu.vector_load %arg14[%get3A_482, %get3A_483] {strides = array<i32>} : memref<8x128xi32, #tpu.memory_space<vmem>>, vector<16xi32>,
          %broadcast_in_dim3A_485 = arith.constant 1.000000e+00 : f32
          %broadcast_in_dim3A_486 = vector.broadcast %broadcast_in_dim3A_485 : f32 to vector<16xf32>
          tpu.vector_store_idx %arg17[%get3A_484], %broadcast_in_dim3A_486 {add = true} : memref<10016xf32, #tpu.memory_space<vmem>>[vector<16xi32>], vector<16xf32>,
          %get3A_487 = arith.constant 5 : i32
          %get3A_488 = arith.index_cast %get3A_487 : i32 to index
          %get3A_489 = arith.constant 64 : index
          %get3A_490 = tpu.vector_load %arg14[%get3A_488, %get3A_489] {strides = array<i32>} : memref<8x128xi32, #tpu.memory_space<vmem>>, vector<16xi32>,
          %broadcast_in_dim3A_491 = arith.constant 1.000000e+00 : f32
          %broadcast_in_dim3A_492 = vector.broadcast %broadcast_in_dim3A_491 : f32 to vector<16xf32>
          tpu.vector_store_idx %arg17[%get3A_490], %broadcast_in_dim3A_492 {add = true} : memref<10016xf32, #tpu.memory_space<vmem>>[vector<16xi32>], vector<16xf32>,
          %get3A_493 = arith.constant 5 : i32
          %get3A_494 = arith.index_cast %get3A_493 : i32 to index
          %get3A_495 = arith.constant 80 : index
          %get3A_496 = tpu.vector_load %arg14[%get3A_494, %get3A_495] {strides = array<i32>} : memref<8x128xi32, #tpu.memory_space<vmem>>, vector<16xi32>,
          %broadcast_in_dim3A_497 = arith.constant 1.000000e+00 : f32
          %broadcast_in_dim3A_498 = vector.broadcast %broadcast_in_dim3A_497 : f32 to vector<16xf32>
          tpu.vector_store_idx %arg17[%get3A_496], %broadcast_in_dim3A_498 {add = true} : memref<10016xf32, #tpu.memory_space<vmem>>[vector<16xi32>], vector<16xf32>,
          %get3A_499 = arith.constant 5 : i32
          %get3A_500 = arith.index_cast %get3A_499 : i32 to index
          %get3A_501 = arith.constant 96 : index
          %get3A_502 = tpu.vector_load %arg14[%get3A_500, %get3A_501] {strides = array<i32>} : memref<8x128xi32, #tpu.memory_space<vmem>>, vector<16xi32>,
          %broadcast_in_dim3A_503 = arith.constant 1.000000e+00 : f32
          %broadcast_in_dim3A_504 = vector.broadcast %broadcast_in_dim3A_503 : f32 to vector<16xf32>
          tpu.vector_store_idx %arg17[%get3A_502], %broadcast_in_dim3A_504 {add = true} : memref<10016xf32, #tpu.memory_space<vmem>>[vector<16xi32>], vector<16xf32>,
          %get3A_505 = arith.constant 5 : i32
          %get3A_506 = arith.index_cast %get3A_505 : i32 to index
          %get3A_507 = arith.constant 112 : index
          %get3A_508 = tpu.vector_load %arg14[%get3A_506, %get3A_507] {strides = array<i32>} : memref<8x128xi32, #tpu.memory_space<vmem>>, vector<16xi32>,
          %broadcast_in_dim3A_509 = arith.constant 1.000000e+00 : f32
          %broadcast_in_dim3A_510 = vector.broadcast %broadcast_in_dim3A_509 : f32 to vector<16xf32>
          tpu.vector_store_idx %arg17[%get3A_508], %broadcast_in_dim3A_510 {add = true} : memref<10016xf32, #tpu.memory_space<vmem>>[vector<16xi32>], vector<16xf32>,
          %dma_wait3A_511 = arith.constant 6 : i32
          %dma_wait3A_512 = arith.constant 0 : i32
          %dma_wait3A_513 = tpu.memref_slice %arg13[%dma_wait3A_511, %dma_wait3A_512] : memref<8x128xi32, #tpu.memory_space<vmem>> -> memref<1x128xi32, #tpu.memory_space<vmem>>
          %dma_wait3A_514 = tpu.memref_squeeze %dma_wait3A_513 : memref<1x128xi32, #tpu.memory_space<vmem>> -> memref<128xi32, #tpu.memory_space<vmem>>
          %dma_wait3A_515 = arith.constant 0 : i32
          %dma_wait3A_516 = arith.constant 0 : i32
          %dma_wait3A_517 = tpu.memref_slice %arg5[%dma_wait3A_515, %dma_wait3A_516] : memref<10000x128xf32, #tpu.memory_space<hbm>> -> memref<10000x128xf32, #tpu.memory_space<hbm>>
          tpu.wait_indirect_dma semaphore(%arg19 : memref<!tpu.dma_semaphore, #tpu.memory_space<semaphore_mem>>) src(%dma_wait3A_517 : memref<10000x128xf32, #tpu.memory_space<hbm>>) dst(%arg15 : memref<128x128xf32, #tpu.memory_space<vmem>>)
          %dma_start3A_518 = arith.constant 6 : i32
          %dma_start3A_519 = arith.constant 0 : i32
          %dma_start3A_520 = tpu.memref_slice %arg14[%dma_start3A_518, %dma_start3A_519] : memref<8x128xi32, #tpu.memory_space<vmem>> -> memref<1x128xi32, #tpu.memory_space<vmem>>
          %dma_start3A_521 = tpu.memref_squeeze %dma_start3A_520 : memref<1x128xi32, #tpu.memory_space<vmem>> -> memref<128xi32, #tpu.memory_space<vmem>>
          %dma_start3A_522 = arith.constant 0 : i32
          %dma_start3A_523 = arith.constant 0 : i32
          %dma_start3A_524 = tpu.memref_slice %arg12[%dma_start3A_522, %dma_start3A_523] : memref<10008x128xf32, #tpu.memory_space<vmem_shared>> -> memref<10008x128xf32, #tpu.memory_space<vmem_shared>>
          tpu.enqueue_indirect_dma source(%arg15 : memref<128x128xf32, #tpu.memory_space<vmem>>) target(%dma_start3A_524 : memref<10008x128xf32, #tpu.memory_space<vmem_shared>>) offsets(%dma_start3A_521 : memref<128xi32, #tpu.memory_space<vmem>>) semaphore(%arg20 : memref<!tpu.dma_semaphore, #tpu.memory_space<semaphore_mem>>) {add = true}
          %dma_wait3A_525 = arith.constant 5 : i32
          %dma_wait3A_526 = arith.constant 0 : i32
          %dma_wait3A_527 = tpu.memref_slice %arg14[%dma_wait3A_525, %dma_wait3A_526] : memref<8x128xi32, #tpu.memory_space<vmem>> -> memref<1x128xi32, #tpu.memory_space<vmem>>
          %dma_wait3A_528 = tpu.memref_squeeze %dma_wait3A_527 : memref<1x128xi32, #tpu.memory_space<vmem>> -> memref<128xi32, #tpu.memory_space<vmem>>
          %dma_wait3A_529 = arith.constant 0 : i32
          %dma_wait3A_530 = arith.constant 0 : i32
          %dma_wait3A_531 = tpu.memref_slice %arg12[%dma_wait3A_529, %dma_wait3A_530] : memref<10008x128xf32, #tpu.memory_space<vmem_shared>> -> memref<10008x128xf32, #tpu.memory_space<vmem_shared>>
          tpu.wait_indirect_dma semaphore(%arg20 : memref<!tpu.dma_semaphore, #tpu.memory_space<semaphore_mem>>) src(%arg16 : memref<128x128xf32, #tpu.memory_space<vmem>>) dst(%dma_wait3A_531 : memref<10008x128xf32, #tpu.memory_space<vmem_shared>>)
          %dma_start3A_532 = arith.constant 7 : i32
          %dma_start3A_533 = arith.constant 0 : i32
          %dma_start3A_534 = tpu.memref_slice %arg13[%dma_start3A_532, %dma_start3A_533] : memref<8x128xi32, #tpu.memory_space<vmem>> -> memref<1x128xi32, #tpu.memory_space<vmem>>
          %dma_start3A_535 = tpu.memref_squeeze %dma_start3A_534 : memref<1x128xi32, #tpu.memory_space<vmem>> -> memref<128xi32, #tpu.memory_space<vmem>>
          %dma_start3A_536 = arith.constant 0 : i32
          %dma_start3A_537 = arith.constant 0 : i32
          %dma_start3A_538 = tpu.memref_slice %arg5[%dma_start3A_536, %dma_start3A_537] : memref<10000x128xf32, #tpu.memory_space<hbm>> -> memref<10000x128xf32, #tpu.memory_space<hbm>>
          tpu.enqueue_indirect_dma source(%dma_start3A_538 : memref<10000x128xf32, #tpu.memory_space<hbm>>) target(%arg16 : memref<128x128xf32, #tpu.memory_space<vmem>>) offsets(%dma_start3A_535 : memref<128xi32, #tpu.memory_space<vmem>>) semaphore(%arg19 : memref<!tpu.dma_semaphore, #tpu.memory_space<semaphore_mem>>)
          %get3A_539 = arith.constant 6 : i32
          %get3A_540 = arith.index_cast %get3A_539 : i32 to index
          %get3A_541 = arith.constant 0 : index
          %get3A_542 = tpu.vector_load %arg14[%get3A_540, %get3A_541] {strides = array<i32>} : memref<8x128xi32, #tpu.memory_space<vmem>>, vector<16xi32>,
          %broadcast_in_dim3A_543 = arith.constant 1.000000e+00 : f32
          %broadcast_in_dim3A_544 = vector.broadcast %broadcast_in_dim3A_543 : f32 to vector<16xf32>
          tpu.vector_store_idx %arg17[%get3A_542], %broadcast_in_dim3A_544 {add = true} : memref<10016xf32, #tpu.memory_space<vmem>>[vector<16xi32>], vector<16xf32>,
          %get3A_545 = arith.constant 6 : i32
          %get3A_546 = arith.index_cast %get3A_545 : i32 to index
          %get3A_547 = arith.constant 16 : index
          %get3A_548 = tpu.vector_load %arg14[%get3A_546, %get3A_547] {strides = array<i32>} : memref<8x128xi32, #tpu.memory_space<vmem>>, vector<16xi32>,
          %broadcast_in_dim3A_549 = arith.constant 1.000000e+00 : f32
          %broadcast_in_dim3A_550 = vector.broadcast %broadcast_in_dim3A_549 : f32 to vector<16xf32>
          tpu.vector_store_idx %arg17[%get3A_548], %broadcast_in_dim3A_550 {add = true} : memref<10016xf32, #tpu.memory_space<vmem>>[vector<16xi32>], vector<16xf32>,
          %get3A_551 = arith.constant 6 : i32
          %get3A_552 = arith.index_cast %get3A_551 : i32 to index
          %get3A_553 = arith.constant 32 : index
          %get3A_554 = tpu.vector_load %arg14[%get3A_552, %get3A_553] {strides = array<i32>} : memref<8x128xi32, #tpu.memory_space<vmem>>, vector<16xi32>,
          %broadcast_in_dim3A_555 = arith.constant 1.000000e+00 : f32
          %broadcast_in_dim3A_556 = vector.broadcast %broadcast_in_dim3A_555 : f32 to vector<16xf32>
          tpu.vector_store_idx %arg17[%get3A_554], %broadcast_in_dim3A_556 {add = true} : memref<10016xf32, #tpu.memory_space<vmem>>[vector<16xi32>], vector<16xf32>,
          %get3A_557 = arith.constant 6 : i32
          %get3A_558 = arith.index_cast %get3A_557 : i32 to index
          %get3A_559 = arith.constant 48 : index
          %get3A_560 = tpu.vector_load %arg14[%get3A_558, %get3A_559] {strides = array<i32>} : memref<8x128xi32, #tpu.memory_space<vmem>>, vector<16xi32>,
          %broadcast_in_dim3A_561 = arith.constant 1.000000e+00 : f32
          %broadcast_in_dim3A_562 = vector.broadcast %broadcast_in_dim3A_561 : f32 to vector<16xf32>
          tpu.vector_store_idx %arg17[%get3A_560], %broadcast_in_dim3A_562 {add = true} : memref<10016xf32, #tpu.memory_space<vmem>>[vector<16xi32>], vector<16xf32>,
          %get3A_563 = arith.constant 6 : i32
          %get3A_564 = arith.index_cast %get3A_563 : i32 to index
          %get3A_565 = arith.constant 64 : index
          %get3A_566 = tpu.vector_load %arg14[%get3A_564, %get3A_565] {strides = array<i32>} : memref<8x128xi32, #tpu.memory_space<vmem>>, vector<16xi32>,
          %broadcast_in_dim3A_567 = arith.constant 1.000000e+00 : f32
          %broadcast_in_dim3A_568 = vector.broadcast %broadcast_in_dim3A_567 : f32 to vector<16xf32>
          tpu.vector_store_idx %arg17[%get3A_566], %broadcast_in_dim3A_568 {add = true} : memref<10016xf32, #tpu.memory_space<vmem>>[vector<16xi32>], vector<16xf32>,
          %get3A_569 = arith.constant 6 : i32
          %get3A_570 = arith.index_cast %get3A_569 : i32 to index
          %get3A_571 = arith.constant 80 : index
          %get3A_572 = tpu.vector_load %arg14[%get3A_570, %get3A_571] {strides = array<i32>} : memref<8x128xi32, #tpu.memory_space<vmem>>, vector<16xi32>,
          %broadcast_in_dim3A_573 = arith.constant 1.000000e+00 : f32
          %broadcast_in_dim3A_574 = vector.broadcast %broadcast_in_dim3A_573 : f32 to vector<16xf32>
          tpu.vector_store_idx %arg17[%get3A_572], %broadcast_in_dim3A_574 {add = true} : memref<10016xf32, #tpu.memory_space<vmem>>[vector<16xi32>], vector<16xf32>,
          %get3A_575 = arith.constant 6 : i32
          %get3A_576 = arith.index_cast %get3A_575 : i32 to index
          %get3A_577 = arith.constant 96 : index
          %get3A_578 = tpu.vector_load %arg14[%get3A_576, %get3A_577] {strides = array<i32>} : memref<8x128xi32, #tpu.memory_space<vmem>>, vector<16xi32>,
          %broadcast_in_dim3A_579 = arith.constant 1.000000e+00 : f32
          %broadcast_in_dim3A_580 = vector.broadcast %broadcast_in_dim3A_579 : f32 to vector<16xf32>
          tpu.vector_store_idx %arg17[%get3A_578], %broadcast_in_dim3A_580 {add = true} : memref<10016xf32, #tpu.memory_space<vmem>>[vector<16xi32>], vector<16xf32>,
          %get3A_581 = arith.constant 6 : i32
          %get3A_582 = arith.index_cast %get3A_581 : i32 to index
          %get3A_583 = arith.constant 112 : index
          %get3A_584 = tpu.vector_load %arg14[%get3A_582, %get3A_583] {strides = array<i32>} : memref<8x128xi32, #tpu.memory_space<vmem>>, vector<16xi32>,
          %broadcast_in_dim3A_585 = arith.constant 1.000000e+00 : f32
          %broadcast_in_dim3A_586 = vector.broadcast %broadcast_in_dim3A_585 : f32 to vector<16xf32>
          tpu.vector_store_idx %arg17[%get3A_584], %broadcast_in_dim3A_586 {add = true} : memref<10016xf32, #tpu.memory_space<vmem>>[vector<16xi32>], vector<16xf32>,
          %dma_wait3A_587 = arith.constant 7 : i32
          %dma_wait3A_588 = arith.constant 0 : i32
          %dma_wait3A_589 = tpu.memref_slice %arg13[%dma_wait3A_587, %dma_wait3A_588] : memref<8x128xi32, #tpu.memory_space<vmem>> -> memref<1x128xi32, #tpu.memory_space<vmem>>
          %dma_wait3A_590 = tpu.memref_squeeze %dma_wait3A_589 : memref<1x128xi32, #tpu.memory_space<vmem>> -> memref<128xi32, #tpu.memory_space<vmem>>
          %dma_wait3A_591 = arith.constant 0 : i32
          %dma_wait3A_592 = arith.constant 0 : i32
          %dma_wait3A_593 = tpu.memref_slice %arg5[%dma_wait3A_591, %dma_wait3A_592] : memref<10000x128xf32, #tpu.memory_space<hbm>> -> memref<10000x128xf32, #tpu.memory_space<hbm>>
          tpu.wait_indirect_dma semaphore(%arg19 : memref<!tpu.dma_semaphore, #tpu.memory_space<semaphore_mem>>) src(%dma_wait3A_593 : memref<10000x128xf32, #tpu.memory_space<hbm>>) dst(%arg16 : memref<128x128xf32, #tpu.memory_space<vmem>>)
          %dma_start3A_594 = arith.constant 7 : i32
          %dma_start3A_595 = arith.constant 0 : i32
          %dma_start3A_596 = tpu.memref_slice %arg14[%dma_start3A_594, %dma_start3A_595] : memref<8x128xi32, #tpu.memory_space<vmem>> -> memref<1x128xi32, #tpu.memory_space<vmem>>
          %dma_start3A_597 = tpu.memref_squeeze %dma_start3A_596 : memref<1x128xi32, #tpu.memory_space<vmem>> -> memref<128xi32, #tpu.memory_space<vmem>>
          %dma_start3A_598 = arith.constant 0 : i32
          %dma_start3A_599 = arith.constant 0 : i32
          %dma_start3A_600 = tpu.memref_slice %arg12[%dma_start3A_598, %dma_start3A_599] : memref<10008x128xf32, #tpu.memory_space<vmem_shared>> -> memref<10008x128xf32, #tpu.memory_space<vmem_shared>>
          tpu.enqueue_indirect_dma source(%arg16 : memref<128x128xf32, #tpu.memory_space<vmem>>) target(%dma_start3A_600 : memref<10008x128xf32, #tpu.memory_space<vmem_shared>>) offsets(%dma_start3A_597 : memref<128xi32, #tpu.memory_space<vmem>>) semaphore(%arg20 : memref<!tpu.dma_semaphore, #tpu.memory_space<semaphore_mem>>) {add = true}
          %get3A_601 = arith.constant 7 : i32
          %get3A_602 = arith.index_cast %get3A_601 : i32 to index
          %get3A_603 = arith.constant 0 : index
          %get3A_604 = tpu.vector_load %arg14[%get3A_602, %get3A_603] {strides = array<i32>} : memref<8x128xi32, #tpu.memory_space<vmem>>, vector<16xi32>,
          %broadcast_in_dim3A_605 = arith.constant 1.000000e+00 : f32
          %broadcast_in_dim3A_606 = vector.broadcast %broadcast_in_dim3A_605 : f32 to vector<16xf32>
          tpu.vector_store_idx %arg17[%get3A_604], %broadcast_in_dim3A_606 {add = true} : memref<10016xf32, #tpu.memory_space<vmem>>[vector<16xi32>], vector<16xf32>,
          %get3A_607 = arith.constant 7 : i32
          %get3A_608 = arith.index_cast %get3A_607 : i32 to index
          %get3A_609 = arith.constant 16 : index
          %get3A_610 = tpu.vector_load %arg14[%get3A_608, %get3A_609] {strides = array<i32>} : memref<8x128xi32, #tpu.memory_space<vmem>>, vector<16xi32>,
          %broadcast_in_dim3A_611 = arith.constant 1.000000e+00 : f32
          %broadcast_in_dim3A_612 = vector.broadcast %broadcast_in_dim3A_611 : f32 to vector<16xf32>
          tpu.vector_store_idx %arg17[%get3A_610], %broadcast_in_dim3A_612 {add = true} : memref<10016xf32, #tpu.memory_space<vmem>>[vector<16xi32>], vector<16xf32>,
          %get3A_613 = arith.constant 7 : i32
          %get3A_614 = arith.index_cast %get3A_613 : i32 to index
          %get3A_615 = arith.constant 32 : index
          %get3A_616 = tpu.vector_load %arg14[%get3A_614, %get3A_615] {strides = array<i32>} : memref<8x128xi32, #tpu.memory_space<vmem>>, vector<16xi32>,
          %broadcast_in_dim3A_617 = arith.constant 1.000000e+00 : f32
          %broadcast_in_dim3A_618 = vector.broadcast %broadcast_in_dim3A_617 : f32 to vector<16xf32>
          tpu.vector_store_idx %arg17[%get3A_616], %broadcast_in_dim3A_618 {add = true} : memref<10016xf32, #tpu.memory_space<vmem>>[vector<16xi32>], vector<16xf32>,
          %get3A_619 = arith.constant 7 : i32
          %get3A_620 = arith.index_cast %get3A_619 : i32 to index
          %get3A_621 = arith.constant 48 : index
          %get3A_622 = tpu.vector_load %arg14[%get3A_620, %get3A_621] {strides = array<i32>} : memref<8x128xi32, #tpu.memory_space<vmem>>, vector<16xi32>,
          %broadcast_in_dim3A_623 = arith.constant 1.000000e+00 : f32
          %broadcast_in_dim3A_624 = vector.broadcast %broadcast_in_dim3A_623 : f32 to vector<16xf32>
          tpu.vector_store_idx %arg17[%get3A_622], %broadcast_in_dim3A_624 {add = true} : memref<10016xf32, #tpu.memory_space<vmem>>[vector<16xi32>], vector<16xf32>,
          %get3A_625 = arith.constant 7 : i32
          %get3A_626 = arith.index_cast %get3A_625 : i32 to index
          %get3A_627 = arith.constant 64 : index
          %get3A_628 = tpu.vector_load %arg14[%get3A_626, %get3A_627] {strides = array<i32>} : memref<8x128xi32, #tpu.memory_space<vmem>>, vector<16xi32>,
          %broadcast_in_dim3A_629 = arith.constant 1.000000e+00 : f32
          %broadcast_in_dim3A_630 = vector.broadcast %broadcast_in_dim3A_629 : f32 to vector<16xf32>
          tpu.vector_store_idx %arg17[%get3A_628], %broadcast_in_dim3A_630 {add = true} : memref<10016xf32, #tpu.memory_space<vmem>>[vector<16xi32>], vector<16xf32>,
          %get3A_631 = arith.constant 7 : i32
          %get3A_632 = arith.index_cast %get3A_631 : i32 to index
          %get3A_633 = arith.constant 80 : index
          %get3A_634 = tpu.vector_load %arg14[%get3A_632, %get3A_633] {strides = array<i32>} : memref<8x128xi32, #tpu.memory_space<vmem>>, vector<16xi32>,
          %broadcast_in_dim3A_635 = arith.constant 1.000000e+00 : f32
          %broadcast_in_dim3A_636 = vector.broadcast %broadcast_in_dim3A_635 : f32 to vector<16xf32>
          tpu.vector_store_idx %arg17[%get3A_634], %broadcast_in_dim3A_636 {add = true} : memref<10016xf32, #tpu.memory_space<vmem>>[vector<16xi32>], vector<16xf32>,
          %get3A_637 = arith.constant 7 : i32
          %get3A_638 = arith.index_cast %get3A_637 : i32 to index
          %get3A_639 = arith.constant 96 : index
          %get3A_640 = tpu.vector_load %arg14[%get3A_638, %get3A_639] {strides = array<i32>} : memref<8x128xi32, #tpu.memory_space<vmem>>, vector<16xi32>,
          %broadcast_in_dim3A_641 = arith.constant 1.000000e+00 : f32
          %broadcast_in_dim3A_642 = vector.broadcast %broadcast_in_dim3A_641 : f32 to vector<16xf32>
          tpu.vector_store_idx %arg17[%get3A_640], %broadcast_in_dim3A_642 {add = true} : memref<10016xf32, #tpu.memory_space<vmem>>[vector<16xi32>], vector<16xf32>,
          %get3A_643 = arith.constant 7 : i32
          %get3A_644 = arith.index_cast %get3A_643 : i32 to index
          %get3A_645 = arith.constant 112 : index
          %get3A_646 = tpu.vector_load %arg14[%get3A_644, %get3A_645] {strides = array<i32>} : memref<8x128xi32, #tpu.memory_space<vmem>>, vector<16xi32>,
          %broadcast_in_dim3A_647 = arith.constant 1.000000e+00 : f32
          %broadcast_in_dim3A_648 = vector.broadcast %broadcast_in_dim3A_647 : f32 to vector<16xf32>
          tpu.vector_store_idx %arg17[%get3A_646], %broadcast_in_dim3A_648 {add = true} : memref<10016xf32, #tpu.memory_space<vmem>>[vector<16xi32>], vector<16xf32>,
          %dma_wait3A_649 = arith.constant 6 : i32
          %dma_wait3A_650 = arith.constant 0 : i32
          %dma_wait3A_651 = tpu.memref_slice %arg14[%dma_wait3A_649, %dma_wait3A_650] : memref<8x128xi32, #tpu.memory_space<vmem>> -> memref<1x128xi32, #tpu.memory_space<vmem>>
          %dma_wait3A_652 = tpu.memref_squeeze %dma_wait3A_651 : memref<1x128xi32, #tpu.memory_space<vmem>> -> memref<128xi32, #tpu.memory_space<vmem>>
          %dma_wait3A_653 = arith.constant 0 : i32
          %dma_wait3A_654 = arith.constant 0 : i32
          %dma_wait3A_655 = tpu.memref_slice %arg12[%dma_wait3A_653, %dma_wait3A_654] : memref<10008x128xf32, #tpu.memory_space<vmem_shared>> -> memref<10008x128xf32, #tpu.memory_space<vmem_shared>>
          tpu.wait_indirect_dma semaphore(%arg20 : memref<!tpu.dma_semaphore, #tpu.memory_space<semaphore_mem>>) src(%arg15 : memref<128x128xf32, #tpu.memory_space<vmem>>) dst(%dma_wait3A_655 : memref<10008x128xf32, #tpu.memory_space<vmem_shared>>)
          %dma_wait3A_656 = arith.constant 7 : i32
          %dma_wait3A_657 = arith.constant 0 : i32
          %dma_wait3A_658 = tpu.memref_slice %arg14[%dma_wait3A_656, %dma_wait3A_657] : memref<8x128xi32, #tpu.memory_space<vmem>> -> memref<1x128xi32, #tpu.memory_space<vmem>>
          %dma_wait3A_659 = tpu.memref_squeeze %dma_wait3A_658 : memref<1x128xi32, #tpu.memory_space<vmem>> -> memref<128xi32, #tpu.memory_space<vmem>>
          %dma_wait3A_660 = arith.constant 0 : i32
          %dma_wait3A_661 = arith.constant 0 : i32
          %dma_wait3A_662 = tpu.memref_slice %arg12[%dma_wait3A_660, %dma_wait3A_661] : memref<10008x128xf32, #tpu.memory_space<vmem_shared>> -> memref<10008x128xf32, #tpu.memory_space<vmem_shared>>
          tpu.wait_indirect_dma semaphore(%arg20 : memref<!tpu.dma_semaphore, #tpu.memory_space<semaphore_mem>>) src(%arg16 : memref<128x128xf32, #tpu.memory_space<vmem>>) dst(%dma_wait3A_662 : memref<10008x128xf32, #tpu.memory_space<vmem_shared>>)
        } else {
        }
      }
      %scan3A_41 = arith.constant 20 : i32
      %lt3A = arith.constant 4 : i32
      %lt3A_42 = arith.cmpi slt, %arg1, %lt3A : i32
      %convert_element_type3A_43 = arith.extui %lt3A_42 : i1 to i32
      %cond3A_44 = arith.constant 0 : i32
      %cond3A_45 = arith.cmpi ne, %convert_element_type3A_43, %cond3A_44 : i32
      scf.if %cond3A_45 {
        "tpu.region"() ({
          %run_scoped3A = tpu.sem_alloc : memref<!tpu.dma_semaphore, #tpu.memory_space<semaphore_mem>>
          %dma_start3A_94 = arith.constant 0 : i32
          %dma_start3A_95 = arith.constant 0 : i32
          %dma_start3A_96 = tpu.memref_slice %arg13[%dma_start3A_94, %dma_start3A_95] : memref<8x128xi32, #tpu.memory_space<vmem>> -> memref<4x128xi32, #tpu.memory_space<vmem>>
          %dma_start3A_97 = arith.constant 2496 : i32
          %dma_start3A_98 = arith.constant 0 : i32
          %dma_start3A_99 = tpu.memref_slice %arg6[%dma_start3A_97, %dma_start3A_98] : memref<2500x128xi32, #tpu.memory_space<hbm>> -> memref<4x128xi32, #tpu.memory_space<hbm>>
          %dma_start3A_100 = arith.constant 0 : i32
          %dma_start3A_101 = arith.constant 0 : i32
          %dma_start3A_102 = tpu.memref_slice %arg13[%dma_start3A_100, %dma_start3A_101] : memref<8x128xi32, #tpu.memory_space<vmem>> -> memref<4x128xi32, #tpu.memory_space<vmem>>
          %dma_start3A_103 = arith.constant 2496 : i32
          %dma_start3A_104 = arith.constant 0 : i32
          %dma_start3A_105 = tpu.memref_slice %arg6[%dma_start3A_103, %dma_start3A_104] : memref<2500x128xi32, #tpu.memory_space<hbm>> -> memref<4x128xi32, #tpu.memory_space<hbm>>
          tpu.enqueue_dma source(%dma_start3A_105 : memref<4x128xi32, #tpu.memory_space<hbm>>) target(%dma_start3A_102 : memref<4x128xi32, #tpu.memory_space<vmem>>) target_semaphore(%run_scoped3A : memref<!tpu.dma_semaphore, #tpu.memory_space<semaphore_mem>>)
          %dma_wait3A_106 = arith.constant 0 : i32
          %dma_wait3A_107 = arith.constant 0 : i32
          %dma_wait3A_108 = tpu.memref_slice %arg13[%dma_wait3A_106, %dma_wait3A_107] : memref<8x128xi32, #tpu.memory_space<vmem>> -> memref<4x128xi32, #tpu.memory_space<vmem>>
          %dma_wait3A_109 = arith.constant 2496 : i32
          %dma_wait3A_110 = arith.constant 0 : i32
          %dma_wait3A_111 = tpu.memref_slice %arg6[%dma_wait3A_109, %dma_wait3A_110] : memref<2500x128xi32, #tpu.memory_space<hbm>> -> memref<4x128xi32, #tpu.memory_space<hbm>>
          %dma_wait3A_112 = arith.constant 0 : i32
          %dma_wait3A_113 = arith.constant 0 : i32
          %dma_wait3A_114 = tpu.memref_slice %arg13[%dma_wait3A_112, %dma_wait3A_113] : memref<8x128xi32, #tpu.memory_space<vmem>> -> memref<4x128xi32, #tpu.memory_space<vmem>>
          %dma_wait3A_115 = arith.constant 2496 : i32
          %dma_wait3A_116 = arith.constant 0 : i32
          %dma_wait3A_117 = tpu.memref_slice %arg6[%dma_wait3A_115, %dma_wait3A_116] : memref<2500x128xi32, #tpu.memory_space<hbm>> -> memref<4x128xi32, #tpu.memory_space<hbm>>
          tpu.wait_dma2 semaphore(%run_scoped3A : memref<!tpu.dma_semaphore, #tpu.memory_space<semaphore_mem>>) src(%dma_wait3A_117 : memref<4x128xi32, #tpu.memory_space<hbm>>) dst(%dma_wait3A_114 : memref<4x128xi32, #tpu.memory_space<vmem>>)
          tpu.yield
        }) : () -> ()
        "tpu.region"() ({
          %run_scoped3A = tpu.sem_alloc : memref<!tpu.dma_semaphore, #tpu.memory_space<semaphore_mem>>
          %dma_start3A_94 = arith.constant 0 : i32
          %dma_start3A_95 = arith.constant 0 : i32
          %dma_start3A_96 = tpu.memref_slice %arg14[%dma_start3A_94, %dma_start3A_95] : memref<8x128xi32, #tpu.memory_space<vmem>> -> memref<4x128xi32, #tpu.memory_space<vmem>>
          %dma_start3A_97 = arith.constant 2496 : i32
          %dma_start3A_98 = arith.constant 0 : i32
          %dma_start3A_99 = tpu.memref_slice %arg7[%dma_start3A_97, %dma_start3A_98] : memref<2500x128xi32, #tpu.memory_space<hbm>> -> memref<4x128xi32, #tpu.memory_space<hbm>>
          %dma_start3A_100 = arith.constant 0 : i32
          %dma_start3A_101 = arith.constant 0 : i32
          %dma_start3A_102 = tpu.memref_slice %arg14[%dma_start3A_100, %dma_start3A_101] : memref<8x128xi32, #tpu.memory_space<vmem>> -> memref<4x128xi32, #tpu.memory_space<vmem>>
          %dma_start3A_103 = arith.constant 2496 : i32
          %dma_start3A_104 = arith.constant 0 : i32
          %dma_start3A_105 = tpu.memref_slice %arg7[%dma_start3A_103, %dma_start3A_104] : memref<2500x128xi32, #tpu.memory_space<hbm>> -> memref<4x128xi32, #tpu.memory_space<hbm>>
          tpu.enqueue_dma source(%dma_start3A_105 : memref<4x128xi32, #tpu.memory_space<hbm>>) target(%dma_start3A_102 : memref<4x128xi32, #tpu.memory_space<vmem>>) target_semaphore(%run_scoped3A : memref<!tpu.dma_semaphore, #tpu.memory_space<semaphore_mem>>)
          %dma_wait3A_106 = arith.constant 0 : i32
          %dma_wait3A_107 = arith.constant 0 : i32
          %dma_wait3A_108 = tpu.memref_slice %arg14[%dma_wait3A_106, %dma_wait3A_107] : memref<8x128xi32, #tpu.memory_space<vmem>> -> memref<4x128xi32, #tpu.memory_space<vmem>>
          %dma_wait3A_109 = arith.constant 2496 : i32
          %dma_wait3A_110 = arith.constant 0 : i32
          %dma_wait3A_111 = tpu.memref_slice %arg7[%dma_wait3A_109, %dma_wait3A_110] : memref<2500x128xi32, #tpu.memory_space<hbm>> -> memref<4x128xi32, #tpu.memory_space<hbm>>
          %dma_wait3A_112 = arith.constant 0 : i32
          %dma_wait3A_113 = arith.constant 0 : i32
          %dma_wait3A_114 = tpu.memref_slice %arg14[%dma_wait3A_112, %dma_wait3A_113] : memref<8x128xi32, #tpu.memory_space<vmem>> -> memref<4x128xi32, #tpu.memory_space<vmem>>
          %dma_wait3A_115 = arith.constant 2496 : i32
          %dma_wait3A_116 = arith.constant 0 : i32
          %dma_wait3A_117 = tpu.memref_slice %arg7[%dma_wait3A_115, %dma_wait3A_116] : memref<2500x128xi32, #tpu.memory_space<hbm>> -> memref<4x128xi32, #tpu.memory_space<hbm>>
          tpu.wait_dma2 semaphore(%run_scoped3A : memref<!tpu.dma_semaphore, #tpu.memory_space<semaphore_mem>>) src(%dma_wait3A_117 : memref<4x128xi32, #tpu.memory_space<hbm>>) dst(%dma_wait3A_114 : memref<4x128xi32, #tpu.memory_space<vmem>>)
          tpu.yield
        }) : () -> ()
        %dma_start3A = arith.constant 0 : i32
        %dma_start3A_46 = tpu.memref_slice %arg13[%arg1, %dma_start3A] : memref<8x128xi32, #tpu.memory_space<vmem>> -> memref<1x128xi32, #tpu.memory_space<vmem>>
        %dma_start3A_47 = tpu.memref_squeeze %dma_start3A_46 : memref<1x128xi32, #tpu.memory_space<vmem>> -> memref<128xi32, #tpu.memory_space<vmem>>
        %dma_start3A_48 = arith.constant 0 : i32
        %dma_start3A_49 = arith.constant 0 : i32
        %dma_start3A_50 = tpu.memref_slice %arg5[%dma_start3A_48, %dma_start3A_49] : memref<10000x128xf32, #tpu.memory_space<hbm>> -> memref<10000x128xf32, #tpu.memory_space<hbm>>
        tpu.enqueue_indirect_dma source(%dma_start3A_50 : memref<10000x128xf32, #tpu.memory_space<hbm>>) target(%arg15 : memref<128x128xf32, #tpu.memory_space<vmem>>) offsets(%dma_start3A_47 : memref<128xi32, #tpu.memory_space<vmem>>) semaphore(%arg19 : memref<!tpu.dma_semaphore, #tpu.memory_space<semaphore_mem>>)
        %dma_wait3A = arith.constant 0 : i32
        %dma_wait3A_51 = tpu.memref_slice %arg13[%arg1, %dma_wait3A] : memref<8x128xi32, #tpu.memory_space<vmem>> -> memref<1x128xi32, #tpu.memory_space<vmem>>
        %dma_wait3A_52 = tpu.memref_squeeze %dma_wait3A_51 : memref<1x128xi32, #tpu.memory_space<vmem>> -> memref<128xi32, #tpu.memory_space<vmem>>
        %dma_wait3A_53 = arith.constant 0 : i32
        %dma_wait3A_54 = arith.constant 0 : i32
        %dma_wait3A_55 = tpu.memref_slice %arg5[%dma_wait3A_53, %dma_wait3A_54] : memref<10000x128xf32, #tpu.memory_space<hbm>> -> memref<10000x128xf32, #tpu.memory_space<hbm>>
        tpu.wait_indirect_dma semaphore(%arg19 : memref<!tpu.dma_semaphore, #tpu.memory_space<semaphore_mem>>) src(%dma_wait3A_55 : memref<10000x128xf32, #tpu.memory_space<hbm>>) dst(%arg15 : memref<128x128xf32, #tpu.memory_space<vmem>>)
        "tpu.region"() ({
          %run_scoped3A = tpu.sem_alloc : memref<!tpu.dma_semaphore, #tpu.memory_space<semaphore_mem>>
          %dma_start3A_94 = arith.constant 0 : i32
          %dma_start3A_95 = tpu.memref_slice %arg14[%arg1, %dma_start3A_94] : memref<8x128xi32, #tpu.memory_space<vmem>> -> memref<1x128xi32, #tpu.memory_space<vmem>>
          %dma_start3A_96 = tpu.memref_squeeze %dma_start3A_95 : memref<1x128xi32, #tpu.memory_space<vmem>> -> memref<128xi32, #tpu.memory_space<vmem>>
          %dma_start3A_97 = arith.constant 0 : i32
          %dma_start3A_98 = arith.constant 0 : i32
          %dma_start3A_99 = tpu.memref_slice %arg12[%dma_start3A_97, %dma_start3A_98] : memref<10008x128xf32, #tpu.memory_space<vmem_shared>> -> memref<10008x128xf32, #tpu.memory_space<vmem_shared>>
          tpu.enqueue_indirect_dma source(%arg15 : memref<128x128xf32, #tpu.memory_space<vmem>>) target(%dma_start3A_99 : memref<10008x128xf32, #tpu.memory_space<vmem_shared>>) offsets(%dma_start3A_96 : memref<128xi32, #tpu.memory_space<vmem>>) semaphore(%run_scoped3A : memref<!tpu.dma_semaphore, #tpu.memory_space<semaphore_mem>>) {add = true}
          %dma_wait3A_100 = arith.constant 0 : i32
          %dma_wait3A_101 = tpu.memref_slice %arg14[%arg1, %dma_wait3A_100] : memref<8x128xi32, #tpu.memory_space<vmem>> -> memref<1x128xi32, #tpu.memory_space<vmem>>
          %dma_wait3A_102 = tpu.memref_squeeze %dma_wait3A_101 : memref<1x128xi32, #tpu.memory_space<vmem>> -> memref<128xi32, #tpu.memory_space<vmem>>
          %dma_wait3A_103 = arith.constant 0 : i32
          %dma_wait3A_104 = arith.constant 0 : i32
          %dma_wait3A_105 = tpu.memref_slice %arg12[%dma_wait3A_103, %dma_wait3A_104] : memref<10008x128xf32, #tpu.memory_space<vmem_shared>> -> memref<10008x128xf32, #tpu.memory_space<vmem_shared>>
          tpu.wait_indirect_dma semaphore(%run_scoped3A : memref<!tpu.dma_semaphore, #tpu.memory_space<semaphore_mem>>) src(%arg15 : memref<128x128xf32, #tpu.memory_space<vmem>>) dst(%dma_wait3A_105 : memref<10008x128xf32, #tpu.memory_space<vmem_shared>>)
          tpu.yield
        }) : () -> ()
        %get3A = arith.index_cast %arg1 : i32 to index
        %get3A_56 = arith.constant 0 : index
        %get3A_57 = tpu.vector_load %arg14[%get3A, %get3A_56] {strides = array<i32>} : memref<8x128xi32, #tpu.memory_space<vmem>>, vector<16xi32>,
        %broadcast_in_dim3A = arith.constant 1.000000e+00 : f32
        %broadcast_in_dim3A_58 = vector.broadcast %broadcast_in_dim3A : f32 to vector<16xf32>
        tpu.vector_store_idx %arg17[%get3A_57], %broadcast_in_dim3A_58 {add = true} : memref<10016xf32, #tpu.memory_space<vmem>>[vector<16xi32>], vector<16xf32>,
        %get3A_59 = arith.index_cast %arg1 : i32 to index
        %get3A_60 = arith.constant 16 : index
        %get3A_61 = tpu.vector_load %arg14[%get3A_59, %get3A_60] {strides = array<i32>} : memref<8x128xi32, #tpu.memory_space<vmem>>, vector<16xi32>,
        %broadcast_in_dim3A_62 = arith.constant 1.000000e+00 : f32
        %broadcast_in_dim3A_63 = vector.broadcast %broadcast_in_dim3A_62 : f32 to vector<16xf32>
        tpu.vector_store_idx %arg17[%get3A_61], %broadcast_in_dim3A_63 {add = true} : memref<10016xf32, #tpu.memory_space<vmem>>[vector<16xi32>], vector<16xf32>,
        %get3A_64 = arith.index_cast %arg1 : i32 to index
        %get3A_65 = arith.constant 32 : index
        %get3A_66 = tpu.vector_load %arg14[%get3A_64, %get3A_65] {strides = array<i32>} : memref<8x128xi32, #tpu.memory_space<vmem>>, vector<16xi32>,
        %broadcast_in_dim3A_67 = arith.constant 1.000000e+00 : f32
        %broadcast_in_dim3A_68 = vector.broadcast %broadcast_in_dim3A_67 : f32 to vector<16xf32>
        tpu.vector_store_idx %arg17[%get3A_66], %broadcast_in_dim3A_68 {add = true} : memref<10016xf32, #tpu.memory_space<vmem>>[vector<16xi32>], vector<16xf32>,
        %get3A_69 = arith.index_cast %arg1 : i32 to index
        %get3A_70 = arith.constant 48 : index
        %get3A_71 = tpu.vector_load %arg14[%get3A_69, %get3A_70] {strides = array<i32>} : memref<8x128xi32, #tpu.memory_space<vmem>>, vector<16xi32>,
        %broadcast_in_dim3A_72 = arith.constant 1.000000e+00 : f32
        %broadcast_in_dim3A_73 = vector.broadcast %broadcast_in_dim3A_72 : f32 to vector<16xf32>
        tpu.vector_store_idx %arg17[%get3A_71], %broadcast_in_dim3A_73 {add = true} : memref<10016xf32, #tpu.memory_space<vmem>>[vector<16xi32>], vector<16xf32>,
        %get3A_74 = arith.index_cast %arg1 : i32 to index
        %get3A_75 = arith.constant 64 : index
        %get3A_76 = tpu.vector_load %arg14[%get3A_74, %get3A_75] {strides = array<i32>} : memref<8x128xi32, #tpu.memory_space<vmem>>, vector<16xi32>,
        %broadcast_in_dim3A_77 = arith.constant 1.000000e+00 : f32
        %broadcast_in_dim3A_78 = vector.broadcast %broadcast_in_dim3A_77 : f32 to vector<16xf32>
        tpu.vector_store_idx %arg17[%get3A_76], %broadcast_in_dim3A_78 {add = true} : memref<10016xf32, #tpu.memory_space<vmem>>[vector<16xi32>], vector<16xf32>,
        %get3A_79 = arith.index_cast %arg1 : i32 to index
        %get3A_80 = arith.constant 80 : index
        %get3A_81 = tpu.vector_load %arg14[%get3A_79, %get3A_80] {strides = array<i32>} : memref<8x128xi32, #tpu.memory_space<vmem>>, vector<16xi32>,
        %broadcast_in_dim3A_82 = arith.constant 1.000000e+00 : f32
        %broadcast_in_dim3A_83 = vector.broadcast %broadcast_in_dim3A_82 : f32 to vector<16xf32>
        tpu.vector_store_idx %arg17[%get3A_81], %broadcast_in_dim3A_83 {add = true} : memref<10016xf32, #tpu.memory_space<vmem>>[vector<16xi32>], vector<16xf32>,
        %get3A_84 = arith.index_cast %arg1 : i32 to index
        %get3A_85 = arith.constant 96 : index
        %get3A_86 = tpu.vector_load %arg14[%get3A_84, %get3A_85] {strides = array<i32>} : memref<8x128xi32, #tpu.memory_space<vmem>>, vector<16xi32>,
        %broadcast_in_dim3A_87 = arith.constant 1.000000e+00 : f32
        %broadcast_in_dim3A_88 = vector.broadcast %broadcast_in_dim3A_87 : f32 to vector<16xf32>
        tpu.vector_store_idx %arg17[%get3A_86], %broadcast_in_dim3A_88 {add = true} : memref<10016xf32, #tpu.memory_space<vmem>>[vector<16xi32>], vector<16xf32>,
        %get3A_89 = arith.index_cast %arg1 : i32 to index
        %get3A_90 = arith.constant 112 : index
        %get3A_91 = tpu.vector_load %arg14[%get3A_89, %get3A_90] {strides = array<i32>} : memref<8x128xi32, #tpu.memory_space<vmem>>, vector<16xi32>,
        %broadcast_in_dim3A_92 = arith.constant 1.000000e+00 : f32
        %broadcast_in_dim3A_93 = vector.broadcast %broadcast_in_dim3A_92 : f32 to vector<16xf32>
        tpu.vector_store_idx %arg17[%get3A_91], %broadcast_in_dim3A_93 {add = true} : memref<10016xf32, #tpu.memory_space<vmem>>[vector<16xi32>], vector<16xf32>,
      } else {
      }
    } else {
    }
    %barrier3A_26 = arith.constant 0 : index
    tpu.barrier barrier_id(%barrier3A_26)
    %eq3A_27 = arith.constant 0 : i32
    %eq3A_28 = arith.cmpi eq, %arg0, %eq3A_27 : i32
    %convert_element_type3A_29 = arith.extui %eq3A_28 : i1 to i32
    %cond3A_30 = arith.constant 0 : i32
    %cond3A_31 = arith.cmpi ne, %convert_element_type3A_29, %cond3A_30 : i32
    scf.if %cond3A_31 {
      %scan3A_37 = arith.constant 0 : i32
      %scan3A_38 = arith.constant 16 : i32
      %scan3A_39 = arith.addi %scan3A_37, %scan3A_38 : i32
      %scan3A_40 = arith.constant 1 : i32
      scf.for %scan3A_43 = %scan3A_37 to %scan3A_39 step %scan3A_40  : i32 {
        %mul3A_44 = arith.constant 1 : i32
        %mul3A_45 = arith.muli %scan3A_43, %mul3A_44 : i32
        %add3A = arith.constant 0 : i32
        %add3A_46 = arith.addi %add3A, %mul3A_45 : i32
        %mul3A_47 = arith.constant 16 : i32
        %mul3A_48 = arith.muli %mul3A_47, %add3A_46 : i32
        %add3A_49 = arith.addi %arg1, %mul3A_48 : i32
        %lt3A = arith.constant 250 : i32
        %lt3A_50 = arith.cmpi slt, %add3A_49, %lt3A : i32
        %convert_element_type3A_51 = arith.extui %lt3A_50 : i1 to i32
        %cond3A_52 = arith.constant 0 : i32
        %cond3A_53 = arith.cmpi ne, %convert_element_type3A_51, %cond3A_52 : i32
        scf.if %cond3A_53 {
          %mul3A_54 = arith.constant 40 : i32
          %mul3A_55 = arith.muli %add3A_49, %mul3A_54 : i32
          "tpu.region"() ({
            %run_scoped3A = tpu.sem_alloc : memref<!tpu.dma_semaphore, #tpu.memory_space<semaphore_mem>>
            %dma_start3A = arith.constant 0 : i32
            %dma_start3A_56 = tpu.memref_slice %arg9[%mul3A_55, %dma_start3A] : memref<10000x128xf32, #tpu.memory_space<hbm>> -> memref<40x128xf32, #tpu.memory_space<hbm>>
            %dma_start3A_57 = arith.constant 0 : i32
            %dma_start3A_58 = tpu.memref_slice %arg12[%mul3A_55, %dma_start3A_57] : memref<10008x128xf32, #tpu.memory_space<vmem_shared>> -> memref<40x128xf32, #tpu.memory_space<vmem_shared>>
            tpu.enqueue_dma source(%dma_start3A_58 : memref<40x128xf32, #tpu.memory_space<vmem_shared>>) target(%dma_start3A_56 : memref<40x128xf32, #tpu.memory_space<hbm>>) target_semaphore(%run_scoped3A : memref<!tpu.dma_semaphore, #tpu.memory_space<semaphore_mem>>)
            %dma_wait3A = arith.constant 0 : i32
            %dma_wait3A_59 = tpu.memref_slice %arg9[%mul3A_55, %dma_wait3A] : memref<10000x128xf32, #tpu.memory_space<hbm>> -> memref<40x128xf32, #tpu.memory_space<hbm>>
            %dma_wait3A_60 = arith.constant 0 : i32
            %dma_wait3A_61 = tpu.memref_slice %arg12[%mul3A_55, %dma_wait3A_60] : memref<10008x128xf32, #tpu.memory_space<vmem_shared>> -> memref<40x128xf32, #tpu.memory_space<vmem_shared>>
            tpu.wait_dma2 semaphore(%run_scoped3A : memref<!tpu.dma_semaphore, #tpu.memory_space<semaphore_mem>>) src(%dma_wait3A_61 : memref<40x128xf32, #tpu.memory_space<vmem_shared>>) dst(%dma_wait3A_59 : memref<40x128xf32, #tpu.memory_space<hbm>>)
            tpu.yield
          }) : () -> ()
        } else {
        }
      }
      %scan3A_41 = arith.constant 16 : i32
      %mul3A = arith.constant 10000 : i32
      %mul3A_42 = arith.muli %arg1, %mul3A : i32
      "tpu.region"() ({
        %run_scoped3A = tpu.sem_alloc : memref<!tpu.dma_semaphore, #tpu.memory_space<semaphore_mem>>
        %dma_start3A = arith.constant 0 : i32
        %dma_start3A_43 = tpu.memref_slice %arg17[%dma_start3A] : memref<10016xf32, #tpu.memory_space<vmem>> -> memref<10000xf32, #tpu.memory_space<vmem>>
        %dma_start3A_44 = tpu.memref_slice %arg11[%mul3A_42] : memref<160000xf32, #tpu.memory_space<hbm>> -> memref<10000xf32, #tpu.memory_space<hbm>>
        %dma_start3A_45 = tpu.memref_slice %arg11[%mul3A_42] : memref<160000xf32, #tpu.memory_space<hbm>> -> memref<10000xf32, #tpu.memory_space<hbm>>
        %dma_start3A_46 = arith.constant 0 : i32
        %dma_start3A_47 = tpu.memref_slice %arg17[%dma_start3A_46] : memref<10016xf32, #tpu.memory_space<vmem>> -> memref<10000xf32, #tpu.memory_space<vmem>>
        tpu.enqueue_dma source(%dma_start3A_47 : memref<10000xf32, #tpu.memory_space<vmem>>) target(%dma_start3A_45 : memref<10000xf32, #tpu.memory_space<hbm>>) target_semaphore(%run_scoped3A : memref<!tpu.dma_semaphore, #tpu.memory_space<semaphore_mem>>)
        %dma_wait3A = arith.constant 0 : i32
        %dma_wait3A_48 = tpu.memref_slice %arg17[%dma_wait3A] : memref<10016xf32, #tpu.memory_space<vmem>> -> memref<10000xf32, #tpu.memory_space<vmem>>
        %dma_wait3A_49 = tpu.memref_slice %arg11[%mul3A_42] : memref<160000xf32, #tpu.memory_space<hbm>> -> memref<10000xf32, #tpu.memory_space<hbm>>
        %dma_wait3A_50 = tpu.memref_slice %arg11[%mul3A_42] : memref<160000xf32, #tpu.memory_space<hbm>> -> memref<10000xf32, #tpu.memory_space<hbm>>
        %dma_wait3A_51 = arith.constant 0 : i32
        %dma_wait3A_52 = tpu.memref_slice %arg17[%dma_wait3A_51] : memref<10016xf32, #tpu.memory_space<vmem>> -> memref<10000xf32, #tpu.memory_space<vmem>>
        tpu.wait_dma2 semaphore(%run_scoped3A : memref<!tpu.dma_semaphore, #tpu.memory_space<semaphore_mem>>) src(%dma_wait3A_52 : memref<10000xf32, #tpu.memory_space<vmem>>) dst(%dma_wait3A_50 : memref<10000xf32, #tpu.memory_space<hbm>>)
        tpu.yield
      }) : () -> ()
    } else {
    }
    %eq3A_32 = arith.constant 1 : i32
    %eq3A_33 = arith.cmpi eq, %arg0, %eq3A_32 : i32
    %convert_element_type3A_34 = arith.extui %eq3A_33 : i1 to i32
    %cond3A_35 = arith.constant 0 : i32
    %cond3A_36 = arith.cmpi ne, %convert_element_type3A_34, %cond3A_35 : i32
    scf.if %cond3A_36 {
      %scan3A_37 = arith.constant 0 : i32
      %scan3A_38 = arith.constant 16 : i32
      %scan3A_39 = arith.addi %scan3A_37, %scan3A_38 : i32
      %scan3A_40 = arith.constant 1 : i32
      scf.for %scan3A_43 = %scan3A_37 to %scan3A_39 step %scan3A_40  : i32 {
        %mul3A_44 = arith.constant 1 : i32
        %mul3A_45 = arith.muli %scan3A_43, %mul3A_44 : i32
        %add3A = arith.constant 0 : i32
        %add3A_46 = arith.addi %add3A, %mul3A_45 : i32
        %mul3A_47 = arith.constant 16 : i32
        %mul3A_48 = arith.muli %mul3A_47, %add3A_46 : i32
        %add3A_49 = arith.addi %arg1, %mul3A_48 : i32
        %lt3A = arith.constant 250 : i32
        %lt3A_50 = arith.cmpi slt, %add3A_49, %lt3A : i32
        %convert_element_type3A_51 = arith.extui %lt3A_50 : i1 to i32
        %cond3A_52 = arith.constant 0 : i32
        %cond3A_53 = arith.cmpi ne, %convert_element_type3A_51, %cond3A_52 : i32
        scf.if %cond3A_53 {
          %mul3A_54 = arith.constant 40 : i32
          %mul3A_55 = arith.muli %add3A_49, %mul3A_54 : i32
          "tpu.region"() ({
            %run_scoped3A = tpu.sem_alloc : memref<!tpu.dma_semaphore, #tpu.memory_space<semaphore_mem>>
            %dma_start3A = arith.constant 0 : i32
            %dma_start3A_56 = tpu.memref_slice %arg8[%mul3A_55, %dma_start3A] : memref<10000x128xf32, #tpu.memory_space<hbm>> -> memref<40x128xf32, #tpu.memory_space<hbm>>
            %dma_start3A_57 = arith.constant 0 : i32
            %dma_start3A_58 = tpu.memref_slice %arg12[%mul3A_55, %dma_start3A_57] : memref<10008x128xf32, #tpu.memory_space<vmem_shared>> -> memref<40x128xf32, #tpu.memory_space<vmem_shared>>
            tpu.enqueue_dma source(%dma_start3A_58 : memref<40x128xf32, #tpu.memory_space<vmem_shared>>) target(%dma_start3A_56 : memref<40x128xf32, #tpu.memory_space<hbm>>) target_semaphore(%run_scoped3A : memref<!tpu.dma_semaphore, #tpu.memory_space<semaphore_mem>>)
            %dma_wait3A = arith.constant 0 : i32
            %dma_wait3A_59 = tpu.memref_slice %arg8[%mul3A_55, %dma_wait3A] : memref<10000x128xf32, #tpu.memory_space<hbm>> -> memref<40x128xf32, #tpu.memory_space<hbm>>
            %dma_wait3A_60 = arith.constant 0 : i32
            %dma_wait3A_61 = tpu.memref_slice %arg12[%mul3A_55, %dma_wait3A_60] : memref<10008x128xf32, #tpu.memory_space<vmem_shared>> -> memref<40x128xf32, #tpu.memory_space<vmem_shared>>
            tpu.wait_dma2 semaphore(%run_scoped3A : memref<!tpu.dma_semaphore, #tpu.memory_space<semaphore_mem>>) src(%dma_wait3A_61 : memref<40x128xf32, #tpu.memory_space<vmem_shared>>) dst(%dma_wait3A_59 : memref<40x128xf32, #tpu.memory_space<hbm>>)
            tpu.yield
          }) : () -> ()
        } else {
        }
      }
      %scan3A_41 = arith.constant 16 : i32
      %mul3A = arith.constant 10000 : i32
      %mul3A_42 = arith.muli %arg1, %mul3A : i32
      "tpu.region"() ({
        %run_scoped3A = tpu.sem_alloc : memref<!tpu.dma_semaphore, #tpu.memory_space<semaphore_mem>>
        %dma_start3A = arith.constant 0 : i32
        %dma_start3A_43 = tpu.memref_slice %arg17[%dma_start3A] : memref<10016xf32, #tpu.memory_space<vmem>> -> memref<10000xf32, #tpu.memory_space<vmem>>
        %dma_start3A_44 = tpu.memref_slice %arg10[%mul3A_42] : memref<160000xf32, #tpu.memory_space<hbm>> -> memref<10000xf32, #tpu.memory_space<hbm>>
        %dma_start3A_45 = tpu.memref_slice %arg10[%mul3A_42] : memref<160000xf32, #tpu.memory_space<hbm>> -> memref<10000xf32, #tpu.memory_space<hbm>>
        %dma_start3A_46 = arith.constant 0 : i32
        %dma_start3A_47 = tpu.memref_slice %arg17[%dma_start3A_46] : memref<10016xf32, #tpu.memory_space<vmem>> -> memref<10000xf32, #tpu.memory_space<vmem>>
        tpu.enqueue_dma source(%dma_start3A_47 : memref<10000xf32, #tpu.memory_space<vmem>>) target(%dma_start3A_45 : memref<10000xf32, #tpu.memory_space<hbm>>) target_semaphore(%run_scoped3A : memref<!tpu.dma_semaphore, #tpu.memory_space<semaphore_mem>>)
        %dma_wait3A = arith.constant 0 : i32
        %dma_wait3A_48 = tpu.memref_slice %arg17[%dma_wait3A] : memref<10016xf32, #tpu.memory_space<vmem>> -> memref<10000xf32, #tpu.memory_space<vmem>>
        %dma_wait3A_49 = tpu.memref_slice %arg10[%mul3A_42] : memref<160000xf32, #tpu.memory_space<hbm>> -> memref<10000xf32, #tpu.memory_space<hbm>>
        %dma_wait3A_50 = tpu.memref_slice %arg10[%mul3A_42] : memref<160000xf32, #tpu.memory_space<hbm>> -> memref<10000xf32, #tpu.memory_space<hbm>>
        %dma_wait3A_51 = arith.constant 0 : i32
        %dma_wait3A_52 = tpu.memref_slice %arg17[%dma_wait3A_51] : memref<10016xf32, #tpu.memory_space<vmem>> -> memref<10000xf32, #tpu.memory_space<vmem>>
        tpu.wait_dma2 semaphore(%run_scoped3A : memref<!tpu.dma_semaphore, #tpu.memory_space<semaphore_mem>>) src(%dma_wait3A_52 : memref<10000xf32, #tpu.memory_space<vmem>>) dst(%dma_wait3A_50 : memref<10000xf32, #tpu.memory_space<hbm>>)
        tpu.yield
      }) : () -> ()
    } else {
    }
    return
  }
}

module attributes {stable_mosaic.version = 14 : i64} {
  func.func @mm_body(%arg0: i32, %arg1: memref<1000x128xf32, #tpu.memory_space<vmem>>, %arg2: memref<128x128xf32, #tpu.memory_space<vmem>>, %arg3: memref<1x128xf32, #tpu.memory_space<vmem>>, %arg4: memref<1000x128xf32, #tpu.memory_space<vmem>>) attributes {dimension_semantics = [#tpu.dimension_semantics<arbitrary>], iteration_bounds = array<i64: 10>, scalar_prefetch = 0 : i64, scratch_operands = 0 : i64, tpu.core_type = #tpu.core_type<tc>, window_params = [{transform_indices = @transform_0, window_bounds = array<i64: 1000, 128>}, {pipeline_mode = #tpu.pipeline_mode<synchronous>, transform_indices = @transform_1, window_bounds = array<i64: 128, 128>}, {pipeline_mode = #tpu.pipeline_mode<synchronous>, transform_indices = @transform_2, window_bounds = array<i64: 1, 128>}, {transform_indices = @transform_3, window_bounds = array<i64: 1000, 128>}]} {
    %get3A = arith.constant 0 : index
    %get3A_0 = arith.constant 0 : index
    %get3A_1 = vector.load %arg1[%get3A, %get3A_0] : memref<1000x128xf32, #tpu.memory_space<vmem>>, vector<1000x128xf32>
    %get3A_2 = arith.constant 0 : index
    %get3A_3 = arith.constant 0 : index
    %get3A_4 = vector.load %arg2[%get3A_2, %get3A_3] : memref<128x128xf32, #tpu.memory_space<vmem>>, vector<128x128xf32>
    %dot_general3A = arith.constant dense<0.000000e+00> : vector<1000x128xf32>
    %dot_general3A_5 = tpu.matmul %get3A_1, %get3A_4, %dot_general3A {dimension_numbers = #tpu.dot_dimension_numbers<[1], [0], [0], [1], [0, 0, 1, 1], [], []>, transpose_lhs_hint = false} : vector<1000x128xf32>, vector<128x128xf32>, vector<1000x128xf32> -> vector<1000x128xf32>
    %get3A_6 = arith.constant 0 : index
    %get3A_7 = arith.constant 0 : index
    %get3A_8 = vector.load %arg3[%get3A_6, %get3A_7] : memref<1x128xf32, #tpu.memory_space<vmem>>, vector<1x128xf32>
    %add3A = vector.broadcast %get3A_8 : vector<1x128xf32> to vector<1000x128xf32>
    %add3A_9 = arith.addf %dot_general3A_5, %add3A : vector<1000x128xf32>
    %swap3A = arith.constant 0 : index
    %swap3A_10 = arith.constant 0 : index
    %swap3A_11 = vector.load %arg4[%swap3A, %swap3A_10] : memref<1000x128xf32, #tpu.memory_space<vmem>>, vector<1000x128xf32>
    tpu.vector_store %arg4[%swap3A, %swap3A_10], %add3A_9 {strides = array<i32>} : memref<1000x128xf32, #tpu.memory_space<vmem>>, vector<1000x128xf32>,
    return
  }
  func.func @transform_0(%arg0: i32) -> (i32, i32) {
    %c0_i32 = arith.constant 0 : i32
    %c0_i32_0 = arith.constant 0 : i32
    return %arg0, %c0_i32 : i32, i32
  }
  func.func @transform_1(%arg0: i32) -> (i32, i32) {
    %c0_i32 = arith.constant 0 : i32
    %c0_i32_0 = arith.constant 0 : i32
    %c0_i32_1 = arith.constant 0 : i32
    return %c0_i32, %c0_i32_0 : i32, i32
  }
  func.func @transform_2(%arg0: i32) -> (i32, i32) {
    %c0_i32 = arith.constant 0 : i32
    %c0_i32_0 = arith.constant 0 : i32
    %c0_i32_1 = arith.constant 0 : i32
    return %c0_i32, %c0_i32_0 : i32, i32
  }
  func.func @transform_3(%arg0: i32) -> (i32, i32) {
    %c0_i32 = arith.constant 0 : i32
    %c0_i32_0 = arith.constant 0 : i32
    return %arg0, %c0_i32 : i32, i32
  }
}

module attributes {stable_mosaic.version = 14 : i64} {
  func.func @div_body(%arg0: i32, %arg1: memref<1000x128xf32, #tpu.memory_space<vmem>>, %arg2: memref<16x1x1x1000xf32, #tpu.memory_space<vmem>>, %arg3: memref<1000x128xf32, #tpu.memory_space<vmem>>) attributes {dimension_semantics = [#tpu.dimension_semantics<arbitrary>], iteration_bounds = array<i64: 10>, scalar_prefetch = 0 : i64, scratch_operands = 0 : i64, tpu.core_type = #tpu.core_type<tc>, window_params = [{transform_indices = @transform_0, window_bounds = array<i64: 1000, 128>}, {transform_indices = @transform_1, window_bounds = array<i64: 16, 1, 1, 1000>}, {transform_indices = @transform_2, window_bounds = array<i64: 1000, 128>}]} {
    %get3A = arith.constant 0 : index
    %get3A_0 = arith.constant 0 : index
    %get3A_1 = arith.constant 0 : index
    %get3A_2 = arith.constant 0 : index
    %get3A_3 = vector.load %arg2[%get3A, %get3A_0, %get3A_1, %get3A_2] : memref<16x1x1x1000xf32, #tpu.memory_space<vmem>>, vector<16x1x1x1000xf32>
    %reshape3A = vector.shape_cast %get3A_3 : vector<16x1x1x1000xf32> to vector<16x1000xf32>
    %reduce_sum3A = arith.constant dense<0.000000e+00> : vector<1000xf32>
    %reduce_sum3A_4 = vector.multi_reduction <add>, %reshape3A, %reduce_sum3A [0] : vector<16x1000xf32> to vector<1000xf32>
    %get3A_5 = arith.constant 0 : index
    %get3A_6 = arith.constant 0 : index
    %get3A_7 = vector.load %arg1[%get3A_5, %get3A_6] : memref<1000x128xf32, #tpu.memory_space<vmem>>, vector<1000x128xf32>
    %max3A = arith.constant 1.000000e+00 : f32
    %max3A_8 = vector.broadcast %max3A : f32 to vector<1000xf32>
    %max3A_9 = arith.maximumf %reduce_sum3A_4, %max3A_8 : vector<1000xf32>
    %broadcast_in_dim3A = vector.shape_cast %max3A_9 : vector<1000xf32> to vector<1000x1xf32>
    %div3A = vector.broadcast %broadcast_in_dim3A : vector<1000x1xf32> to vector<1000x128xf32>
    %div3A_10 = arith.divf %get3A_7, %div3A : vector<1000x128xf32>
    %swap3A = arith.constant 0 : index
    %swap3A_11 = arith.constant 0 : index
    %swap3A_12 = vector.load %arg3[%swap3A, %swap3A_11] : memref<1000x128xf32, #tpu.memory_space<vmem>>, vector<1000x128xf32>
    tpu.vector_store %arg3[%swap3A, %swap3A_11], %div3A_10 {strides = array<i32>} : memref<1000x128xf32, #tpu.memory_space<vmem>>, vector<1000x128xf32>,
    return
  }
  func.func @transform_0(%arg0: i32) -> (i32, i32) {
    %c0_i32 = arith.constant 0 : i32
    %c0_i32_0 = arith.constant 0 : i32
    return %arg0, %c0_i32 : i32, i32
  }
  func.func @transform_1(%arg0: i32) -> (i32, i32, i32, i32) {
    %c0_i32 = arith.constant 0 : i32
    %c0_i32_0 = arith.constant 0 : i32
    %c0_i32_1 = arith.constant 0 : i32
    %c0_i32_2 = arith.constant 0 : i32
    return %c0_i32, %arg0, %c0_i32_0, %c0_i32_1 : i32, i32, i32, i32
  }
  func.func @transform_2(%arg0: i32) -> (i32, i32) {
    %c0_i32 = arith.constant 0 : i32
    %c0_i32_0 = arith.constant 0 : i32
    return %arg0, %c0_i32 : i32, i32
  }
}

</mosaic_0001>

<sc_bundles>
// kernel: kernel.7.cloned.1.call-start
scs
__scs_entry_jumppad:
0x0: {  	(pc) =	sbr.rel $0x88, $3  }
0x1: {  	(tag) =	ssettag $0x0;
	lr =	simm.s32 $0x1  }
0x2: {  	[smem:$0x3F99] =	sst lr;
	_ =	strace $0xD0000000  }
0x3: {  	_ = 	snop  }
0x4: {  	_ = 	snop  }
0x5: {  	_ = 	snop  }
0x6: {  	_ = 	snop  }
0x7: {  	_ = 	snop  }
__scs_overlays_trampoline_lowered:
0x8: {  	[smem:$0x3FA8] =	sst s0  }
0x9: {  	[smem:$0x3FA9] =	sst s1  }
0xa: {  	[smem:$0x3FAA] =	sst s2  }
0xb: {  	[smem:$0x3FAB] =	sst s3  }
0xc: {  	[smem:$0x3FAC] =	sst s4  }
0xd: {  	[smem:$0x3FAD] =	sst s5  }
0xe: {  	[smem:$0x3FAE] =	sst s6  }
0xf: {  	[smem:$0x3FAF] =	sst s7  }
0x10: {  	[smem:$0x3FB0] =	sst s8  }
0x11: {  	[smem:$0x3FB1] =	sst s9;
	s0 =	simm.s32 @!p0 $0x0  }
0x12: {  	s1 =	sld [smem:$0x3F97];
	s0 =	simm.s32 @p0 $0x1  }
0x13: {  	[smem:$0x3FB2] =	sst s0;
	s0 =	simm.s32 @!p1 $0x0  }
0x14: {  	s2 =	sld [smem:$0x3F96];
	s0 =	simm.s32 @p1 $0x1  }
0x15: {  	[smem:$0x3FB3] =	sst s0;
	s0 =	simm.s32 @!p2 $0x0  }
0x16: {  	s3 =	sld [smem:$0x3FDB];
	s0 =	simm.s32 @p2 $0x1  }
0x17: {  	s4 =	simm.s32 $0x1BF5;
	[smem:$0x3FB5] =	sst s0  }
0x18: {  	s0 =	sld [smem:$0x3F98];
	_ =	swait.ge [sflag:s4], $0x0  }
0x19: {  	s7 =	sld [smem:$0x3F99]  }
0x1a: {  	s8 =	sadd.s32 $0xFFFFE003, lr  }
0x1b: {  	s9 =	sadd.s32 $0xFFFFFEF7, lr;
	s5 =	simm.s32 $0xFFFFFFFF;
	p2 =	slt.u32 s8, $0xFFFFF086  }
0x1c: {  	p1 =	slt.u32 s9, $0xF7A;
	s5 =	simm.s32 @!p2 $0x0  }
0x1d: {  	s5 =	simm.s32 @p1 $0x1;
	p0 =	seq.s32 s7, s2  }
0x1e: {  	s7 =	smul.u32 @!p0 $0xF7A, s2;
	p2 =	seq.s32 @!p0 s5, $0x0  }
0x1f: {  	s9 =	smul.u32 $0xF7A, s1;
	s8 =	simm.s32 @!p0 $0x1BF5;
	p2 =	por !p2, p0  }
0x20: {  	[sflag:s8] =	ssyncset.s32 @!p0 $0xFFFFF086;
	s6 =	sadd.s32 @!p0 s3, s7;
	s7 =	simm.s32 @!p0 $0x108  }
0x21: {  	s3 =	sadd.s32 s3, s9;
	s6 =	sadd.s32 @!p0 $0x88, s6;
	s7 =	simm.s32 @p2 $0x1082  }
0x22: {  	[simem:s7], [sflag:s8] =	dma.local @!p0 [hbm:s6], $0xF7A  }
0x23: {  	s9 =	sor.u32 $0xD0000000, s2;
	s6 =	simm.s32 $0x108;
	_ =	swait.ge @!p0 [sflag:s8], $0x0  }
0x24: {  	s3 =	sadd.s32 $0x88, s3;
	s6 =	simm.s32 @!p1 $0x1082;
	[sflag:s4] =	ssyncset.s32 $0xFFFFF086  }
0x25: {  	[simem:s6], [sflag:s4] =	dma.local [hbm:s3], $0xF7A  }
0x26: {  	[smem:$0x3F99] =	sst s1;
	(tag) =	ssettag s2;
	_ =	strace s9  }
0x27: {  	s1 =	sld [smem:$0x3FA9]  }
0x28: {  	s2 =	sld [smem:$0x3FAA]  }
0x29: {  	s4 =	sld [smem:$0x3FAC]  }
0x2a: {  	p0 =	seq.s32 s5, $0x0;
	s5 =	sld [smem:$0x3FAD]  }
0x2b: {  	s6 =	sld [smem:$0x3FAE]  }
0x2c: {  	s7 =	sld [smem:$0x3FAF]  }
0x2d: {  	s3 =	simm.s32 $0x108;
	s8 =	sld [smem:$0x3FB0]  }
0x2e: {  	s3 =	simm.s32 @!p0 $0x1082;
	s9 =	sld [smem:$0x3FB1]  }
0x2f: {  	lr =	sadd.s32 s0, s3;
	s0 =	sld [smem:$0x3FA8]  }
0x30: {  	s3 =	sld [smem:$0x3FAB]  }
0x31: {  	[smem:$0x3FB4] =	sst s10  }
0x32: {  	s10 =	sld [smem:$0x3FB2];
	_ =	sdelay $0x3  }
0x33: {  	p0 =	seq.s32 s10, $0x1;
	s10 =	sld [smem:$0x3FB4];
	_ =	sdelay $0x3  }
0x34: {  	[smem:$0x3FB4] =	sst s10  }
0x35: {  	s10 =	sld [smem:$0x3FB3];
	_ =	sdelay $0x3  }
0x36: {  	p1 =	seq.s32 s10, $0x1;
	s10 =	sld [smem:$0x3FB4];
	_ =	sdelay $0x3  }
0x37: {  	[smem:$0x3FB4] =	sst s10  }
0x38: {  	s10 =	sld [smem:$0x3FB5]  }
0x39: {  	_ = 	snop;
	(pc) =	sbr.ind lr, $3  }
0x3a: {  	_ = 	snop  }
0x3b: {  	_ = 	snop  }
0x3c: {  	p2 =	seq.s32 s10, $0x1;
	s10 =	sld [smem:$0x3FB4]  }
0x3d: {  	_ =	shalt  }
0x3e: {  	_ =	shalt  }
0x3f: {  	_ =	shalt  }
0x40: {  	_ =	shalt  }
0x41: {  	_ =	shalt  }
0x42: {  	_ =	shalt  }
0x43: {  	_ =	shalt  }
0x44: {  	_ =	shalt  }
0x45: {  	_ =	shalt  }
0x46: {  	_ =	shalt  }
0x47: {  	_ =	shalt  }
0x48: {  	_ =	shalt  }
0x49: {  	_ =	shalt  }
0x4a: {  	_ =	shalt  }
0x4b: {  	_ =	shalt  }
0x4c: {  	_ =	shalt  }
0x4d: {  	_ =	shalt  }
0x4e: {  	_ =	shalt  }
0x4f: {  	_ =	shalt  }
0x50: {  	_ =	shalt  }
0x51: {  	_ =	shalt  }
0x52: {  	_ =	shalt  }
0x53: {  	_ =	shalt  }
0x54: {  	_ =	shalt  }
0x55: {  	_ =	shalt  }
0x56: {  	_ =	shalt  }
0x57: {  	_ =	shalt  }
0x58: {  	_ =	shalt  }
0x59: {  	_ =	shalt  }
0x5a: {  	_ =	shalt  }
0x5b: {  	_ =	shalt  }
0x5c: {  	_ =	shalt  }
0x5d: {  	_ =	shalt  }
0x5e: {  	_ =	shalt  }
0x5f: {  	_ =	shalt  }
0x60: {  	_ =	shalt  }
0x61: {  	_ =	shalt  }
0x62: {  	_ =	shalt  }
0x63: {  	_ =	shalt  }
0x64: {  	_ =	shalt  }
0x65: {  	_ =	shalt  }
0x66: {  	_ =	shalt  }
0x67: {  	_ =	shalt  }
0x68: {  	_ =	shalt  }
0x69: {  	_ =	shalt  }
0x6a: {  	_ =	shalt  }
0x6b: {  	_ =	shalt  }
0x6c: {  	_ =	shalt  }
0x6d: {  	_ =	shalt  }
0x6e: {  	_ =	shalt  }
0x6f: {  	_ =	shalt  }
0x70: {  	_ =	shalt  }
0x71: {  	_ =	shalt  }
0x72: {  	_ =	shalt  }
0x73: {  	_ =	shalt  }
0x74: {  	_ =	shalt  }
0x75: {  	_ =	shalt  }
0x76: {  	_ =	shalt  }
0x77: {  	_ =	shalt  }
0x78: {  	_ =	shalt  }
0x79: {  	_ =	shalt  }
0x7a: {  	_ =	shalt  }
0x7b: {  	_ =	shalt  }
0x7c: {  	_ =	shalt  }
0x7d: {  	_ =	shalt  }
0x7e: {  	_ =	shalt  }
0x7f: {  	_ =	shalt  }
0x80: {  	_ =	shalt  }
0x81: {  	_ =	shalt  }
0x82: {  	_ =	shalt  }
0x83: {  	_ =	shalt  }
0x84: {  	_ =	shalt  }
0x85: {  	_ =	shalt  }
0x86: {  	_ =	shalt  }
0x87: {  	_ =	shalt  }
.Lfunc_end0:
.L_simem_size_0:
called_computation_lowered:
.L_overlay_start_0:
0x88: {  	s2 =	sld [smem:$0x3FD9]  }
0x89: {  	s3 =	sld [smem:$0x3FFE];
	_ =	sdelay $0x1  }
0x8a: {  	s1 =	srdreg.scid  }
0x8b: {  	s0 =	sand.u32 $0x1, s1  }
0x8c: {  	s14 =	sshll.u32 s0, $0xA;
	s2 =	sadd.s32 s3, s2  }
0x8d: {  	s2 =	sadd.s32 s2, s14  }
0x8e: {  	[smem:$0x3FC0] =	sst s2  }
0x8f: {  	_ = 	snop  }
0x90: {  	s2 =	sld [smem:$0x3FD0];
	_ =	sdelay $0x2  }
0x91: {  	s15 =	simm.s32 $0xA;
	s4 =	simm.s32 $0x10  }
0x92: {  	[smem:s4], [sflag:s15] =	dma.local [hbm:s2], $0x1  }
0x93: {  	_ =	swait.eq [sflag:s15], $0x1  }
0x94: {  	[sflag:s15] =	ssyncset.done $0x0  }
0x95: {  	s16 =	sld [smem:$0x10];
	[sflag:s15] =	ssyncadd.s32 $0xFFFFFFFF  }
0x96: {  	s17 =	sld [smem:$0x11];
	(tm) =	ssettm $0x1  }
0x97: {  	s18 =	sld [smem:$0x3FFB];
	_ =	sdelay $0x3  }
0x98: {  	_ =	strace s18  }
0x99: {  	s4 =	sld [smem:$0x3FFC];
	_ =	sdelay $0x3  }
0x9a: {  	_ =	strace s4  }
0x9b: {  	s4 =	sld [smem:$0x3FFD];
	_ =	sdelay $0x3  }
0x9c: {  	_ =	strace s4  }
0x9d: {  	_ =	strace $0x8FFFFFFF  }
0x9e: {  	s19 =	sld [smem:$0x3FDB];
	_ =	sdelay $0x1  }
0x9f: {  	s5 =	simm.s32 $_scs_section_size  }
0xa0: {  	s6 =	simm.s32 $_size__tile_overlayer_lowered;
	s7 =	simm.s32 $_tile_overlayer_lowered  }
0xa1: {  	s22 =	simm.s32 $0x1BFF;
	s21 =	sshll.u32 s7, $0x1;
	s4 =	sadd.s32 s5, s19  }
0xa2: {  	s8 =	simm.s32 $0x0;
	s20 =	sshll.u32 s6, $0x1;
	s6 =	sadd.s32 s21, s4  }
0xa3: {  	[timem:s8], [sflag:s22] =	dma.local [hbm:s6], s20  }
0xa4: {  	_ =	swait.ge [sflag:s22], s20  }
0xa5: {  	s5 =	ssub.s32 $0x0, s20;
	[sflag:s22] =	ssyncset.done $0x0  }
0xa6: {  	[sflag:s22] =	ssyncadd.s32 s5;
	_ =	sdelay $0x1  }
0xa7: {  	s23 =	simm.s32 $0x1B8B  }
0xa8: {  	_ =	swait.ge [sflag:s23], $0x1  }
0xa9: {  	[sflag:s23] =	ssyncset.done $0x0  }
0xaa: {  	s25 =	simm.s32 $0x1B8E;
	s24 =	sld [smem:$0x3FFE];
	[sflag:s23] =	ssyncadd.s32 $0xFFFFFFFF  }
0xab: {  	s26 =	simm.s32 $execute0_lowered;
	[smem:$0x3FD2] =	sst s25  }
0xac: {  	s6 =	sshll.u32 s26, $0x1;
	_ =	strace $0x80000046;
	[dreg:$0x1] =	wrdreg $0xFFFFFFFF  }
0xad: {  	s28 =	simm.s32 $_size_execute0_lowered;
	s4 =	sadd.s32 s4, s6;
	[dreg:$0x0] =	wrdreg $0x0  }
0xae: {  	s6 =	sshll.u32 s28, $0x1;
	[dreg:$0x2] =	wrdreg s4  }
0xaf: {  	[dreg:$0x3] =	wrdreg s6  }
0xb0: {  	[dreg:$0x4] =	wrdreg $0xC0  }
0xb1: {  	_ =	task [dreg:s8], $0x5FFFF  }
0xb2: {  	[dreg:$0x1] =	wrdreg $0xFFFFFFFF  }
0xb3: {  	[dreg:$0x0] =	wrdreg $0x60  }
0xb4: {  	[dreg:$0x2] =	wrdreg s17  }
0xb5: {  	[dreg:$0x3] =	wrdreg s24  }
0xb6: {  	[dreg:$0x4] =	wrdreg s16  }
0xb7: {  	[dreg:$0x5] =	wrdreg $0x0  }
0xb8: {  	[dreg:$0x6] =	wrdreg $0x9  }
0xb9: {  	_ =	task.clear_ibuf [dreg:s8], $0x7FFFF;
	_ =	strace $0x90000046  }
0xba: {  	s29 =	simm.s32 $0x9;
	_ =	strace $0x80000048  }
0xbb: {  	_ =	swait.ge [sflag:s29], $0x1  }
0xbc: {  	[sflag:s29] =	ssyncadd.s32 $0xFFFFFFFF  }
0xbd: {  	_ =	strace $0x90000048  }
0xbe: {  	_ =	sfence  }
0xbf: {  	s30 =	sld [smem:$0x0];
	_ =	sdelay $0x2  }
0xc0: {  	s31 =	sshll.u32 s1, $0xD;
	s1 =	sshrl.u32 s1, $0x2  }
0xc1: {  	s3 =	sand.u32 $0x4000, s31;
	s1 =	sadd.s32 s1, s30  }
0xc2: {  	s0 =	sor.u32 s3, s0;
	s1 =	sshll.u32 s1, $0x11  }
0xc3: {  	s0 =	sor.u32 s1, s0  }
0xc4: {  	s0 =	sadd.s32 $0x8F2B, s0  }
0xc5: {  	[sflag:s0] =	ssyncadd.remote.s32 $0x1  }
0xc6: {  	_ =	sfence.sel $0xFFFF  }
0xc7: {  	[dreg:$0x0] =	wrdreg $0xFFFFFFFF;
	(pc) =	sbr.abs _section_cstart, $3  }
0xc8: {  	[dreg:$0x1] =	wrdreg $0xFFFFFFFF  }
0xc9: {  	_ =	task.clear_ibuf [dreg:s8], $0x2FFFF;
	_ =	strace $0x9FFFFFFF  }
0xca: {  	(tm) =	ssettm $0x7FFFFFFF  }
0xcb: {  	_ =	shalt  }
tec
execute0_lowered:
.L_overlay_start_1:
0x0: {  	(tag) =	ssettag $0x1  }
0x1: {  	s1 =	rddreg [dreg:$0x0]  }
0x2: {  	s0 =	rddreg [dreg:$0x1]  }
0x3: {  	s2 =	rddreg [dreg:$0x2]  }
0x4: {  	s3 =	rddreg [dreg:$0x3];
	s4 =	simm.s32 $0x0  }
0x5: {  	s5 =	stileid.u32;
	s6 =	srdreg.scid;
	s28 =	simm.s32 $0x13CC0  }
0x6: {  	s29 =	simm.s32 $0x80;
	s30 =	simm.s32 $0x140C0;
	s31 =	simm.s32 $0x1  }
0x7: {  	[smem:$0x7FF] =	sst s4;
	s7 =	smul.u32 $0x280, s5;
	s6 =	sand.u32 $0x1, s6  }
0x8: {  	s11 =	sshll.u32 s5, $0x7;
	s12 =	sadd.s32 $0x29200, s0;
	s13 =	sadd.s32 $0x2E200, s0  }
0x9: {  	s14 =	sadd.s32 $0x138800, s3;
	_ =	strace $0x80000047;
	[dreg:$0x6] =	wrdreg s12  }
0xa: {  	s15 =	sadd.s32 $0x29000, s0;
	s16 =	smul.u32 $0x5000, s5;
	[dreg:$0x7] =	wrdreg s13  }
0xb: {  	s17 =	sadd.s32 $0x1F200, s0;
	s19 =	sadd.s32 $0x15400, s0;
	[dreg:$0x8] =	wrdreg s14  }
0xc: {  	s21 =	smul.u32 $0x4E2, s5;
	p0 =	sne.s32 s5, $0x0;
	[dreg:$0x9] =	wrdreg s15  }
0xd: {  	p2 =	sgt.u32 s5, $0x3;
	s8 =	ssub.s32 $0x2, s6;
	[dreg:$0xa] =	wrdreg s17  }
0xe: {  	s9 =	sadd.s32 s11, s0;
	s18 =	sadd.s32 $0x138C0, s11;
	[dreg:$0x5] =	wrdreg s11  }
0xf: {  	s11 =	sadd.s32 $0x13CC0, s11;
	[dreg:$0xd] =	wrdreg s19;
	p1 =	sne.s32 s6, $0x0  }
0x10: {  	s12 =	simm.s32 $0x13E40;
	s13 =	simm.s32 $0x13AC0;
	s17 =	simm.s32 $0x13B40  }
0x11: {  	s6 =	simm.s32 $0x13C40;
	s19 =	simm.s32 $0x14040;
	[dreg:$0xb] =	wrdreg s18  }
0x12: {  	s7 =	sadd.s32 s7, s0;
	s10 =	sshrl.u32 s8, $0x1;
	[dreg:$0xc] =	wrdreg s11  }
0x13: {  	s0 =	sadd.s32 $0xB600, s0;
	s20 =	sshrl.u32 s16, $0x2;
	[dreg:$0xf] =	wrdreg s21  }
0x14: {  	s14 =	sadd.s32 $0x15600, s9;
	s22 =	sadd.s32 $0x1F400, s9;
	s24 =	sadd.s32 $0x1A00, s9  }
0x15: {  	s25 =	sadd.s32 $0xB800, s9;
	s11 =	simm.s32 $0x1C0C0;
	[dreg:$0xe] =	wrdreg s0  }
0x16: {  	s9 =	simm.s32 $0x13A40;
	s16 =	simm.s32 $0x13EC0;
	[dreg:$0x13] =	wrdreg s22  }
0x17: {  	s21 =	simm.s32 $0x13F40;
	s18 =	simm.s32 $0x13FC0;
	[dreg:$0x15] =	wrdreg s24  }
0x18: {  	s8 =	ssub.s32 s8, s10;
	s15 =	sadd.s32 s20, s3;
	[dreg:$0x16] =	wrdreg s25  }
.Ltmp0:
0x19: {  	s23 =	sadd.s32 $0x33200, s7;
	[dreg:$0x12] =	wrdreg s14;
	(pc) =	sbr.rel .LBB2_1-.Ltmp0, $4  }
0x1a: {  	s26 =	sadd.s32 $0x5A400, s7;
	s25 =	simm.s32 $0x138C0;
	[dreg:$0x14] =	wrdreg s23  }
0x1b: {  	s10 =	simm.s32 $0x180C0;
	s24 =	simm.s32 $0x13BC0;
	[dreg:$0x17] =	wrdreg s26  }
0x1c: {  	s20 =	simm.s32 $0x0;
	s8 =	smax.u32 s8, $0x1;
	[dreg:$0x11] =	wrdreg s15  }
0x1d: {  	v0 =	vimm.f32 $0.0e+00;
	v1 =	vimm.f32 $1.000000000e+00;
	s26 =	simm.s32 $0x3;
	[dreg:$0x10] =	wrdreg s8;
	s8 =	simm.s32 $0x2  }
.LBB2_19:
0x1e: {  	p4 =	sgt.u32 s7, $0xF9  }
0x1f: {  	[sflag:s0] =	ssyncadd.s32 @!p3 $0xFFFFFD80;
	s0 =	sshll.u32 @!p4 s5, $0x6  }
0x20: {  	s7 =	sshrl.u32 @!p4 s23, $0x3;
	s14 =	simm.s32 @!p4 $0x3;
	s0 =	sor.u32 @!p4 $0x1C03, s0  }
0x21: {  	[hbm:s20], [sflag:s0] =	dma.local @!p4 [spmem:s7], $0x280  }
0x22: {  	_ =	swait.ge @!p4 [sflag:s14], $0x280  }
0x23: {  	[sflag:s14] =	ssyncset.done @!p4 $0x0;
	s0 =	rddreg [dreg:$0x6]  }
0x24: {  	s20 =	rddreg [dreg:$0x18];
	[sflag:s14] =	ssyncadd.s32 @!p4 $0xFFFFFD80  }
.LBB2_20:
0x25: {  	s7 =	rddreg [dreg:$0xf]  }
0x26: {  	s0 =	sadd.s32 s0, s7  }
0x27: {  	[hbm4b:s0+s4] =	stream.linear.scatter [tilespmem:s11], [sflag:$0x3], $0x2710, $0x38;
	[tilespmem:$0x1FC40] =	vst v63  }
0x28: {  	_ =	swait.ge [sflag:s26], $0x2710  }
0x29: {  	s20 =	sadd.s32 $0x1, s20;
	s23 =	rddreg [dreg:$0x10]  }
0x2a: {  	p3 =	sne.s32 s20, s23  }
.Ltmp1:
0x2b: {  	_ = 	snop;
	(pc) =	sbr.rel @!p3 .LBB2_21-.Ltmp1, $3  }
0x2c: {  	_ =	sdelay $0x1  }
0x2d: {  	[sflag:s26] =	ssyncset.done $0x0;
	s15 =	rddreg [dreg:$0x11]  }
0x2e: {  	s14 =	rddreg [dreg:$0x12];
	[sflag:s26] =	ssyncadd.s32 $0xFFFFD8F0  }
.LBB2_1:
0x2f: {  	[dreg:$0x18] =	wrdreg s20;
	s20 =	simm.s32 $0x0;
	s0 =	simm.s32 $0x200  }
.LBB2_2:
0x30: {  	p3 =	sne.s32 s0, $0x4E00;
	[tilespmem:s20+$0x1E8B0] =	vst v0  }
0x31: {  	[tilespmem:s20+$0x1E840] =	vst v0  }
0x32: {  	[tilespmem:s20+$0x1E850] =	vst v0  }
.Ltmp2:
0x33: {  	[tilespmem:s20+$0x1E860] =	vst v0;
	(pc) =	sbr.rel @p3 .LBB2_2-.Ltmp2, $4  }
0x34: {  	[tilespmem:s20+$0x1E870] =	vst v0  }
0x35: {  	[tilespmem:s20+$0x1E880] =	vst v0  }
0x36: {  	[tilespmem:s20+$0x1E890] =	vst v0  }
0x37: {  	[tilespmem:s20+$0x1E8A0] =	vst v0;
	s20 =	sshra.s32 s0, $0x2;
	s0 =	sadd.s32 $0x200, s0  }
0x38: {  	[tilespmem:s20+$0x1E8B0] =	vst v0  }
0x39: {  	[tilespmem:s20+$0x1E840] =	vst v0  }
0x3a: {  	[tilespmem:s20+$0x1E850] =	vst v0  }
0x3b: {  	[tilespmem:s20+$0x1E860] =	vst v0  }
0x3c: {  	[tilespmem:s20+$0x1E870] =	vst v0  }
0x3d: {  	[tilespmem:s20+$0x1E880] =	vst v0  }
0x3e: {  	[tilespmem:s20+$0x1E890] =	vst v0  }
0x3f: {  	[tilespmem:s20+$0x1E8A0] =	vst v0;
	s0 =	simm.s32 $0x40;
	s7 =	simm.s32 $0x0  }
.LBB2_4:
0x40: {  	p3 =	sne.s32 s0, $0x9C40;
	[tilespmem:s7+$0x1C0C0] =	vst v0;
	s7 =	smov.u32 s0;
	s0 =	sadd.s32 $0x40, s0  }
.Ltmp3:
0x41: {  	(pc) =	sbr.rel @p3 .LBB2_4-.Ltmp3, $2  }
0x42: {  	_ =	sdelay $0x2  }
0x43: {  	s7 =	sshra.s32 s7, $0x2  }
0x44: {  	s0 =	sadd.s32 $0x0, s5  }
0x45: {  	p3 =	sgt.u32 s0, $0xF9  }
0x46: {  	[tilespmem:s7+$0x1C0C0] =	vst v0;
	s0 =	simm.s32 @!p3 $0x1E840;
	s23 =	simm.s32 @!p3 $0x3  }
0x47: {  	[spmem:s15] =	stream.linear.scatter @!p3 [tilespmem:s0], [sflag:$0x3], $0x1400, $0x38;
	[tilespmem:$0x1FC40] =	vst v63  }
0x48: {  	s22 =	simm.s32 $0x10;
	_ =	swait.ge @!p3 [sflag:s23], $0x1400  }
0x49: {  	s20 =	sadd.s32 $0x14000, s15;
	s0 =	simm.s32 $0x20;
	[sflag:s23] =	ssyncset.done @!p3 $0x0  }
.LBB2_6:
0x4a: {  	s7 =	sadd.s32 s22, s5;
	s22 =	smov.u32 s0;
	s0 =	sadd.s32 $0x10, s0  }
0x4b: {  	[sflag:s23] =	ssyncadd.s32 @!p3 $0xFFFFEC00;
	p4 =	sne.s32 s0, $0x100  }
.Ltmp4:
0x4c: {  	p3 =	sgt.u32 s7, $0xF9;
	(pc) =	sbr.rel @p4 .LBB2_6-.Ltmp4, $4  }
0x4d: {  	s7 =	simm.s32 @!p3 $0x1E840;
	s23 =	simm.s32 @!p3 $0x3  }
0x4e: {  	[spmem:s20] =	stream.linear.scatter @!p3 [tilespmem:s7], [sflag:$0x3], $0x1400, $0x38;
	[tilespmem:$0x1FC40] =	vst v63  }
0x4f: {  	_ =	swait.ge @!p3 [sflag:s23], $0x1400  }
0x50: {  	s20 =	sadd.s32 $0x14000, s20;
	[sflag:s23] =	ssyncset.done @!p3 $0x0  }
0x51: {  	s0 =	sadd.s32 s22, s5  }
0x52: {  	p4 =	sgt.u32 s0, $0xF9  }
0x53: {  	[sflag:s23] =	ssyncadd.s32 @!p3 $0xFFFFEC00;
	s0 =	simm.s32 @!p4 $0x1E840;
	s7 =	simm.s32 @!p4 $0x3  }
0x54: {  	[spmem:s20] =	stream.linear.scatter @!p4 [tilespmem:s0], [sflag:$0x3], $0x1400, $0x38;
	[tilespmem:$0x1FC40] =	vst v63  }
0x55: {  	_ =	swait.ge @!p4 [sflag:s7], $0x1400  }
0x56: {  	[sflag:s7] =	ssyncset.done @!p4 $0x0  }
0x57: {  	s0 =	simm.s32 @!p0 $0x1E840;
	[sflag:s7] =	ssyncadd.s32 @!p4 $0xFFFFEC00;
	s7 =	rddreg [dreg:$0x8]  }
0x58: {  	[spmem:s7] =	stream.linear.scatter @!p0 [tilespmem:s0], [sflag:$0x3], $0x400, $0x38;
	[tilespmem:$0x1FC40] =	vst v63  }
0x59: {  	s0 =	simm.s32 @!p0 $0x3  }
.Ltmp5:
0x5a: {  	_ =	swait.ge @!p0 [sflag:s0], $0x400;
	(pc) =	sbr.rel @p1 .LBB2_14-.Ltmp5, $4  }
.Ltmp6:
0x5b: {  	[sflag:s0] =	ssyncset.done @!p0 $0x0;
	(pc) =	sbr.rel @!p1 .LBB2_8-.Ltmp6, $4  }
0x5c: {  	[sflag:s0] =	ssyncadd.s32 @!p0 $0xFFFFFC00  }
0x5d: {  	s22 =	stileid.u32;
	[bflag:$0x0] =	sbarrier.arrive $0xFFFF  }
0x5e: {  	s23 =	stileid.u32;
	s20 =	simm.s32 $0x0;
	s7 =	rddreg [dreg:$0x13]  }
0x5f: {  	_ = 	snop  }
.LBB2_10:
0x60: {  	s20 =	sadd.s32 $0x800, s20  }
0x61: {  	p3 =	sne.s32 s20, $0xA000  }
.Ltmp7:
0x62: {  	_ = 	snop;
	(pc) =	sbr.rel @!p3 .LBB2_11-.Ltmp7, $2  }
0x63: {  	_ =	sdelay $0x2  }
0x64: {  	s22 =	sadd.s32 $0x10, s22  }
.LBB2_8:
0x65: {  	p3 =	sgt.u32 s22, $0x137  }
.Ltmp8:
0x66: {  	_ = 	snop;
	(pc) =	sbr.rel @p3 .LBB2_10-.Ltmp8, $1  }
0x67: {  	_ =	sdelay $0x3  }
0x68: {  	s0 =	rddreg [dreg:$0x16]  }
0x69: {  	s0 =	sadd.s32 s20, s0  }
0x6a: {  	[tilespmem:s25], [sflag:$0x3] =	stream.linear.gather [hbm4b:s0+s4], $0x400, $0x38;
	[tilespmem:$0x1FC40] =	vst v63  }
0x6b: {  	_ =	swait.ge [sflag:s26], $0x400  }
0x6c: {  	[sflag:s26] =	ssyncset.done $0x0;
	s14 =	rddreg [dreg:$0x15]  }
0x6d: {  	[sflag:s26] =	ssyncadd.s32 $0xFFFFFC00;
	s0 =	sadd.s32 s20, s14  }
0x6e: {  	[tilespmem:s28], [sflag:$0x3] =	stream.linear.gather [hbm4b:s0+s4], $0x400, $0x38;
	[tilespmem:$0x1FC40] =	vst v63  }
0x6f: {  	_ =	swait.ge [sflag:s26], $0x400  }
0x70: {  	[sflag:s26] =	ssyncset.done $0x0  }
0x71: {  	[sflag:s26] =	ssyncadd.s32 $0xFFFFFC00  }
0x72: {  	[tilespmem:s30], [sflag:$0x1] =	stream.indirect.gather [hbm4b:s1+s29], $0x80, s25, s29, $0xb8;
	[tilespmem:$0x1FC40] =	vst v63  }
0x73: {  	_ =	swait.ge [sflag:s31], $0x4000  }
0x74: {  	[sflag:s31] =	ssyncset.done $0x0  }
0x75: {  	[sflag:s31] =	ssyncadd.s32 $0xFFFFC000  }
0x76: {  	[spmem:s3] =	stream.indirect.scatter.add.f32 [tilespmem:s30], [sflag:$0x2], $0x80, s28, s29, $0xb8;
	[tilespmem:$0x1FC40] =	vst v63  }
0x77: {  	s23 =	simm.s32 $0x13940  }
0x78: {  	[tilespmem:s10], [sflag:$0x1] =	stream.indirect.gather [hbm4b:s1+s29], $0x80, s23, s29, $0xb8;
	[tilespmem:$0x1FC40] =	vst v63  }
0x79: {  	v2 =	vld [tilespmem:$0x13CC0];
	_ =	sdelay $0x7  }
0x7a: {  	[tilespmem:v2+s11+$0x0] =	vst.idx.add.f32.msk $0xffff, v1  }
0x7b: {  	v2 =	vld [tilespmem:$0x13CD0];
	_ =	sdelay $0x7  }
0x7c: {  	[tilespmem:v2+s11+$0x0] =	vst.idx.add.f32.msk $0xffff, v1  }
0x7d: {  	v2 =	vld [tilespmem:$0x13CE0];
	_ =	sdelay $0x7  }
0x7e: {  	[tilespmem:v2+s11+$0x0] =	vst.idx.add.f32.msk $0xffff, v1  }
0x7f: {  	v2 =	vld [tilespmem:$0x13CF0];
	_ =	sdelay $0x7  }
0x80: {  	[tilespmem:v2+s11+$0x0] =	vst.idx.add.f32.msk $0xffff, v1  }
0x81: {  	v2 =	vld [tilespmem:$0x13D00];
	_ =	sdelay $0x7  }
0x82: {  	[tilespmem:v2+s11+$0x0] =	vst.idx.add.f32.msk $0xffff, v1  }
0x83: {  	v2 =	vld [tilespmem:$0x13D10];
	_ =	sdelay $0x7  }
0x84: {  	[tilespmem:v2+s11+$0x0] =	vst.idx.add.f32.msk $0xffff, v1  }
0x85: {  	v2 =	vld [tilespmem:$0x13D20];
	_ =	sdelay $0x7  }
0x86: {  	[tilespmem:v2+s11+$0x0] =	vst.idx.add.f32.msk $0xffff, v1  }
0x87: {  	v2 =	vld [tilespmem:$0x13D30];
	_ =	sdelay $0x7  }
0x88: {  	[tilespmem:v2+s11+$0x0] =	vst.idx.add.f32.msk $0xffff, v1  }
0x89: {  	_ =	swait.ge [sflag:s31], $0x4000  }
0x8a: {  	[sflag:s31] =	ssyncset.done $0x0  }
0x8b: {  	s7 =	simm.s32 $0x13D40;
	[sflag:s31] =	ssyncadd.s32 $0xFFFFC000  }
0x8c: {  	[spmem:s3] =	stream.indirect.scatter.add.f32 [tilespmem:s10], [sflag:$0x2], $0x80, s7, s29, $0xb8;
	[tilespmem:$0x1FC40] =	vst v63  }
0x8d: {  	_ =	swait.ge [sflag:s8], $0x4000  }
0x8e: {  	[sflag:s8] =	ssyncset.done $0x0  }
0x8f: {  	s14 =	simm.s32 $0x139C0;
	[sflag:s8] =	ssyncadd.s32 $0xFFFFC000  }
0x90: {  	[tilespmem:s30], [sflag:$0x1] =	stream.indirect.gather [hbm4b:s1+s29], $0x80, s14, s29, $0xb8;
	[tilespmem:$0x1FC40] =	vst v63  }
0x91: {  	v2 =	vld [tilespmem:$0x13D40];
	_ =	sdelay $0x7  }
0x92: {  	[tilespmem:v2+s11+$0x0] =	vst.idx.add.f32.msk $0xffff, v1  }
0x93: {  	v2 =	vld [tilespmem:$0x13D50];
	_ =	sdelay $0x7  }
0x94: {  	[tilespmem:v2+s11+$0x0] =	vst.idx.add.f32.msk $0xffff, v1  }
0x95: {  	v2 =	vld [tilespmem:$0x13D60];
	_ =	sdelay $0x7  }
0x96: {  	[tilespmem:v2+s11+$0x0] =	vst.idx.add.f32.msk $0xffff, v1  }
0x97: {  	v2 =	vld [tilespmem:$0x13D70];
	_ =	sdelay $0x7  }
0x98: {  	[tilespmem:v2+s11+$0x0] =	vst.idx.add.f32.msk $0xffff, v1  }
0x99: {  	v2 =	vld [tilespmem:$0x13D80];
	_ =	sdelay $0x7  }
0x9a: {  	[tilespmem:v2+s11+$0x0] =	vst.idx.add.f32.msk $0xffff, v1  }
0x9b: {  	v2 =	vld [tilespmem:$0x13D90];
	_ =	sdelay $0x7  }
0x9c: {  	[tilespmem:v2+s11+$0x0] =	vst.idx.add.f32.msk $0xffff, v1  }
0x9d: {  	v2 =	vld [tilespmem:$0x13DA0];
	_ =	sdelay $0x7  }
0x9e: {  	[tilespmem:v2+s11+$0x0] =	vst.idx.add.f32.msk $0xffff, v1  }
0x9f: {  	v2 =	vld [tilespmem:$0x13DB0];
	_ =	sdelay $0x7  }
0xa0: {  	[tilespmem:v2+s11+$0x0] =	vst.idx.add.f32.msk $0xffff, v1  }
0xa1: {  	_ =	swait.ge [sflag:s31], $0x4000  }
0xa2: {  	[sflag:s31] =	ssyncset.done $0x0  }
0xa3: {  	s23 =	simm.s32 $0x13DC0;
	[sflag:s31] =	ssyncadd.s32 $0xFFFFC000  }
0xa4: {  	[spmem:s3] =	stream.indirect.scatter.add.f32 [tilespmem:s30], [sflag:$0x2], $0x80, s23, s29, $0xb8;
	[tilespmem:$0x1FC40] =	vst v63  }
0xa5: {  	_ =	swait.ge [sflag:s8], $0x4000  }
0xa6: {  	[sflag:s8] =	ssyncset.done $0x0  }
0xa7: {  	[sflag:s8] =	ssyncadd.s32 $0xFFFFC000  }
0xa8: {  	[tilespmem:s10], [sflag:$0x1] =	stream.indirect.gather [hbm4b:s1+s29], $0x80, s9, s29, $0xb8;
	[tilespmem:$0x1FC40] =	vst v63  }
0xa9: {  	v2 =	vld [tilespmem:$0x13DC0];
	_ =	sdelay $0x7  }
0xaa: {  	[tilespmem:v2+s11+$0x0] =	vst.idx.add.f32.msk $0xffff, v1  }
0xab: {  	v2 =	vld [tilespmem:$0x13DD0];
	_ =	sdelay $0x7  }
0xac: {  	[tilespmem:v2+s11+$0x0] =	vst.idx.add.f32.msk $0xffff, v1  }
0xad: {  	v2 =	vld [tilespmem:$0x13DE0];
	_ =	sdelay $0x7  }
0xae: {  	[tilespmem:v2+s11+$0x0] =	vst.idx.add.f32.msk $0xffff, v1  }
0xaf: {  	v2 =	vld [tilespmem:$0x13DF0];
	_ =	sdelay $0x7  }
0xb0: {  	[tilespmem:v2+s11+$0x0] =	vst.idx.add.f32.msk $0xffff, v1  }
0xb1: {  	v2 =	vld [tilespmem:$0x13E00];
	_ =	sdelay $0x7  }
0xb2: {  	[tilespmem:v2+s11+$0x0] =	vst.idx.add.f32.msk $0xffff, v1  }
0xb3: {  	v2 =	vld [tilespmem:$0x13E10];
	_ =	sdelay $0x7  }
0xb4: {  	[tilespmem:v2+s11+$0x0] =	vst.idx.add.f32.msk $0xffff, v1  }
0xb5: {  	v2 =	vld [tilespmem:$0x13E20];
	_ =	sdelay $0x7  }
0xb6: {  	[tilespmem:v2+s11+$0x0] =	vst.idx.add.f32.msk $0xffff, v1  }
0xb7: {  	v2 =	vld [tilespmem:$0x13E30];
	_ =	sdelay $0x7  }
0xb8: {  	[tilespmem:v2+s11+$0x0] =	vst.idx.add.f32.msk $0xffff, v1  }
0xb9: {  	_ =	swait.ge [sflag:s31], $0x4000  }
0xba: {  	[sflag:s31] =	ssyncset.done $0x0  }
0xbb: {  	[sflag:s31] =	ssyncadd.s32 $0xFFFFC000  }
0xbc: {  	[spmem:s3] =	stream.indirect.scatter.add.f32 [tilespmem:s10], [sflag:$0x2], $0x80, s12, s29, $0xb8;
	[tilespmem:$0x1FC40] =	vst v63  }
0xbd: {  	_ =	swait.ge [sflag:s8], $0x4000  }
0xbe: {  	[sflag:s8] =	ssyncset.done $0x0  }
0xbf: {  	[sflag:s8] =	ssyncadd.s32 $0xFFFFC000  }
0xc0: {  	[tilespmem:s30], [sflag:$0x1] =	stream.indirect.gather [hbm4b:s1+s29], $0x80, s13, s29, $0xb8;
	[tilespmem:$0x1FC40] =	vst v63  }
0xc1: {  	v2 =	vld [tilespmem:$0x13E40];
	_ =	sdelay $0x7  }
0xc2: {  	[tilespmem:v2+s11+$0x0] =	vst.idx.add.f32.msk $0xffff, v1  }
0xc3: {  	v2 =	vld [tilespmem:$0x13E50];
	_ =	sdelay $0x7  }
0xc4: {  	[tilespmem:v2+s11+$0x0] =	vst.idx.add.f32.msk $0xffff, v1  }
0xc5: {  	v2 =	vld [tilespmem:$0x13E60];
	_ =	sdelay $0x7  }
0xc6: {  	[tilespmem:v2+s11+$0x0] =	vst.idx.add.f32.msk $0xffff, v1  }
0xc7: {  	v2 =	vld [tilespmem:$0x13E70];
	_ =	sdelay $0x7  }
0xc8: {  	[tilespmem:v2+s11+$0x0] =	vst.idx.add.f32.msk $0xffff, v1  }
0xc9: {  	v2 =	vld [tilespmem:$0x13E80];
	_ =	sdelay $0x7  }
0xca: {  	[tilespmem:v2+s11+$0x0] =	vst.idx.add.f32.msk $0xffff, v1  }
0xcb: {  	v2 =	vld [tilespmem:$0x13E90];
	_ =	sdelay $0x7  }
0xcc: {  	[tilespmem:v2+s11+$0x0] =	vst.idx.add.f32.msk $0xffff, v1  }
0xcd: {  	v2 =	vld [tilespmem:$0x13EA0];
	_ =	sdelay $0x7  }
0xce: {  	[tilespmem:v2+s11+$0x0] =	vst.idx.add.f32.msk $0xffff, v1  }
0xcf: {  	v2 =	vld [tilespmem:$0x13EB0];
	_ =	sdelay $0x7  }
0xd0: {  	[tilespmem:v2+s11+$0x0] =	vst.idx.add.f32.msk $0xffff, v1  }
0xd1: {  	_ =	swait.ge [sflag:s31], $0x4000  }
0xd2: {  	[sflag:s31] =	ssyncset.done $0x0  }
0xd3: {  	[sflag:s31] =	ssyncadd.s32 $0xFFFFC000  }
0xd4: {  	[spmem:s3] =	stream.indirect.scatter.add.f32 [tilespmem:s30], [sflag:$0x2], $0x80, s16, s29, $0xb8;
	[tilespmem:$0x1FC40] =	vst v63  }
0xd5: {  	_ =	swait.ge [sflag:s8], $0x4000  }
0xd6: {  	[sflag:s8] =	ssyncset.done $0x0  }
0xd7: {  	[sflag:s8] =	ssyncadd.s32 $0xFFFFC000  }
0xd8: {  	[tilespmem:s10], [sflag:$0x1] =	stream.indirect.gather [hbm4b:s1+s29], $0x80, s17, s29, $0xb8;
	[tilespmem:$0x1FC40] =	vst v63  }
0xd9: {  	v2 =	vld [tilespmem:$0x13EC0];
	_ =	sdelay $0x7  }
0xda: {  	[tilespmem:v2+s11+$0x0] =	vst.idx.add.f32.msk $0xffff, v1  }
0xdb: {  	v2 =	vld [tilespmem:$0x13ED0];
	_ =	sdelay $0x7  }
0xdc: {  	[tilespmem:v2+s11+$0x0] =	vst.idx.add.f32.msk $0xffff, v1  }
0xdd: {  	v2 =	vld [tilespmem:$0x13EE0];
	_ =	sdelay $0x7  }
0xde: {  	[tilespmem:v2+s11+$0x0] =	vst.idx.add.f32.msk $0xffff, v1  }
0xdf: {  	v2 =	vld [tilespmem:$0x13EF0];
	_ =	sdelay $0x7  }
0xe0: {  	[tilespmem:v2+s11+$0x0] =	vst.idx.add.f32.msk $0xffff, v1  }
0xe1: {  	v2 =	vld [tilespmem:$0x13F00];
	_ =	sdelay $0x7  }
0xe2: {  	[tilespmem:v2+s11+$0x0] =	vst.idx.add.f32.msk $0xffff, v1  }
0xe3: {  	v2 =	vld [tilespmem:$0x13F10];
	_ =	sdelay $0x7  }
0xe4: {  	[tilespmem:v2+s11+$0x0] =	vst.idx.add.f32.msk $0xffff, v1  }
0xe5: {  	v2 =	vld [tilespmem:$0x13F20];
	_ =	sdelay $0x7  }
0xe6: {  	[tilespmem:v2+s11+$0x0] =	vst.idx.add.f32.msk $0xffff, v1  }
0xe7: {  	v2 =	vld [tilespmem:$0x13F30];
	_ =	sdelay $0x7  }
0xe8: {  	[tilespmem:v2+s11+$0x0] =	vst.idx.add.f32.msk $0xffff, v1  }
0xe9: {  	_ =	swait.ge [sflag:s31], $0x4000  }
0xea: {  	[sflag:s31] =	ssyncset.done $0x0  }
0xeb: {  	[sflag:s31] =	ssyncadd.s32 $0xFFFFC000  }
0xec: {  	[spmem:s3] =	stream.indirect.scatter.add.f32 [tilespmem:s10], [sflag:$0x2], $0x80, s21, s29, $0xb8;
	[tilespmem:$0x1FC40] =	vst v63  }
0xed: {  	_ =	swait.ge [sflag:s8], $0x4000  }
0xee: {  	[sflag:s8] =	ssyncset.done $0x0  }
0xef: {  	[sflag:s8] =	ssyncadd.s32 $0xFFFFC000  }
0xf0: {  	[tilespmem:s30], [sflag:$0x1] =	stream.indirect.gather [hbm4b:s1+s29], $0x80, s24, s29, $0xb8;
	[tilespmem:$0x1FC40] =	vst v63  }
0xf1: {  	v2 =	vld [tilespmem:$0x13F40];
	_ =	sdelay $0x7  }
0xf2: {  	[tilespmem:v2+s11+$0x0] =	vst.idx.add.f32.msk $0xffff, v1  }
0xf3: {  	v2 =	vld [tilespmem:$0x13F50];
	_ =	sdelay $0x7  }
0xf4: {  	[tilespmem:v2+s11+$0x0] =	vst.idx.add.f32.msk $0xffff, v1  }
0xf5: {  	v2 =	vld [tilespmem:$0x13F60];
	_ =	sdelay $0x7  }
0xf6: {  	[tilespmem:v2+s11+$0x0] =	vst.idx.add.f32.msk $0xffff, v1  }
0xf7: {  	v2 =	vld [tilespmem:$0x13F70];
	_ =	sdelay $0x7  }
0xf8: {  	[tilespmem:v2+s11+$0x0] =	vst.idx.add.f32.msk $0xffff, v1  }
0xf9: {  	v2 =	vld [tilespmem:$0x13F80];
	_ =	sdelay $0x7  }
0xfa: {  	[tilespmem:v2+s11+$0x0] =	vst.idx.add.f32.msk $0xffff, v1  }
0xfb: {  	v2 =	vld [tilespmem:$0x13F90];
	_ =	sdelay $0x7  }
0xfc: {  	[tilespmem:v2+s11+$0x0] =	vst.idx.add.f32.msk $0xffff, v1  }
0xfd: {  	v2 =	vld [tilespmem:$0x13FA0];
	_ =	sdelay $0x7  }
0xfe: {  	[tilespmem:v2+s11+$0x0] =	vst.idx.add.f32.msk $0xffff, v1  }
0xff: {  	v2 =	vld [tilespmem:$0x13FB0];
	_ =	sdelay $0x7  }
0x100: {  	[tilespmem:v2+s11+$0x0] =	vst.idx.add.f32.msk $0xffff, v1  }
0x101: {  	_ =	swait.ge [sflag:s31], $0x4000  }
0x102: {  	[sflag:s31] =	ssyncset.done $0x0  }
0x103: {  	[sflag:s31] =	ssyncadd.s32 $0xFFFFC000  }
0x104: {  	[spmem:s3] =	stream.indirect.scatter.add.f32 [tilespmem:s30], [sflag:$0x2], $0x80, s18, s29, $0xb8;
	[tilespmem:$0x1FC40] =	vst v63  }
0x105: {  	_ =	swait.ge [sflag:s8], $0x4000  }
0x106: {  	[sflag:s8] =	ssyncset.done $0x0  }
0x107: {  	[sflag:s8] =	ssyncadd.s32 $0xFFFFC000  }
0x108: {  	[tilespmem:s10], [sflag:$0x1] =	stream.indirect.gather [hbm4b:s1+s29], $0x80, s6, s29, $0xb8;
	[tilespmem:$0x1FC40] =	vst v63  }
0x109: {  	v2 =	vld [tilespmem:$0x13FC0];
	_ =	sdelay $0x7  }
0x10a: {  	[tilespmem:v2+s11+$0x0] =	vst.idx.add.f32.msk $0xffff, v1  }
0x10b: {  	v2 =	vld [tilespmem:$0x13FD0];
	_ =	sdelay $0x7  }
0x10c: {  	[tilespmem:v2+s11+$0x0] =	vst.idx.add.f32.msk $0xffff, v1  }
0x10d: {  	v2 =	vld [tilespmem:$0x13FE0];
	_ =	sdelay $0x7  }
0x10e: {  	[tilespmem:v2+s11+$0x0] =	vst.idx.add.f32.msk $0xffff, v1  }
0x10f: {  	v2 =	vld [tilespmem:$0x13FF0];
	_ =	sdelay $0x7  }
0x110: {  	[tilespmem:v2+s11+$0x0] =	vst.idx.add.f32.msk $0xffff, v1  }
0x111: {  	v2 =	vld [tilespmem:$0x14000];
	_ =	sdelay $0x7  }
0x112: {  	[tilespmem:v2+s11+$0x0] =	vst.idx.add.f32.msk $0xffff, v1  }
0x113: {  	v2 =	vld [tilespmem:$0x14010];
	_ =	sdelay $0x7  }
0x114: {  	[tilespmem:v2+s11+$0x0] =	vst.idx.add.f32.msk $0xffff, v1  }
0x115: {  	v2 =	vld [tilespmem:$0x14020];
	_ =	sdelay $0x7  }
0x116: {  	[tilespmem:v2+s11+$0x0] =	vst.idx.add.f32.msk $0xffff, v1  }
0x117: {  	v2 =	vld [tilespmem:$0x14030];
	_ =	sdelay $0x7  }
0x118: {  	[tilespmem:v2+s11+$0x0] =	vst.idx.add.f32.msk $0xffff, v1  }
0x119: {  	_ =	swait.ge [sflag:s31], $0x4000  }
0x11a: {  	[sflag:s31] =	ssyncset.done $0x0  }
0x11b: {  	[sflag:s31] =	ssyncadd.s32 $0xFFFFC000  }
0x11c: {  	[spmem:s3] =	stream.indirect.scatter.add.f32 [tilespmem:s10], [sflag:$0x2], $0x80, s19, s29, $0xb8;
	[tilespmem:$0x1FC40] =	vst v63  }
0x11d: {  	v2 =	vld [tilespmem:$0x14040];
	_ =	sdelay $0x7  }
0x11e: {  	[tilespmem:v2+s11+$0x0] =	vst.idx.add.f32.msk $0xffff, v1  }
0x11f: {  	v2 =	vld [tilespmem:$0x14050];
	_ =	sdelay $0x7  }
0x120: {  	[tilespmem:v2+s11+$0x0] =	vst.idx.add.f32.msk $0xffff, v1  }
0x121: {  	v2 =	vld [tilespmem:$0x14060];
	_ =	sdelay $0x7  }
0x122: {  	[tilespmem:v2+s11+$0x0] =	vst.idx.add.f32.msk $0xffff, v1  }
0x123: {  	v2 =	vld [tilespmem:$0x14070];
	_ =	sdelay $0x7  }
0x124: {  	[tilespmem:v2+s11+$0x0] =	vst.idx.add.f32.msk $0xffff, v1  }
0x125: {  	v2 =	vld [tilespmem:$0x14080];
	_ =	sdelay $0x7  }
0x126: {  	[tilespmem:v2+s11+$0x0] =	vst.idx.add.f32.msk $0xffff, v1  }
0x127: {  	v2 =	vld [tilespmem:$0x14090];
	_ =	sdelay $0x7  }
0x128: {  	[tilespmem:v2+s11+$0x0] =	vst.idx.add.f32.msk $0xffff, v1  }
0x129: {  	v2 =	vld [tilespmem:$0x140A0];
	_ =	sdelay $0x7  }
0x12a: {  	[tilespmem:v2+s11+$0x0] =	vst.idx.add.f32.msk $0xffff, v1  }
0x12b: {  	v2 =	vld [tilespmem:$0x140B0];
	_ =	sdelay $0x7  }
0x12c: {  	[tilespmem:v2+s11+$0x0] =	vst.idx.add.f32.msk $0xffff, v1  }
0x12d: {  	_ =	swait.ge [sflag:s8], $0x4000  }
.Ltmp9:
0x12e: {  	[sflag:s8] =	ssyncset.done $0x0;
	(pc) =	sbr.rel .LBB2_10-.Ltmp9, $4  }
0x12f: {  	[sflag:s8] =	ssyncadd.s32 $0xFFFFC000  }
0x130: {  	_ =	swait.ge [sflag:s8], $0x4000  }
0x131: {  	[sflag:s8] =	ssyncset.done $0x0  }
0x132: {  	[sflag:s8] =	ssyncadd.s32 $0xFFFFC000  }
.LBB2_16:
0x133: {  	s20 =	sadd.s32 $0x800, s20  }
0x134: {  	p3 =	sne.s32 s20, $0xA000  }
.Ltmp10:
0x135: {  	_ = 	snop;
	(pc) =	sbr.rel @!p3 .LBB2_17-.Ltmp10, $2  }
0x136: {  	_ =	sdelay $0x2  }
0x137: {  	s23 =	sadd.s32 $0x10, s23  }
.LBB2_14:
0x138: {  	p3 =	sgt.u32 s23, $0x137  }
.Ltmp11:
0x139: {  	_ = 	snop;
	(pc) =	sbr.rel @p3 .LBB2_16-.Ltmp11, $1  }
0x13a: {  	_ =	sdelay $0x3  }
0x13b: {  	s0 =	sadd.s32 s20, s7  }
0x13c: {  	[tilespmem:s25], [sflag:$0x3] =	stream.linear.gather [hbm4b:s0+s4], $0x400, $0x38;
	[tilespmem:$0x1FC40] =	vst v63  }
0x13d: {  	_ =	swait.ge [sflag:s26], $0x400  }
0x13e: {  	[sflag:s26] =	ssyncset.done $0x0  }
0x13f: {  	s22 =	sadd.s32 s20, s14;
	[sflag:s26] =	ssyncadd.s32 $0xFFFFFC00  }
0x140: {  	[tilespmem:s28], [sflag:$0x3] =	stream.linear.gather [hbm4b:s22+s4], $0x400, $0x38;
	[tilespmem:$0x1FC40] =	vst v63  }
0x141: {  	_ =	swait.ge [sflag:s26], $0x400  }
0x142: {  	[sflag:s26] =	ssyncset.done $0x0  }
0x143: {  	[sflag:s26] =	ssyncadd.s32 $0xFFFFFC00  }
0x144: {  	[tilespmem:s30], [sflag:$0x1] =	stream.indirect.gather [hbm4b:s2+s29], $0x80, s25, s29, $0xb8;
	[tilespmem:$0x1FC40] =	vst v63  }
0x145: {  	_ =	swait.ge [sflag:s31], $0x4000  }
0x146: {  	[sflag:s31] =	ssyncset.done $0x0  }
0x147: {  	[sflag:s31] =	ssyncadd.s32 $0xFFFFC000  }
0x148: {  	[spmem:s3] =	stream.indirect.scatter.add.f32 [tilespmem:s30], [sflag:$0x2], $0x80, s28, s29, $0xb8;
	[tilespmem:$0x1FC40] =	vst v63  }
0x149: {  	s22 =	simm.s32 $0x13940  }
0x14a: {  	[tilespmem:s10], [sflag:$0x1] =	stream.indirect.gather [hbm4b:s2+s29], $0x80, s22, s29, $0xb8;
	[tilespmem:$0x1FC40] =	vst v63  }
0x14b: {  	v2 =	vld [tilespmem:$0x13CC0];
	_ =	sdelay $0x7  }
0x14c: {  	[tilespmem:v2+s11+$0x0] =	vst.idx.add.f32.msk $0xffff, v1  }
0x14d: {  	v2 =	vld [tilespmem:$0x13CD0];
	_ =	sdelay $0x7  }
0x14e: {  	[tilespmem:v2+s11+$0x0] =	vst.idx.add.f32.msk $0xffff, v1  }
0x14f: {  	v2 =	vld [tilespmem:$0x13CE0];
	_ =	sdelay $0x7  }
0x150: {  	[tilespmem:v2+s11+$0x0] =	vst.idx.add.f32.msk $0xffff, v1  }
0x151: {  	v2 =	vld [tilespmem:$0x13CF0];
	_ =	sdelay $0x7  }
0x152: {  	[tilespmem:v2+s11+$0x0] =	vst.idx.add.f32.msk $0xffff, v1  }
0x153: {  	v2 =	vld [tilespmem:$0x13D00];
	_ =	sdelay $0x7  }
0x154: {  	[tilespmem:v2+s11+$0x0] =	vst.idx.add.f32.msk $0xffff, v1  }
0x155: {  	v2 =	vld [tilespmem:$0x13D10];
	_ =	sdelay $0x7  }
0x156: {  	[tilespmem:v2+s11+$0x0] =	vst.idx.add.f32.msk $0xffff, v1  }
0x157: {  	v2 =	vld [tilespmem:$0x13D20];
	_ =	sdelay $0x7  }
0x158: {  	[tilespmem:v2+s11+$0x0] =	vst.idx.add.f32.msk $0xffff, v1  }
0x159: {  	v2 =	vld [tilespmem:$0x13D30];
	_ =	sdelay $0x7  }
0x15a: {  	[tilespmem:v2+s11+$0x0] =	vst.idx.add.f32.msk $0xffff, v1  }
0x15b: {  	_ =	swait.ge [sflag:s31], $0x4000  }
0x15c: {  	[sflag:s31] =	ssyncset.done $0x0  }
0x15d: {  	s22 =	simm.s32 $0x13D40;
	[sflag:s31] =	ssyncadd.s32 $0xFFFFC000  }
0x15e: {  	[spmem:s3] =	stream.indirect.scatter.add.f32 [tilespmem:s10], [sflag:$0x2], $0x80, s22, s29, $0xb8;
	[tilespmem:$0x1FC40] =	vst v63  }
0x15f: {  	_ =	swait.ge [sflag:s8], $0x4000  }
0x160: {  	[sflag:s8] =	ssyncset.done $0x0  }
0x161: {  	s22 =	simm.s32 $0x139C0;
	[sflag:s8] =	ssyncadd.s32 $0xFFFFC000  }
0x162: {  	[tilespmem:s30], [sflag:$0x1] =	stream.indirect.gather [hbm4b:s2+s29], $0x80, s22, s29, $0xb8;
	[tilespmem:$0x1FC40] =	vst v63  }
0x163: {  	v2 =	vld [tilespmem:$0x13D40];
	_ =	sdelay $0x7  }
0x164: {  	[tilespmem:v2+s11+$0x0] =	vst.idx.add.f32.msk $0xffff, v1  }
0x165: {  	v2 =	vld [tilespmem:$0x13D50];
	_ =	sdelay $0x7  }
0x166: {  	[tilespmem:v2+s11+$0x0] =	vst.idx.add.f32.msk $0xffff, v1  }
0x167: {  	v2 =	vld [tilespmem:$0x13D60];
	_ =	sdelay $0x7  }
0x168: {  	[tilespmem:v2+s11+$0x0] =	vst.idx.add.f32.msk $0xffff, v1  }
0x169: {  	v2 =	vld [tilespmem:$0x13D70];
	_ =	sdelay $0x7  }
0x16a: {  	[tilespmem:v2+s11+$0x0] =	vst.idx.add.f32.msk $0xffff, v1  }
0x16b: {  	v2 =	vld [tilespmem:$0x13D80];
	_ =	sdelay $0x7  }
0x16c: {  	[tilespmem:v2+s11+$0x0] =	vst.idx.add.f32.msk $0xffff, v1  }
0x16d: {  	v2 =	vld [tilespmem:$0x13D90];
	_ =	sdelay $0x7  }
0x16e: {  	[tilespmem:v2+s11+$0x0] =	vst.idx.add.f32.msk $0xffff, v1  }
0x16f: {  	v2 =	vld [tilespmem:$0x13DA0];
	_ =	sdelay $0x7  }
0x170: {  	[tilespmem:v2+s11+$0x0] =	vst.idx.add.f32.msk $0xffff, v1  }
0x171: {  	v2 =	vld [tilespmem:$0x13DB0];
	_ =	sdelay $0x7  }
0x172: {  	[tilespmem:v2+s11+$0x0] =	vst.idx.add.f32.msk $0xffff, v1  }
0x173: {  	_ =	swait.ge [sflag:s31], $0x4000  }
0x174: {  	[sflag:s31] =	ssyncset.done $0x0  }
0x175: {  	s22 =	simm.s32 $0x13DC0;
	[sflag:s31] =	ssyncadd.s32 $0xFFFFC000  }
0x176: {  	[spmem:s3] =	stream.indirect.scatter.add.f32 [tilespmem:s30], [sflag:$0x2], $0x80, s22, s29, $0xb8;
	[tilespmem:$0x1FC40] =	vst v63  }
0x177: {  	_ =	swait.ge [sflag:s8], $0x4000  }
0x178: {  	[sflag:s8] =	ssyncset.done $0x0  }
0x179: {  	[sflag:s8] =	ssyncadd.s32 $0xFFFFC000  }
0x17a: {  	[tilespmem:s10], [sflag:$0x1] =	stream.indirect.gather [hbm4b:s2+s29], $0x80, s9, s29, $0xb8;
	[tilespmem:$0x1FC40] =	vst v63  }
0x17b: {  	v2 =	vld [tilespmem:$0x13DC0];
	_ =	sdelay $0x7  }
0x17c: {  	[tilespmem:v2+s11+$0x0] =	vst.idx.add.f32.msk $0xffff, v1  }
0x17d: {  	v2 =	vld [tilespmem:$0x13DD0];
	_ =	sdelay $0x7  }
0x17e: {  	[tilespmem:v2+s11+$0x0] =	vst.idx.add.f32.msk $0xffff, v1  }
0x17f: {  	v2 =	vld [tilespmem:$0x13DE0];
	_ =	sdelay $0x7  }
0x180: {  	[tilespmem:v2+s11+$0x0] =	vst.idx.add.f32.msk $0xffff, v1  }
0x181: {  	v2 =	vld [tilespmem:$0x13DF0];
	_ =	sdelay $0x7  }
0x182: {  	[tilespmem:v2+s11+$0x0] =	vst.idx.add.f32.msk $0xffff, v1  }
0x183: {  	v2 =	vld [tilespmem:$0x13E00];
	_ =	sdelay $0x7  }
0x184: {  	[tilespmem:v2+s11+$0x0] =	vst.idx.add.f32.msk $0xffff, v1  }
0x185: {  	v2 =	vld [tilespmem:$0x13E10];
	_ =	sdelay $0x7  }
0x186: {  	[tilespmem:v2+s11+$0x0] =	vst.idx.add.f32.msk $0xffff, v1  }
0x187: {  	v2 =	vld [tilespmem:$0x13E20];
	_ =	sdelay $0x7  }
0x188: {  	[tilespmem:v2+s11+$0x0] =	vst.idx.add.f32.msk $0xffff, v1  }
0x189: {  	v2 =	vld [tilespmem:$0x13E30];
	_ =	sdelay $0x7  }
0x18a: {  	[tilespmem:v2+s11+$0x0] =	vst.idx.add.f32.msk $0xffff, v1  }
0x18b: {  	_ =	swait.ge [sflag:s31], $0x4000  }
0x18c: {  	[sflag:s31] =	ssyncset.done $0x0  }
0x18d: {  	[sflag:s31] =	ssyncadd.s32 $0xFFFFC000  }
0x18e: {  	[spmem:s3] =	stream.indirect.scatter.add.f32 [tilespmem:s10], [sflag:$0x2], $0x80, s12, s29, $0xb8;
	[tilespmem:$0x1FC40] =	vst v63  }
0x18f: {  	_ =	swait.ge [sflag:s8], $0x4000  }
0x190: {  	[sflag:s8] =	ssyncset.done $0x0  }
0x191: {  	[sflag:s8] =	ssyncadd.s32 $0xFFFFC000  }
0x192: {  	[tilespmem:s30], [sflag:$0x1] =	stream.indirect.gather [hbm4b:s2+s29], $0x80, s13, s29, $0xb8;
	[tilespmem:$0x1FC40] =	vst v63  }
0x193: {  	v2 =	vld [tilespmem:$0x13E40];
	_ =	sdelay $0x7  }
0x194: {  	[tilespmem:v2+s11+$0x0] =	vst.idx.add.f32.msk $0xffff, v1  }
0x195: {  	v2 =	vld [tilespmem:$0x13E50];
	_ =	sdelay $0x7  }
0x196: {  	[tilespmem:v2+s11+$0x0] =	vst.idx.add.f32.msk $0xffff, v1  }
0x197: {  	v2 =	vld [tilespmem:$0x13E60];
	_ =	sdelay $0x7  }
0x198: {  	[tilespmem:v2+s11+$0x0] =	vst.idx.add.f32.msk $0xffff, v1  }
0x199: {  	v2 =	vld [tilespmem:$0x13E70];
	_ =	sdelay $0x7  }
0x19a: {  	[tilespmem:v2+s11+$0x0] =	vst.idx.add.f32.msk $0xffff, v1  }
0x19b: {  	v2 =	vld [tilespmem:$0x13E80];
	_ =	sdelay $0x7  }
0x19c: {  	[tilespmem:v2+s11+$0x0] =	vst.idx.add.f32.msk $0xffff, v1  }
0x19d: {  	v2 =	vld [tilespmem:$0x13E90];
	_ =	sdelay $0x7  }
0x19e: {  	[tilespmem:v2+s11+$0x0] =	vst.idx.add.f32.msk $0xffff, v1  }
0x19f: {  	v2 =	vld [tilespmem:$0x13EA0];
	_ =	sdelay $0x7  }
0x1a0: {  	[tilespmem:v2+s11+$0x0] =	vst.idx.add.f32.msk $0xffff, v1  }
0x1a1: {  	v2 =	vld [tilespmem:$0x13EB0];
	_ =	sdelay $0x7  }
0x1a2: {  	[tilespmem:v2+s11+$0x0] =	vst.idx.add.f32.msk $0xffff, v1  }
0x1a3: {  	_ =	swait.ge [sflag:s31], $0x4000  }
0x1a4: {  	[sflag:s31] =	ssyncset.done $0x0  }
0x1a5: {  	[sflag:s31] =	ssyncadd.s32 $0xFFFFC000  }
0x1a6: {  	[spmem:s3] =	stream.indirect.scatter.add.f32 [tilespmem:s30], [sflag:$0x2], $0x80, s16, s29, $0xb8;
	[tilespmem:$0x1FC40] =	vst v63  }
0x1a7: {  	_ =	swait.ge [sflag:s8], $0x4000  }
0x1a8: {  	[sflag:s8] =	ssyncset.done $0x0  }
0x1a9: {  	[sflag:s8] =	ssyncadd.s32 $0xFFFFC000  }
0x1aa: {  	[tilespmem:s10], [sflag:$0x1] =	stream.indirect.gather [hbm4b:s2+s29], $0x80, s17, s29, $0xb8;
	[tilespmem:$0x1FC40] =	vst v63  }
0x1ab: {  	v2 =	vld [tilespmem:$0x13EC0];
	_ =	sdelay $0x7  }
0x1ac: {  	[tilespmem:v2+s11+$0x0] =	vst.idx.add.f32.msk $0xffff, v1  }
0x1ad: {  	v2 =	vld [tilespmem:$0x13ED0];
	_ =	sdelay $0x7  }
0x1ae: {  	[tilespmem:v2+s11+$0x0] =	vst.idx.add.f32.msk $0xffff, v1  }
0x1af: {  	v2 =	vld [tilespmem:$0x13EE0];
	_ =	sdelay $0x7  }
0x1b0: {  	[tilespmem:v2+s11+$0x0] =	vst.idx.add.f32.msk $0xffff, v1  }
0x1b1: {  	v2 =	vld [tilespmem:$0x13EF0];
	_ =	sdelay $0x7  }
0x1b2: {  	[tilespmem:v2+s11+$0x0] =	vst.idx.add.f32.msk $0xffff, v1  }
0x1b3: {  	v2 =	vld [tilespmem:$0x13F00];
	_ =	sdelay $0x7  }
0x1b4: {  	[tilespmem:v2+s11+$0x0] =	vst.idx.add.f32.msk $0xffff, v1  }
0x1b5: {  	v2 =	vld [tilespmem:$0x13F10];
	_ =	sdelay $0x7  }
0x1b6: {  	[tilespmem:v2+s11+$0x0] =	vst.idx.add.f32.msk $0xffff, v1  }
0x1b7: {  	v2 =	vld [tilespmem:$0x13F20];
	_ =	sdelay $0x7  }
0x1b8: {  	[tilespmem:v2+s11+$0x0] =	vst.idx.add.f32.msk $0xffff, v1  }
0x1b9: {  	v2 =	vld [tilespmem:$0x13F30];
	_ =	sdelay $0x7  }
0x1ba: {  	[tilespmem:v2+s11+$0x0] =	vst.idx.add.f32.msk $0xffff, v1  }
0x1bb: {  	_ =	swait.ge [sflag:s31], $0x4000  }
0x1bc: {  	[sflag:s31] =	ssyncset.done $0x0  }
0x1bd: {  	[sflag:s31] =	ssyncadd.s32 $0xFFFFC000  }
0x1be: {  	[spmem:s3] =	stream.indirect.scatter.add.f32 [tilespmem:s10], [sflag:$0x2], $0x80, s21, s29, $0xb8;
	[tilespmem:$0x1FC40] =	vst v63  }
0x1bf: {  	_ =	swait.ge [sflag:s8], $0x4000  }
0x1c0: {  	[sflag:s8] =	ssyncset.done $0x0  }
0x1c1: {  	[sflag:s8] =	ssyncadd.s32 $0xFFFFC000  }
0x1c2: {  	[tilespmem:s30], [sflag:$0x1] =	stream.indirect.gather [hbm4b:s2+s29], $0x80, s24, s29, $0xb8;
	[tilespmem:$0x1FC40] =	vst v63  }
0x1c3: {  	v2 =	vld [tilespmem:$0x13F40];
	_ =	sdelay $0x7  }
0x1c4: {  	[tilespmem:v2+s11+$0x0] =	vst.idx.add.f32.msk $0xffff, v1  }
0x1c5: {  	v2 =	vld [tilespmem:$0x13F50];
	_ =	sdelay $0x7  }
0x1c6: {  	[tilespmem:v2+s11+$0x0] =	vst.idx.add.f32.msk $0xffff, v1  }
0x1c7: {  	v2 =	vld [tilespmem:$0x13F60];
	_ =	sdelay $0x7  }
0x1c8: {  	[tilespmem:v2+s11+$0x0] =	vst.idx.add.f32.msk $0xffff, v1  }
0x1c9: {  	v2 =	vld [tilespmem:$0x13F70];
	_ =	sdelay $0x7  }
0x1ca: {  	[tilespmem:v2+s11+$0x0] =	vst.idx.add.f32.msk $0xffff, v1  }
0x1cb: {  	v2 =	vld [tilespmem:$0x13F80];
	_ =	sdelay $0x7  }
0x1cc: {  	[tilespmem:v2+s11+$0x0] =	vst.idx.add.f32.msk $0xffff, v1  }
0x1cd: {  	v2 =	vld [tilespmem:$0x13F90];
	_ =	sdelay $0x7  }
0x1ce: {  	[tilespmem:v2+s11+$0x0] =	vst.idx.add.f32.msk $0xffff, v1  }
0x1cf: {  	v2 =	vld [tilespmem:$0x13FA0];
	_ =	sdelay $0x7  }
0x1d0: {  	[tilespmem:v2+s11+$0x0] =	vst.idx.add.f32.msk $0xffff, v1  }
0x1d1: {  	v2 =	vld [tilespmem:$0x13FB0];
	_ =	sdelay $0x7  }
0x1d2: {  	[tilespmem:v2+s11+$0x0] =	vst.idx.add.f32.msk $0xffff, v1  }
0x1d3: {  	_ =	swait.ge [sflag:s31], $0x4000  }
0x1d4: {  	[sflag:s31] =	ssyncset.done $0x0  }
0x1d5: {  	[sflag:s31] =	ssyncadd.s32 $0xFFFFC000  }
0x1d6: {  	[spmem:s3] =	stream.indirect.scatter.add.f32 [tilespmem:s30], [sflag:$0x2], $0x80, s18, s29, $0xb8;
	[tilespmem:$0x1FC40] =	vst v63  }
0x1d7: {  	_ =	swait.ge [sflag:s8], $0x4000  }
0x1d8: {  	[sflag:s8] =	ssyncset.done $0x0  }
0x1d9: {  	[sflag:s8] =	ssyncadd.s32 $0xFFFFC000  }
0x1da: {  	[tilespmem:s10], [sflag:$0x1] =	stream.indirect.gather [hbm4b:s2+s29], $0x80, s6, s29, $0xb8;
	[tilespmem:$0x1FC40] =	vst v63  }
0x1db: {  	v2 =	vld [tilespmem:$0x13FC0];
	_ =	sdelay $0x7  }
0x1dc: {  	[tilespmem:v2+s11+$0x0] =	vst.idx.add.f32.msk $0xffff, v1  }
0x1dd: {  	v2 =	vld [tilespmem:$0x13FD0];
	_ =	sdelay $0x7  }
0x1de: {  	[tilespmem:v2+s11+$0x0] =	vst.idx.add.f32.msk $0xffff, v1  }
0x1df: {  	v2 =	vld [tilespmem:$0x13FE0];
	_ =	sdelay $0x7  }
0x1e0: {  	[tilespmem:v2+s11+$0x0] =	vst.idx.add.f32.msk $0xffff, v1  }
0x1e1: {  	v2 =	vld [tilespmem:$0x13FF0];
	_ =	sdelay $0x7  }
0x1e2: {  	[tilespmem:v2+s11+$0x0] =	vst.idx.add.f32.msk $0xffff, v1  }
0x1e3: {  	v2 =	vld [tilespmem:$0x14000];
	_ =	sdelay $0x7  }
0x1e4: {  	[tilespmem:v2+s11+$0x0] =	vst.idx.add.f32.msk $0xffff, v1  }
0x1e5: {  	v2 =	vld [tilespmem:$0x14010];
	_ =	sdelay $0x7  }
0x1e6: {  	[tilespmem:v2+s11+$0x0] =	vst.idx.add.f32.msk $0xffff, v1  }
0x1e7: {  	v2 =	vld [tilespmem:$0x14020];
	_ =	sdelay $0x7  }
0x1e8: {  	[tilespmem:v2+s11+$0x0] =	vst.idx.add.f32.msk $0xffff, v1  }
0x1e9: {  	v2 =	vld [tilespmem:$0x14030];
	_ =	sdelay $0x7  }
0x1ea: {  	[tilespmem:v2+s11+$0x0] =	vst.idx.add.f32.msk $0xffff, v1  }
0x1eb: {  	_ =	swait.ge [sflag:s31], $0x4000  }
0x1ec: {  	[sflag:s31] =	ssyncset.done $0x0  }
0x1ed: {  	[sflag:s31] =	ssyncadd.s32 $0xFFFFC000  }
0x1ee: {  	[spmem:s3] =	stream.indirect.scatter.add.f32 [tilespmem:s10], [sflag:$0x2], $0x80, s19, s29, $0xb8;
	[tilespmem:$0x1FC40] =	vst v63  }
0x1ef: {  	v2 =	vld [tilespmem:$0x14040];
	_ =	sdelay $0x7  }
0x1f0: {  	[tilespmem:v2+s11+$0x0] =	vst.idx.add.f32.msk $0xffff, v1  }
0x1f1: {  	v2 =	vld [tilespmem:$0x14050];
	_ =	sdelay $0x7  }
0x1f2: {  	[tilespmem:v2+s11+$0x0] =	vst.idx.add.f32.msk $0xffff, v1  }
0x1f3: {  	v2 =	vld [tilespmem:$0x14060];
	_ =	sdelay $0x7  }
0x1f4: {  	[tilespmem:v2+s11+$0x0] =	vst.idx.add.f32.msk $0xffff, v1  }
0x1f5: {  	v2 =	vld [tilespmem:$0x14070];
	_ =	sdelay $0x7  }
0x1f6: {  	[tilespmem:v2+s11+$0x0] =	vst.idx.add.f32.msk $0xffff, v1  }
0x1f7: {  	v2 =	vld [tilespmem:$0x14080];
	_ =	sdelay $0x7  }
0x1f8: {  	[tilespmem:v2+s11+$0x0] =	vst.idx.add.f32.msk $0xffff, v1  }
0x1f9: {  	v2 =	vld [tilespmem:$0x14090];
	_ =	sdelay $0x7  }
0x1fa: {  	[tilespmem:v2+s11+$0x0] =	vst.idx.add.f32.msk $0xffff, v1  }
0x1fb: {  	v2 =	vld [tilespmem:$0x140A0];
	_ =	sdelay $0x7  }
0x1fc: {  	[tilespmem:v2+s11+$0x0] =	vst.idx.add.f32.msk $0xffff, v1  }
0x1fd: {  	v2 =	vld [tilespmem:$0x140B0];
	_ =	sdelay $0x7  }
0x1fe: {  	[tilespmem:v2+s11+$0x0] =	vst.idx.add.f32.msk $0xffff, v1  }
0x1ff: {  	_ =	swait.ge [sflag:s8], $0x4000  }
.Ltmp12:
0x200: {  	[sflag:s8] =	ssyncset.done $0x0;
	(pc) =	sbr.rel .LBB2_16-.Ltmp12, $4  }
0x201: {  	[sflag:s8] =	ssyncadd.s32 $0xFFFFC000  }
0x202: {  	_ =	swait.ge [sflag:s8], $0x4000  }
0x203: {  	[sflag:s8] =	ssyncset.done $0x0  }
0x204: {  	[sflag:s8] =	ssyncadd.s32 $0xFFFFC000  }
.LBB2_11:
0x205: {  	s0 =	simm.s32 @!p2 $0x0;
	s7 =	simm.s32 @!p2 $0x138C0;
	s14 =	rddreg [dreg:$0xd]  }
0x206: {  	[tilespmem:s7], [sflag:$0x3] =	stream.linear.gather @!p2 [hbm4b:s14+s0], $0x200, $0x38;
	[tilespmem:$0x1FC40] =	vst v63  }
0x207: {  	s7 =	simm.s32 @!p2 $0x3  }
0x208: {  	_ =	swait.ge @!p2 [sflag:s7], $0x200  }
0x209: {  	[sflag:s7] =	ssyncset.done @!p2 $0x0  }
0x20a: {  	s20 =	simm.s32 @!p2 $0x13CC0;
	s14 =	rddreg [dreg:$0xe];
	[sflag:s7] =	ssyncadd.s32 @!p2 $0xFFFFFE00  }
0x20b: {  	[tilespmem:s20], [sflag:$0x3] =	stream.linear.gather @!p2 [hbm4b:s14+s0], $0x200, $0x38;
	[tilespmem:$0x1FC40] =	vst v63  }
0x20c: {  	_ =	swait.ge @!p2 [sflag:s7], $0x200  }
0x20d: {  	s22 =	simm.s32 @!p2 $0x1;
	s0 =	simm.s32 @!p2 $0x80;
	[sflag:s7] =	ssyncset.done @!p2 $0x0  }
0x20e: {  	s20 =	simm.s32 @!p2 $0x140C0;
	s14 =	rddreg [dreg:$0xb];
	[sflag:s7] =	ssyncadd.s32 @!p2 $0xFFFFFE00  }
0x20f: {  	[tilespmem:s20], [sflag:$0x1] =	stream.indirect.gather @!p2 [hbm4b:s1+s0], $0x80, s14, s0, $0xb8;
	[tilespmem:$0x1FC40] =	vst v63  }
0x210: {  	_ =	swait.ge @!p2 [sflag:s22], $0x4000  }
0x211: {  	[sflag:s22] =	ssyncset.done @!p2 $0x0  }
0x212: {  	s14 =	rddreg [dreg:$0xc];
	[sflag:s22] =	ssyncadd.s32 @!p2 $0xFFFFC000  }
0x213: {  	[spmem:s3] =	stream.indirect.scatter.add.f32 @!p2 [tilespmem:s20], [sflag:$0x3], $0x80, s14, s0, $0xb8;
	[tilespmem:$0x1FC40] =	vst v63  }
0x214: {  	_ =	swait.ge @!p2 [sflag:s7], $0x4000  }
0x215: {  	[sflag:s7] =	ssyncset.done @!p2 $0x0  }
0x216: {  	[sflag:s7] =	ssyncadd.s32 @!p2 $0xFFFFC000;
	s7 =	rddreg [dreg:$0x5]  }
0x217: {  	v2 =	vld @!p2 [tilespmem:s7+$0x13CC0];
	_ =	sdelay $0x6  }
0x218: {  	v3 =	vimm.f32 @!p2 $1.000000000e+00;
	s0 =	simm.s32 @!p2 $0x1C0C0  }
0x219: {  	[tilespmem:v2+s0+$0x0] =	vst.idx.add.f32.msk @!p2 $0xffff, v3  }
0x21a: {  	v2 =	vld @!p2 [tilespmem:s7+$0x13CD0];
	_ =	sdelay $0x7  }
0x21b: {  	[tilespmem:v2+s0+$0x0] =	vst.idx.add.f32.msk @!p2 $0xffff, v3  }
0x21c: {  	v2 =	vld @!p2 [tilespmem:s7+$0x13CE0];
	_ =	sdelay $0x7  }
0x21d: {  	[tilespmem:v2+s0+$0x0] =	vst.idx.add.f32.msk @!p2 $0xffff, v3  }
0x21e: {  	v2 =	vld @!p2 [tilespmem:s7+$0x13CF0];
	_ =	sdelay $0x7  }
0x21f: {  	[tilespmem:v2+s0+$0x0] =	vst.idx.add.f32.msk @!p2 $0xffff, v3  }
0x220: {  	v2 =	vld @!p2 [tilespmem:s7+$0x13D00];
	_ =	sdelay $0x7  }
0x221: {  	[tilespmem:v2+s0+$0x0] =	vst.idx.add.f32.msk @!p2 $0xffff, v3  }
0x222: {  	v2 =	vld @!p2 [tilespmem:s7+$0x13D10];
	_ =	sdelay $0x7  }
0x223: {  	[tilespmem:v2+s0+$0x0] =	vst.idx.add.f32.msk @!p2 $0xffff, v3  }
0x224: {  	v2 =	vld @!p2 [tilespmem:s7+$0x13D20];
	_ =	sdelay $0x7  }
0x225: {  	[tilespmem:v2+s0+$0x0] =	vst.idx.add.f32.msk @!p2 $0xffff, v3  }
0x226: {  	v2 =	vld @!p2 [tilespmem:s7+$0x13D30];
	_ =	sdelay $0x6  }
0x227: {  	s23 =	sadd.s32 $0x0, s5  }
0x228: {  	p3 =	sgt.u32 s23, $0xF9;
	[tilespmem:v2+s0+$0x0] =	vst.idx.add.f32.msk @!p2 $0xffff, v3  }
0x229: {  	s7 =	sshrl.u32 @!p3 s15, $0x3;
	s0 =	sshll.u32 @!p3 s5, $0x6;
	[bflag:$0x0] =	sbarrier.arrive $0xFFFF  }
0x22a: {  	s20 =	sor.u32 @!p3 $0x1C03, s0;
	s0 =	simm.s32 @!p3 $0x3;
	s14 =	rddreg [dreg:$0x17]  }
0x22b: {  	[hbm:s14], [sflag:s20] =	dma.local @!p3 [spmem:s7], $0x280  }
0x22c: {  	s23 =	sadd.s32 $0x14000, s15;
	s22 =	simm.s32 $0x20;
	_ =	swait.ge @!p3 [sflag:s0], $0x280  }
0x22d: {  	s20 =	sadd.s32 $0x2800, s14;
	s7 =	sadd.s32 $0x10, s5;
	[sflag:s0] =	ssyncset.done @!p3 $0x0  }
.LBB2_12:
0x22e: {  	[sflag:s0] =	ssyncadd.s32 @!p3 $0xFFFFFD80  }
0x22f: {  	p3 =	sgt.u32 s7, $0xF9;
	s7 =	smov.u32 s22;
	s22 =	sadd.s32 $0x10, s22  }
0x230: {  	p4 =	seq.s32 s22, $0x100  }
.Ltmp13:
0x231: {  	s0 =	sshll.u32 @!p3 s5, $0x6;
	s14 =	sshrl.u32 @!p3 s23, $0x3;
	(pc) =	sbr.rel @!p4 .LBB2_12-.Ltmp13, $4  }
0x232: {  	s15 =	sor.u32 @!p3 $0x1C03, s0;
	s0 =	simm.s32 @!p3 $0x3  }
0x233: {  	[hbm:s20], [sflag:s15] =	dma.local @!p3 [spmem:s14], $0x280  }
0x234: {  	s20 =	sadd.s32 $0x2800, s20;
	_ =	swait.ge @!p3 [sflag:s0], $0x280  }
0x235: {  	s7 =	sadd.s32 s7, s5;
	s23 =	sadd.s32 $0x14000, s23;
	[sflag:s0] =	ssyncset.done @!p3 $0x0  }
0x236: {  	p4 =	sgt.u32 s7, $0xF9  }
0x237: {  	[sflag:s0] =	ssyncadd.s32 @!p3 $0xFFFFFD80;
	s0 =	sshll.u32 @!p4 s5, $0x6;
	s7 =	sshrl.u32 @!p4 s23, $0x3  }
.Ltmp14:
0x238: {  	s14 =	simm.s32 @!p4 $0x3;
	s0 =	sor.u32 @!p4 $0x1C03, s0;
	(pc) =	sbr.rel .LBB2_20-.Ltmp14, $4  }
0x239: {  	[hbm:s20], [sflag:s0] =	dma.local @!p4 [spmem:s7], $0x280  }
0x23a: {  	_ =	swait.ge @!p4 [sflag:s14], $0x280  }
0x23b: {  	[sflag:s14] =	ssyncset.done @!p4 $0x0;
	s0 =	rddreg [dreg:$0x7]  }
0x23c: {  	s20 =	rddreg [dreg:$0x18];
	[sflag:s14] =	ssyncadd.s32 @!p4 $0xFFFFFD80  }
.LBB2_17:
0x23d: {  	s0 =	simm.s32 @!p2 $0x0;
	s7 =	simm.s32 @!p2 $0x138C0;
	s14 =	rddreg [dreg:$0x9]  }
0x23e: {  	[tilespmem:s7], [sflag:$0x3] =	stream.linear.gather @!p2 [hbm4b:s14+s0], $0x200, $0x38;
	[tilespmem:$0x1FC40] =	vst v63  }
0x23f: {  	s7 =	simm.s32 @!p2 $0x3  }
0x240: {  	_ =	swait.ge @!p2 [sflag:s7], $0x200  }
0x241: {  	[sflag:s7] =	ssyncset.done @!p2 $0x0  }
0x242: {  	s20 =	simm.s32 @!p2 $0x13CC0;
	s14 =	rddreg [dreg:$0xa];
	[sflag:s7] =	ssyncadd.s32 @!p2 $0xFFFFFE00  }
0x243: {  	[tilespmem:s20], [sflag:$0x3] =	stream.linear.gather @!p2 [hbm4b:s14+s0], $0x200, $0x38;
	[tilespmem:$0x1FC40] =	vst v63  }
0x244: {  	_ =	swait.ge @!p2 [sflag:s7], $0x200  }
0x245: {  	s22 =	simm.s32 @!p2 $0x1;
	s0 =	simm.s32 @!p2 $0x80;
	[sflag:s7] =	ssyncset.done @!p2 $0x0  }
0x246: {  	s20 =	simm.s32 @!p2 $0x140C0;
	s14 =	rddreg [dreg:$0xb];
	[sflag:s7] =	ssyncadd.s32 @!p2 $0xFFFFFE00  }
0x247: {  	[tilespmem:s20], [sflag:$0x1] =	stream.indirect.gather @!p2 [hbm4b:s2+s0], $0x80, s14, s0, $0xb8;
	[tilespmem:$0x1FC40] =	vst v63  }
0x248: {  	_ =	swait.ge @!p2 [sflag:s22], $0x4000  }
0x249: {  	[sflag:s22] =	ssyncset.done @!p2 $0x0  }
0x24a: {  	s14 =	rddreg [dreg:$0xc];
	[sflag:s22] =	ssyncadd.s32 @!p2 $0xFFFFC000  }
0x24b: {  	[spmem:s3] =	stream.indirect.scatter.add.f32 @!p2 [tilespmem:s20], [sflag:$0x3], $0x80, s14, s0, $0xb8;
	[tilespmem:$0x1FC40] =	vst v63  }
0x24c: {  	_ =	swait.ge @!p2 [sflag:s7], $0x4000  }
0x24d: {  	[sflag:s7] =	ssyncset.done @!p2 $0x0  }
0x24e: {  	[sflag:s7] =	ssyncadd.s32 @!p2 $0xFFFFC000;
	s7 =	rddreg [dreg:$0x5]  }
0x24f: {  	v2 =	vld @!p2 [tilespmem:s7+$0x13CC0];
	_ =	sdelay $0x6  }
0x250: {  	v3 =	vimm.f32 @!p2 $1.000000000e+00;
	s0 =	simm.s32 @!p2 $0x1C0C0  }
0x251: {  	[tilespmem:v2+s0+$0x0] =	vst.idx.add.f32.msk @!p2 $0xffff, v3  }
0x252: {  	v2 =	vld @!p2 [tilespmem:s7+$0x13CD0];
	_ =	sdelay $0x7  }
0x253: {  	[tilespmem:v2+s0+$0x0] =	vst.idx.add.f32.msk @!p2 $0xffff, v3  }
0x254: {  	v2 =	vld @!p2 [tilespmem:s7+$0x13CE0];
	_ =	sdelay $0x7  }
0x255: {  	[tilespmem:v2+s0+$0x0] =	vst.idx.add.f32.msk @!p2 $0xffff, v3  }
0x256: {  	v2 =	vld @!p2 [tilespmem:s7+$0x13CF0];
	_ =	sdelay $0x7  }
0x257: {  	[tilespmem:v2+s0+$0x0] =	vst.idx.add.f32.msk @!p2 $0xffff, v3  }
0x258: {  	v2 =	vld @!p2 [tilespmem:s7+$0x13D00];
	_ =	sdelay $0x7  }
0x259: {  	[tilespmem:v2+s0+$0x0] =	vst.idx.add.f32.msk @!p2 $0xffff, v3  }
0x25a: {  	v2 =	vld @!p2 [tilespmem:s7+$0x13D10];
	_ =	sdelay $0x7  }
0x25b: {  	[tilespmem:v2+s0+$0x0] =	vst.idx.add.f32.msk @!p2 $0xffff, v3  }
0x25c: {  	v2 =	vld @!p2 [tilespmem:s7+$0x13D20];
	_ =	sdelay $0x7  }
0x25d: {  	[tilespmem:v2+s0+$0x0] =	vst.idx.add.f32.msk @!p2 $0xffff, v3  }
0x25e: {  	v2 =	vld @!p2 [tilespmem:s7+$0x13D30];
	_ =	sdelay $0x6  }
0x25f: {  	s23 =	sadd.s32 $0x0, s5  }
0x260: {  	p3 =	sgt.u32 s23, $0xF9;
	[tilespmem:v2+s0+$0x0] =	vst.idx.add.f32.msk @!p2 $0xffff, v3  }
0x261: {  	s7 =	sshrl.u32 @!p3 s15, $0x3;
	s0 =	sshll.u32 @!p3 s5, $0x6;
	[bflag:$0x0] =	sbarrier.arrive $0xFFFF  }
0x262: {  	s14 =	sor.u32 @!p3 $0x1C03, s0;
	s0 =	simm.s32 @!p3 $0x3;
	s20 =	rddreg [dreg:$0x14]  }
0x263: {  	[hbm:s20], [sflag:s14] =	dma.local @!p3 [spmem:s7], $0x280  }
0x264: {  	s23 =	sadd.s32 $0x14000, s15;
	s22 =	simm.s32 $0x20;
	_ =	swait.ge @!p3 [sflag:s0], $0x280  }
0x265: {  	s20 =	sadd.s32 $0x2800, s20;
	s7 =	sadd.s32 $0x10, s5;
	[sflag:s0] =	ssyncset.done @!p3 $0x0  }
.LBB2_18:
0x266: {  	[sflag:s0] =	ssyncadd.s32 @!p3 $0xFFFFFD80  }
0x267: {  	p3 =	sgt.u32 s7, $0xF9;
	s7 =	smov.u32 s22;
	s22 =	sadd.s32 $0x10, s22  }
0x268: {  	p4 =	sne.s32 s22, $0x100  }
.Ltmp15:
0x269: {  	s0 =	sshll.u32 @!p3 s5, $0x6;
	s14 =	sshrl.u32 @!p3 s23, $0x3;
	(pc) =	sbr.rel @p4 .LBB2_18-.Ltmp15, $4  }
0x26a: {  	s15 =	sor.u32 @!p3 $0x1C03, s0;
	s0 =	simm.s32 @!p3 $0x3  }
0x26b: {  	[hbm:s20], [sflag:s15] =	dma.local @!p3 [spmem:s14], $0x280  }
0x26c: {  	s20 =	sadd.s32 $0x2800, s20;
	_ =	swait.ge @!p3 [sflag:s0], $0x280  }
0x26d: {  	s7 =	sadd.s32 s7, s5;
	s23 =	sadd.s32 $0x14000, s23;
	[sflag:s0] =	ssyncset.done @!p3 $0x0  }
.Ltmp16:
0x26e: {  	_ = 	snop;
	(pc) =	sbr.rel .LBB2_19-.Ltmp16, $1  }
0x26f: {  	_ =	sdelay $0x3  }
.LBB2_21:
0x270: {  	_ =	sfence.sel $0x180000  }
0x271: {  	[bflag:$0x0] =	sbarrier.arrive $0xFFFF  }
0x272: {  	_ =	strace $0x90000047  }
0x273: {  	[bflag:$0x2] =	sbarrier.arrive $0xFFFF  }
0x274: {  	s0 =	rddreg [dreg:$0x4]  }
0x275: {  	s0 =	sadd.s32 @!p0 $0x100000, s0  }
0x276: {  	[sflag:s0] =	ssyncadd.tile.s32 @!p0 $0x1;
	_ =	shalt  }
.Lfunc_end2:
_tile_overlayer_lowered:
.L_overlay_start_2:
0x277: {  	(tag) =	ssettag $0x2  }
0x278: {  	s0 =	rddreg [dreg:$0x0];
	s2 =	stileid.u32  }
0x279: {  	s1 =	rddreg [dreg:$0x1];
	p0 =	sne.s32 s2, $0x0  }
0x27a: {  	s3 =	rddreg [dreg:$0x2];
	[bflag:$0x3] =	sbarrier.arrive $0xFFFF;
	s2 =	simm.s32 @!p0 $0x1C03  }
0x27b: {  	[timem:s3], [sflag:s2] =	dma.local @!p0 [hbm:s0], s1  }
0x27c: {  	s0 =	simm.s32 @!p0 $0x3  }
0x27d: {  	_ =	swait.ge @!p0 [sflag:s0], s1  }
0x27e: {  	s1 =	ssub.s32 @!p0 $0x0, s1;
	[sflag:s0] =	ssyncset.done @!p0 $0x0  }
0x27f: {  	[sflag:s0] =	ssyncadd.s32 @!p0 s1  }
0x280: {  	[bflag:$0x3] =	sbarrier.arrive $0xFFFF  }
0x281: {  	_ =	shalt  }

</sc_bundles>
